<compile_context>
chip_gen: v7x
topology: tpu7x:2x2x1
jax: 0.10.2.dev20260603
libtpu: 0.0.44.dev20260713+nightly
codegen_flags: <defaults>
</compile_context>

<pallas_src>
import functools

import jax
import jax.numpy as jnp
from jax import lax
from jax.experimental import pallas as pl
from jax.experimental.pallas import tpu as pltpu
from jax.experimental.pallas import tpu_sc as plsc

ITEMS = 1000000
D = 64
L = 200
B = 4096
MAXN = 1.0

NC = 2
NS = 16
NW = NC * NS
BPW = B // NW
HALF = L // 2
GROUP = 10
W_STEP = 0.9 / (L - 1)


def _rsqrt_vec(ss):
    i = lax.bitcast_convert_type(ss, jnp.int32)
    i = jnp.int32(0x5F3759DF) - (i >> 1)
    y = lax.bitcast_convert_type(i, jnp.float32)
    h = jnp.float32(0.5) * ss
    y = y * (jnp.float32(1.5) - (h * y) * y)
    y = y * (jnp.float32(1.5) - (h * y) * y)
    y = y * (jnp.float32(1.5) - (h * y) * y)
    return y


_GATHER_DNUMS = lax.GatherDimensionNumbers(
    offset_dims=(), collapsed_slice_dims=(0,), start_index_map=(0,)
)


def _shuffle(q, idx2):
    return lax.gather(
        q, idx2, _GATHER_DNUMS, slice_sizes=(1,),
        mode=lax.GatherScatterMode.PROMISE_IN_BOUNDS,
    )


def _lane_sum(q, perms):
    for idx2 in perms:
        q = q + _shuffle(q, idx2)
    return q


def _pool_sc(x3, table):
    mesh = plsc.VectorSubcoreMesh(
        core_axis_name="c", subcore_axis_name="s", num_cores=NC, num_subcores=NS
    )

    @functools.partial(
        pl.kernel,
        out_type=jax.ShapeDtypeStruct((B, D), jnp.float32),
        mesh=mesh,
        compiler_params=pltpu.CompilerParams(use_tc_tiling_on_sc=False),
        scratch_types=[
            pltpu.VMEM((BPW, 2, HALF), jnp.int32),
            pltpu.VMEM((2, HALF, D), jnp.float32),
            pltpu.VMEM((BPW, D), jnp.float32),
            pltpu.SemaphoreType.DMA,
            pltpu.SemaphoreType.DMA,
        ],
    )
    def pool(x_hbm, tab_hbm, out_hbm, idx_v, rows_v, out_v, sem0, sem1):
        wid = lax.axis_index("s") * NC + lax.axis_index("c")
        base = wid * BPW
        sems = (sem0, sem1)

        pltpu.sync_copy(x_hbm.at[pl.ds(base, BPW)], idx_v)

        def gather_start(b, j, p):
            pltpu.make_async_copy(
                tab_hbm.at[idx_v.at[b, j]], rows_v.at[p], sems[p]
            ).start()

        def gather_wait(b, j, p):
            pltpu.make_async_copy(
                tab_hbm.at[idx_v.at[b, j]], rows_v.at[p], sems[p]
            ).wait()

        lanes = lax.iota(jnp.int32, 16)
        perms = tuple((lanes ^ k)[:, None] for k in (8, 4, 2, 1))
        def compute_half(p, j, acc):
            def step(it, acc):
                for u in range(GROUP):
                    l = it * GROUP + u
                    a0, a1, a2, a3 = acc
                    r0 = rows_v[p, l, pl.ds(0, 16)]
                    r1 = rows_v[p, l, pl.ds(16, 16)]
                    r2 = rows_v[p, l, pl.ds(32, 16)]
                    r3 = rows_v[p, l, pl.ds(48, 16)]
                    q = r0 * r0 + r1 * r1 + r2 * r2 + r3 * r3
                    ss = _lane_sum(q, perms)
                    y = _rsqrt_vec(ss)
                    factor = jnp.where(ss > jnp.float32(MAXN * MAXN), y, jnp.float32(1.0))
                    wl = jnp.float32(0.1) + (
                        jnp.float32(j * HALF) + l.astype(jnp.float32)
                    ) * jnp.float32(W_STEP)
                    cf = factor * wl
                    acc = (a0 + cf * r0, a1 + cf * r1, a2 + cf * r2, a3 + cf * r3)
                return acc

            return lax.fori_loop(0, HALF // GROUP, step, acc, unroll=False)

        def seq_body(b, _):
            gather_start(b, 1, 1)
            gather_wait(b, 0, 0)
            zero = jnp.zeros((16,), jnp.float32)
            acc = compute_half(0, 0, (zero, zero, zero, zero))

            @pl.when(b + 1 < BPW)
            def _():
                gather_start(b + 1, 0, 0)

            gather_wait(b, 1, 1)
            a0, a1, a2, a3 = compute_half(1, 1, acc)
            out_v[b, pl.ds(0, 16)] = a0
            out_v[b, pl.ds(16, 16)] = a1
            out_v[b, pl.ds(32, 16)] = a2
            out_v[b, pl.ds(48, 16)] = a3
            return 0

        gather_start(0, 0, 0)
        lax.fori_loop(0, BPW, seq_body, 0, unroll=False)
        pltpu.sync_copy(out_v, out_hbm.at[pl.ds(base, BPW)])

    return pool(x3, table)


def _mlp_tc(s_raw, W1, b1, W2, b2):
    def body(s_ref, w1_ref, b1_ref, w2_ref, b2_ref, o_ref):
        s = s_ref[...]
        ss = jnp.sum(s * s, axis=-1, keepdims=True)
        s = s * jax.lax.rsqrt(jnp.maximum(ss, jnp.float32(1e-24)))
        h = jnp.tanh(
            lax.dot_general(
                s, w1_ref[...], (((1,), (1,)), ((), ())),
                preferred_element_type=jnp.float32,
            )
            + b1_ref[...]
        )
        o = jnp.tanh(
            lax.dot_general(
                h, w2_ref[...], (((1,), (1,)), ((), ())),
                preferred_element_type=jnp.float32,
            )
            + b2_ref[...]
        )
        o_ref[...] = o

    return pl.pallas_call(
        body,
        out_shape=jax.ShapeDtypeStruct((B, D), jnp.float32),
    )(s_raw, W1, b1, W2, b2)


def kernel(x, table, W1, b1, W2, b2):
    x3 = x.astype(jnp.int32).reshape(B, 2, HALF)
    s_raw = _pool_sc(x3, table)
    return _mlp_tc(s_raw, W1, b1, W2, b2)

# --- scband reference (transcript-rebuilt; emitter-appended) ---
"""Pipeline reference for scband-weighted-pool-53910429499641 (READ-ONLY COPY).

The authoritative reference and input builder live on the scoring server;
editing this copy changes nothing except your own understanding.
"""

import jax, jax.numpy as jnp
import numpy as np

ITEMS = 1000000
D = 64
L = 200
B = 4096
MAXN = 1.0

def setup_inputs(seed: int = 0) -> dict:
    key = jax.random.key(seed)
    ks = jax.random.split(key, 6)
    x = jax.random.randint(ks[0], (B, L), 0, ITEMS)
    table = jax.random.normal(ks[1], (ITEMS, D), dtype=jnp.float32)
    table = table.at[0].set(0.0)  # padding_idx=0
    W1 = jax.random.normal(ks[2], (D, D), dtype=jnp.float32) * (1.0 / np.sqrt(D))
    b1 = jnp.zeros((D,), dtype=jnp.float32)
    W2 = jax.random.normal(ks[3], (D, D), dtype=jnp.float32) * (1.0 / np.sqrt(D))
    b2 = jnp.zeros((D,), dtype=jnp.float32)
    return {"x": x, "table": table, "W1": W1, "b1": b1, "W2": W2, "b2": b2}

def reference(x, table, W1, b1, W2, b2):
    # nn.Embedding with max_norm: gathered rows renormed to max_norm if exceeded
    emb = jnp.take(table, x, axis=0)  # [B, L, D]
    n = jnp.linalg.norm(emb, axis=-1, keepdims=True)
    emb = emb * jnp.where(n > MAXN, MAXN / (n + 1e-7), 1.0)
    # torch.matmul(weight[L], s_z[B, L, D]) -> [B, D]
    w = jnp.linspace(0.1, 1.0, L, dtype=jnp.float32)
    s = jnp.einsum('l,bld->bd', w, emb)
    # F.normalize(p=2, dim=-1)
    s = s / jnp.maximum(jnp.linalg.norm(s, axis=-1, keepdims=True), 1e-12)
    s = jnp.tanh(s @ W1.T + b1)
    s = jnp.tanh(s @ W2.T + b2)
    return s

if __name__ == "__main__":
    import jax
    _d = setup_inputs()
    print(jax.jit(kernel)(*tuple(_d.values())))

</pallas_src>

<mosaic_0001>
#map = affine_map<(d0, d1) -> (0, 0, 0)>
#map1 = affine_map<(d0, d1) -> (0, 0)>
module attributes {stable_mosaic.version = 14 : i64} {
  func.func @pool(%arg0: i32, %arg1: i32, %arg2: memref<4096x2x100xi32, #tpu.memory_space<hbm>>, %arg3: memref<1000000x64xf32, #tpu.memory_space<hbm>>, %arg4: memref<4096x64xf32, #tpu.memory_space<hbm>>, %arg5: memref<128x2x100xi32, #tpu.memory_space<vmem>>, %arg6: memref<2x100x64xf32, #tpu.memory_space<vmem>>, %arg7: memref<128x64xf32, #tpu.memory_space<vmem>>, %arg8: memref<!tpu.dma_semaphore, #tpu.memory_space<semaphore_mem>>, %arg9: memref<!tpu.dma_semaphore, #tpu.memory_space<semaphore_mem>>) attributes {dimension_semantics = [#tpu.dimension_semantics<core_parallel>, #tpu.dimension_semantics<subcore_parallel>], iteration_bounds = array<i64: 2, 16>, scalar_prefetch = 0 : i64, scratch_operands = 5 : i64, tpu.core_type = #tpu.core_type<sc_vector_subcore>, window_params = [{transform_indices = #map}, {transform_indices = #map1}, {transform_indices = #map1}]} {
    %mul3A = arith.constant 2 : i32
    %mul3A_0 = arith.muli %arg1, %mul3A : i32
    %add3A = arith.addi %mul3A_0, %arg0 : i32
    %mul3A_1 = arith.constant 128 : i32
    %mul3A_2 = arith.muli %add3A, %mul3A_1 : i32
    "tpu.region"() ({
      %run_scoped3A = tpu.sem_alloc : memref<!tpu.dma_semaphore, #tpu.memory_space<semaphore_mem>>
      %dma_start3A_35 = arith.constant 0 : i32
      %dma_start3A_36 = arith.constant 0 : i32
      %dma_start3A_37 = tpu.memref_slice %arg2[%mul3A_2, %dma_start3A_35, %dma_start3A_36] : memref<4096x2x100xi32, #tpu.memory_space<hbm>> -> memref<128x2x100xi32, #tpu.memory_space<hbm>>
      %dma_start3A_38 = arith.constant 0 : i32
      %dma_start3A_39 = arith.constant 0 : i32
      %dma_start3A_40 = tpu.memref_slice %arg2[%mul3A_2, %dma_start3A_38, %dma_start3A_39] : memref<4096x2x100xi32, #tpu.memory_space<hbm>> -> memref<128x2x100xi32, #tpu.memory_space<hbm>>
      tpu.enqueue_dma source(%dma_start3A_40 : memref<128x2x100xi32, #tpu.memory_space<hbm>>) target(%arg5 : memref<128x2x100xi32, #tpu.memory_space<vmem>>) target_semaphore(%run_scoped3A : memref<!tpu.dma_semaphore, #tpu.memory_space<semaphore_mem>>)
      %dma_wait3A = arith.constant 0 : i32
      %dma_wait3A_41 = arith.constant 0 : i32
      %dma_wait3A_42 = tpu.memref_slice %arg2[%mul3A_2, %dma_wait3A, %dma_wait3A_41] : memref<4096x2x100xi32, #tpu.memory_space<hbm>> -> memref<128x2x100xi32, #tpu.memory_space<hbm>>
      %dma_wait3A_43 = arith.constant 0 : i32
      %dma_wait3A_44 = arith.constant 0 : i32
      %dma_wait3A_45 = tpu.memref_slice %arg2[%mul3A_2, %dma_wait3A_43, %dma_wait3A_44] : memref<4096x2x100xi32, #tpu.memory_space<hbm>> -> memref<128x2x100xi32, #tpu.memory_space<hbm>>
      tpu.wait_dma2 semaphore(%run_scoped3A : memref<!tpu.dma_semaphore, #tpu.memory_space<semaphore_mem>>) src(%dma_wait3A_45 : memref<128x2x100xi32, #tpu.memory_space<hbm>>) dst(%arg5 : memref<128x2x100xi32, #tpu.memory_space<vmem>>)
      tpu.yield
    }) : () -> ()
    %iota3A = tpu.iota {dimensions = array<i32: 0>} : vector<16xi32>
    %xor3A = arith.constant 8 : i32
    %xor3A_3 = vector.broadcast %xor3A : i32 to vector<16xi32>
    %xor3A_4 = arith.xori %iota3A, %xor3A_3 : vector<16xi32>
    %broadcast_in_dim3A = vector.shape_cast %xor3A_4 : vector<16xi32> to vector<16x1xi32>
    %xor3A_5 = arith.constant 4 : i32
    %xor3A_6 = vector.broadcast %xor3A_5 : i32 to vector<16xi32>
    %xor3A_7 = arith.xori %iota3A, %xor3A_6 : vector<16xi32>
    %broadcast_in_dim3A_8 = vector.shape_cast %xor3A_7 : vector<16xi32> to vector<16x1xi32>
    %xor3A_9 = arith.constant 2 : i32
    %xor3A_10 = vector.broadcast %xor3A_9 : i32 to vector<16xi32>
    %xor3A_11 = arith.xori %iota3A, %xor3A_10 : vector<16xi32>
    %broadcast_in_dim3A_12 = vector.shape_cast %xor3A_11 : vector<16xi32> to vector<16x1xi32>
    %xor3A_13 = arith.constant 1 : i32
    %xor3A_14 = vector.broadcast %xor3A_13 : i32 to vector<16xi32>
    %xor3A_15 = arith.xori %iota3A, %xor3A_14 : vector<16xi32>
    %broadcast_in_dim3A_16 = vector.shape_cast %xor3A_15 : vector<16xi32> to vector<16x1xi32>
    %dma_start3A = arith.constant 0 : i32
    %dma_start3A_17 = arith.constant 0 : i32
    %dma_start3A_18 = arith.constant 0 : i32
    %dma_start3A_19 = arith.constant 0 : i32
    %dma_start3A_20 = arith.constant 0 : i32
    %dma_start3A_21 = tpu.memref_slice %arg6[%dma_start3A_18, %dma_start3A_19, %dma_start3A_20] : memref<2x100x64xf32, #tpu.memory_space<vmem>> -> memref<1x100x64xf32, #tpu.memory_space<vmem>>
    %dma_start3A_22 = tpu.memref_squeeze %dma_start3A_21 : memref<1x100x64xf32, #tpu.memory_space<vmem>> -> memref<100x64xf32, #tpu.memory_space<vmem>>
    %dma_start3A_23 = arith.constant 0 : i32
    %dma_start3A_24 = tpu.memref_slice %arg5[%dma_start3A, %dma_start3A_17, %dma_start3A_23] : memref<128x2x100xi32, #tpu.memory_space<vmem>> -> memref<1x1x100xi32, #tpu.memory_space<vmem>>
    %dma_start3A_25 = tpu.memref_squeeze %dma_start3A_24 : memref<1x1x100xi32, #tpu.memory_space<vmem>> -> memref<100xi32, #tpu.memory_space<vmem>>
    %dma_start3A_26 = arith.constant 0 : i32
    %dma_start3A_27 = arith.constant 0 : i32
    %dma_start3A_28 = tpu.memref_slice %arg3[%dma_start3A_26, %dma_start3A_27] : memref<1000000x64xf32, #tpu.memory_space<hbm>> -> memref<1000000x64xf32, #tpu.memory_space<hbm>>
    tpu.enqueue_indirect_dma source(%dma_start3A_28 : memref<1000000x64xf32, #tpu.memory_space<hbm>>) target(%dma_start3A_22 : memref<100x64xf32, #tpu.memory_space<vmem>>) offsets(%dma_start3A_25 : memref<100xi32, #tpu.memory_space<vmem>>) semaphore(%arg8 : memref<!tpu.dma_semaphore, #tpu.memory_space<semaphore_mem>>)
    %scan3A = arith.constant 0 : i32
    %scan3A_29 = arith.constant 0 : i32
    %scan3A_30 = arith.constant 128 : i32
    %scan3A_31 = arith.addi %scan3A_29, %scan3A_30 : i32
    %scan3A_32 = arith.constant 1 : i32
    %scan3A_33 = scf.for %scan3A_35 = %scan3A_29 to %scan3A_31 step %scan3A_32 iter_args(%scan3A_36 = %scan3A) -> (i32)  : i32 {
      %dma_start3A_37 = arith.constant 1 : i32
      %dma_start3A_38 = arith.constant 1 : i32
      %dma_start3A_39 = arith.constant 0 : i32
      %dma_start3A_40 = arith.constant 0 : i32
      %dma_start3A_41 = tpu.memref_slice %arg6[%dma_start3A_38, %dma_start3A_39, %dma_start3A_40] : memref<2x100x64xf32, #tpu.memory_space<vmem>> -> memref<1x100x64xf32, #tpu.memory_space<vmem>>
      %dma_start3A_42 = tpu.memref_squeeze %dma_start3A_41 : memref<1x100x64xf32, #tpu.memory_space<vmem>> -> memref<100x64xf32, #tpu.memory_space<vmem>>
      %dma_start3A_43 = arith.constant 0 : i32
      %dma_start3A_44 = tpu.memref_slice %arg5[%scan3A_35, %dma_start3A_37, %dma_start3A_43] : memref<128x2x100xi32, #tpu.memory_space<vmem>> -> memref<1x1x100xi32, #tpu.memory_space<vmem>>
      %dma_start3A_45 = tpu.memref_squeeze %dma_start3A_44 : memref<1x1x100xi32, #tpu.memory_space<vmem>> -> memref<100xi32, #tpu.memory_space<vmem>>
      %dma_start3A_46 = arith.constant 0 : i32
      %dma_start3A_47 = arith.constant 0 : i32
      %dma_start3A_48 = tpu.memref_slice %arg3[%dma_start3A_46, %dma_start3A_47] : memref<1000000x64xf32, #tpu.memory_space<hbm>> -> memref<1000000x64xf32, #tpu.memory_space<hbm>>
      tpu.enqueue_indirect_dma source(%dma_start3A_48 : memref<1000000x64xf32, #tpu.memory_space<hbm>>) target(%dma_start3A_42 : memref<100x64xf32, #tpu.memory_space<vmem>>) offsets(%dma_start3A_45 : memref<100xi32, #tpu.memory_space<vmem>>) semaphore(%arg9 : memref<!tpu.dma_semaphore, #tpu.memory_space<semaphore_mem>>)
      %dma_wait3A = arith.constant 0 : i32
      %dma_wait3A_49 = arith.constant 0 : i32
      %dma_wait3A_50 = arith.constant 0 : i32
      %dma_wait3A_51 = arith.constant 0 : i32
      %dma_wait3A_52 = tpu.memref_slice %arg6[%dma_wait3A_49, %dma_wait3A_50, %dma_wait3A_51] : memref<2x100x64xf32, #tpu.memory_space<vmem>> -> memref<1x100x64xf32, #tpu.memory_space<vmem>>
      %dma_wait3A_53 = tpu.memref_squeeze %dma_wait3A_52 : memref<1x100x64xf32, #tpu.memory_space<vmem>> -> memref<100x64xf32, #tpu.memory_space<vmem>>
      %dma_wait3A_54 = arith.constant 0 : i32
      %dma_wait3A_55 = tpu.memref_slice %arg5[%scan3A_35, %dma_wait3A, %dma_wait3A_54] : memref<128x2x100xi32, #tpu.memory_space<vmem>> -> memref<1x1x100xi32, #tpu.memory_space<vmem>>
      %dma_wait3A_56 = tpu.memref_squeeze %dma_wait3A_55 : memref<1x1x100xi32, #tpu.memory_space<vmem>> -> memref<100xi32, #tpu.memory_space<vmem>>
      %dma_wait3A_57 = arith.constant 0 : i32
      %dma_wait3A_58 = arith.constant 0 : i32
      %dma_wait3A_59 = tpu.memref_slice %arg3[%dma_wait3A_57, %dma_wait3A_58] : memref<1000000x64xf32, #tpu.memory_space<hbm>> -> memref<1000000x64xf32, #tpu.memory_space<hbm>>
      tpu.wait_indirect_dma semaphore(%arg8 : memref<!tpu.dma_semaphore, #tpu.memory_space<semaphore_mem>>) src(%dma_wait3A_59 : memref<1000000x64xf32, #tpu.memory_space<hbm>>) dst(%dma_wait3A_53 : memref<100x64xf32, #tpu.memory_space<vmem>>)
      %broadcast_in_dim3A_60 = arith.constant 0.000000e+00 : f32
      %broadcast_in_dim3A_61 = vector.broadcast %broadcast_in_dim3A_60 : f32 to vector<16xf32>
      %scan3A_62 = arith.constant 0 : i32
      %scan3A_63 = arith.constant 10 : i32
      %scan3A_64 = arith.addi %scan3A_62, %scan3A_63 : i32
      %scan3A_65 = arith.constant 1 : i32
      %scan3A_66:4 = scf.for %scan3A_110 = %scan3A_62 to %scan3A_64 step %scan3A_65 iter_args(%scan3A_111 = %broadcast_in_dim3A_61, %scan3A_112 = %broadcast_in_dim3A_61, %scan3A_113 = %broadcast_in_dim3A_61, %scan3A_114 = %broadcast_in_dim3A_61) -> (vector<16xf32>, vector<16xf32>, vector<16xf32>, vector<16xf32>)  : i32 {
        %mul3A_115 = arith.constant 10 : i32
        %mul3A_116 = arith.muli %scan3A_110, %mul3A_115 : i32
        %add3A_117 = arith.constant 0 : i32
        %add3A_118 = arith.addi %mul3A_116, %add3A_117 : i32
        %get3A = arith.constant 0 : i32
        %get3A_119 = arith.index_cast %get3A : i32 to index
        %get3A_120 = arith.index_cast %add3A_118 : i32 to index
        %get3A_121 = arith.constant 0 : index
        %get3A_122 = tpu.vector_load %arg6[%get3A_119, %get3A_120, %get3A_121] {strides = array<i32>} : memref<2x100x64xf32, #tpu.memory_space<vmem>>, vector<1x1x16xf32>,
        %get3A_123 = vector.shape_cast %get3A_122 : vector<1x1x16xf32> to vector<16xf32>
        %get3A_124 = arith.constant 0 : i32
        %get3A_125 = arith.index_cast %get3A_124 : i32 to index
        %get3A_126 = arith.index_cast %add3A_118 : i32 to index
        %get3A_127 = arith.constant 16 : index
        %get3A_128 = tpu.vector_load %arg6[%get3A_125, %get3A_126, %get3A_127] {strides = array<i32>} : memref<2x100x64xf32, #tpu.memory_space<vmem>>, vector<1x1x16xf32>,
        %get3A_129 = vector.shape_cast %get3A_128 : vector<1x1x16xf32> to vector<16xf32>
        %get3A_130 = arith.constant 0 : i32
        %get3A_131 = arith.index_cast %get3A_130 : i32 to index
        %get3A_132 = arith.index_cast %add3A_118 : i32 to index
        %get3A_133 = arith.constant 32 : index
        %get3A_134 = tpu.vector_load %arg6[%get3A_131, %get3A_132, %get3A_133] {strides = array<i32>} : memref<2x100x64xf32, #tpu.memory_space<vmem>>, vector<1x1x16xf32>,
        %get3A_135 = vector.shape_cast %get3A_134 : vector<1x1x16xf32> to vector<16xf32>
        %get3A_136 = arith.constant 0 : i32
        %get3A_137 = arith.index_cast %get3A_136 : i32 to index
        %get3A_138 = arith.index_cast %add3A_118 : i32 to index
        %get3A_139 = arith.constant 48 : index
        %get3A_140 = tpu.vector_load %arg6[%get3A_137, %get3A_138, %get3A_139] {strides = array<i32>} : memref<2x100x64xf32, #tpu.memory_space<vmem>>, vector<1x1x16xf32>,
        %get3A_141 = vector.shape_cast %get3A_140 : vector<1x1x16xf32> to vector<16xf32>
        %mul3A_142 = arith.mulf %get3A_123, %get3A_123 : vector<16xf32>
        %mul3A_143 = arith.mulf %get3A_129, %get3A_129 : vector<16xf32>
        %add3A_144 = arith.addf %mul3A_142, %mul3A_143 : vector<16xf32>
        %mul3A_145 = arith.mulf %get3A_135, %get3A_135 : vector<16xf32>
        %add3A_146 = arith.addf %add3A_144, %mul3A_145 : vector<16xf32>
        %mul3A_147 = arith.mulf %get3A_141, %get3A_141 : vector<16xf32>
        %add3A_148 = arith.addf %add3A_146, %mul3A_147 : vector<16xf32>
        %gather3A = vector.shape_cast %broadcast_in_dim3A : vector<16x1xi32> to vector<16xi32>
        %gather3A_149 = tpu.dynamic_gather %add3A_148[%gather3A] in [0] : vector<16xf32>, vector<16xi32> -> vector<16xf32>
        %add3A_150 = arith.addf %add3A_148, %gather3A_149 : vector<16xf32>
        %gather3A_151 = vector.shape_cast %broadcast_in_dim3A_8 : vector<16x1xi32> to vector<16xi32>
        %gather3A_152 = tpu.dynamic_gather %add3A_150[%gather3A_151] in [0] : vector<16xf32>, vector<16xi32> -> vector<16xf32>
        %add3A_153 = arith.addf %add3A_150, %gather3A_152 : vector<16xf32>
        %gather3A_154 = vector.shape_cast %broadcast_in_dim3A_12 : vector<16x1xi32> to vector<16xi32>
        %gather3A_155 = tpu.dynamic_gather %add3A_153[%gather3A_154] in [0] : vector<16xf32>, vector<16xi32> -> vector<16xf32>
        %add3A_156 = arith.addf %add3A_153, %gather3A_155 : vector<16xf32>
        %gather3A_157 = vector.shape_cast %broadcast_in_dim3A_16 : vector<16x1xi32> to vector<16xi32>
        %gather3A_158 = tpu.dynamic_gather %add3A_156[%gather3A_157] in [0] : vector<16xf32>, vector<16xi32> -> vector<16xf32>
        %add3A_159 = arith.addf %add3A_156, %gather3A_158 : vector<16xf32>
        %bitcast_convert_type3A = tpu.bitcast %add3A_159 : vector<16xf32> -> vector<16xi32>
        %shift_right_arithmetic3A = arith.constant 1 : i32
        %shift_right_arithmetic3A_160 = vector.broadcast %shift_right_arithmetic3A : i32 to vector<16xi32>
        %shift_right_arithmetic3A_161 = arith.shrsi %bitcast_convert_type3A, %shift_right_arithmetic3A_160 : vector<16xi32>
        %sub3A = arith.constant 1597463007 : i32
        %sub3A_162 = vector.broadcast %sub3A : i32 to vector<16xi32>
        %sub3A_163 = arith.subi %sub3A_162, %shift_right_arithmetic3A_161 : vector<16xi32>
        %bitcast_convert_type3A_164 = tpu.bitcast %sub3A_163 : vector<16xi32> -> vector<16xf32>
        %mul3A_165 = arith.constant 5.000000e-01 : f32
        %mul3A_166 = vector.broadcast %mul3A_165 : f32 to vector<16xf32>
        %mul3A_167 = arith.mulf %mul3A_166, %add3A_159 : vector<16xf32>
        %mul3A_168 = arith.mulf %mul3A_167, %bitcast_convert_type3A_164 : vector<16xf32>
        %mul3A_169 = arith.mulf %mul3A_168, %bitcast_convert_type3A_164 : vector<16xf32>
        %sub3A_170 = arith.constant 1.500000e+00 : f32
        %sub3A_171 = vector.broadcast %sub3A_170 : f32 to vector<16xf32>
        %sub3A_172 = arith.subf %sub3A_171, %mul3A_169 : vector<16xf32>
        %mul3A_173 = arith.mulf %bitcast_convert_type3A_164, %sub3A_172 : vector<16xf32>
        %mul3A_174 = arith.mulf %mul3A_167, %mul3A_173 : vector<16xf32>
        %mul3A_175 = arith.mulf %mul3A_174, %mul3A_173 : vector<16xf32>
        %sub3A_176 = arith.constant 1.500000e+00 : f32
        %sub3A_177 = vector.broadcast %sub3A_176 : f32 to vector<16xf32>
        %sub3A_178 = arith.subf %sub3A_177, %mul3A_175 : vector<16xf32>
        %mul3A_179 = arith.mulf %mul3A_173, %sub3A_178 : vector<16xf32>
        %mul3A_180 = arith.mulf %mul3A_167, %mul3A_179 : vector<16xf32>
        %mul3A_181 = arith.mulf %mul3A_180, %mul3A_179 : vector<16xf32>
        %sub3A_182 = arith.constant 1.500000e+00 : f32
        %sub3A_183 = vector.broadcast %sub3A_182 : f32 to vector<16xf32>
        %sub3A_184 = arith.subf %sub3A_183, %mul3A_181 : vector<16xf32>
        %mul3A_185 = arith.mulf %mul3A_179, %sub3A_184 : vector<16xf32>
        %gt3A = arith.constant 1.000000e+00 : f32
        %gt3A_186 = vector.broadcast %gt3A : f32 to vector<16xf32>
        %gt3A_187 = arith.cmpf ogt, %add3A_159, %gt3A_186 : vector<16xf32>
        %jit3A = arith.constant 1.000000e+00 : f32
        %broadcast_in_dim3A_188 = vector.broadcast %jit3A : f32 to vector<16xf32>
        %select_n3A = arith.select %gt3A_187, %mul3A_185, %broadcast_in_dim3A_188 : vector<16xi1>, vector<16xf32>
        %convert_element_type3A_189 = arith.sitofp %add3A_118 : i32 to f32
        %add3A_190 = arith.constant 0.000000e+00 : f32
        %add3A_191 = arith.addf %add3A_190, %convert_element_type3A_189 : f32
        %mul3A_192 = arith.constant 0.00452261325 : f32
        %mul3A_193 = arith.mulf %add3A_191, %mul3A_192 : f32
        %add3A_194 = arith.constant 1.000000e-01 : f32
        %add3A_195 = arith.addf %add3A_194, %mul3A_193 : f32
        %mul3A_196 = vector.broadcast %add3A_195 : f32 to vector<16xf32>
        %mul3A_197 = arith.mulf %select_n3A, %mul3A_196 : vector<16xf32>
        %mul3A_198 = arith.mulf %mul3A_197, %get3A_123 : vector<16xf32>
        %add3A_199 = arith.addf %scan3A_111, %mul3A_198 : vector<16xf32>
        %mul3A_200 = arith.mulf %mul3A_197, %get3A_129 : vector<16xf32>
        %add3A_201 = arith.addf %scan3A_112, %mul3A_200 : vector<16xf32>
        %mul3A_202 = arith.mulf %mul3A_197, %get3A_135 : vector<16xf32>
        %add3A_203 = arith.addf %scan3A_113, %mul3A_202 : vector<16xf32>
        %mul3A_204 = arith.mulf %mul3A_197, %get3A_141 : vector<16xf32>
        %add3A_205 = arith.addf %scan3A_114, %mul3A_204 : vector<16xf32>
        %mul3A_206 = arith.constant 10 : i32
        %mul3A_207 = arith.muli %scan3A_110, %mul3A_206 : i32
        %add3A_208 = arith.constant 1 : i32
        %add3A_209 = arith.addi %mul3A_207, %add3A_208 : i32
        %get3A_210 = arith.constant 0 : i32
        %get3A_211 = arith.index_cast %get3A_210 : i32 to index
        %get3A_212 = arith.index_cast %add3A_209 : i32 to index
        %get3A_213 = arith.constant 0 : index
        %get3A_214 = tpu.vector_load %arg6[%get3A_211, %get3A_212, %get3A_213] {strides = array<i32>} : memref<2x100x64xf32, #tpu.memory_space<vmem>>, vector<1x1x16xf32>,
        %get3A_215 = vector.shape_cast %get3A_214 : vector<1x1x16xf32> to vector<16xf32>
        %get3A_216 = arith.constant 0 : i32
        %get3A_217 = arith.index_cast %get3A_216 : i32 to index
        %get3A_218 = arith.index_cast %add3A_209 : i32 to index
        %get3A_219 = arith.constant 16 : index
        %get3A_220 = tpu.vector_load %arg6[%get3A_217, %get3A_218, %get3A_219] {strides = array<i32>} : memref<2x100x64xf32, #tpu.memory_space<vmem>>, vector<1x1x16xf32>,
        %get3A_221 = vector.shape_cast %get3A_220 : vector<1x1x16xf32> to vector<16xf32>
        %get3A_222 = arith.constant 0 : i32
        %get3A_223 = arith.index_cast %get3A_222 : i32 to index
        %get3A_224 = arith.index_cast %add3A_209 : i32 to index
        %get3A_225 = arith.constant 32 : index
        %get3A_226 = tpu.vector_load %arg6[%get3A_223, %get3A_224, %get3A_225] {strides = array<i32>} : memref<2x100x64xf32, #tpu.memory_space<vmem>>, vector<1x1x16xf32>,
        %get3A_227 = vector.shape_cast %get3A_226 : vector<1x1x16xf32> to vector<16xf32>
        %get3A_228 = arith.constant 0 : i32
        %get3A_229 = arith.index_cast %get3A_228 : i32 to index
        %get3A_230 = arith.index_cast %add3A_209 : i32 to index
        %get3A_231 = arith.constant 48 : index
        %get3A_232 = tpu.vector_load %arg6[%get3A_229, %get3A_230, %get3A_231] {strides = array<i32>} : memref<2x100x64xf32, #tpu.memory_space<vmem>>, vector<1x1x16xf32>,
        %get3A_233 = vector.shape_cast %get3A_232 : vector<1x1x16xf32> to vector<16xf32>
        %mul3A_234 = arith.mulf %get3A_215, %get3A_215 : vector<16xf32>
        %mul3A_235 = arith.mulf %get3A_221, %get3A_221 : vector<16xf32>
        %add3A_236 = arith.addf %mul3A_234, %mul3A_235 : vector<16xf32>
        %mul3A_237 = arith.mulf %get3A_227, %get3A_227 : vector<16xf32>
        %add3A_238 = arith.addf %add3A_236, %mul3A_237 : vector<16xf32>
        %mul3A_239 = arith.mulf %get3A_233, %get3A_233 : vector<16xf32>
        %add3A_240 = arith.addf %add3A_238, %mul3A_239 : vector<16xf32>
        %gather3A_241 = vector.shape_cast %broadcast_in_dim3A : vector<16x1xi32> to vector<16xi32>
        %gather3A_242 = tpu.dynamic_gather %add3A_240[%gather3A_241] in [0] : vector<16xf32>, vector<16xi32> -> vector<16xf32>
        %add3A_243 = arith.addf %add3A_240, %gather3A_242 : vector<16xf32>
        %gather3A_244 = vector.shape_cast %broadcast_in_dim3A_8 : vector<16x1xi32> to vector<16xi32>
        %gather3A_245 = tpu.dynamic_gather %add3A_243[%gather3A_244] in [0] : vector<16xf32>, vector<16xi32> -> vector<16xf32>
        %add3A_246 = arith.addf %add3A_243, %gather3A_245 : vector<16xf32>
        %gather3A_247 = vector.shape_cast %broadcast_in_dim3A_12 : vector<16x1xi32> to vector<16xi32>
        %gather3A_248 = tpu.dynamic_gather %add3A_246[%gather3A_247] in [0] : vector<16xf32>, vector<16xi32> -> vector<16xf32>
        %add3A_249 = arith.addf %add3A_246, %gather3A_248 : vector<16xf32>
        %gather3A_250 = vector.shape_cast %broadcast_in_dim3A_16 : vector<16x1xi32> to vector<16xi32>
        %gather3A_251 = tpu.dynamic_gather %add3A_249[%gather3A_250] in [0] : vector<16xf32>, vector<16xi32> -> vector<16xf32>
        %add3A_252 = arith.addf %add3A_249, %gather3A_251 : vector<16xf32>
        %bitcast_convert_type3A_253 = tpu.bitcast %add3A_252 : vector<16xf32> -> vector<16xi32>
        %shift_right_arithmetic3A_254 = arith.constant 1 : i32
        %shift_right_arithmetic3A_255 = vector.broadcast %shift_right_arithmetic3A_254 : i32 to vector<16xi32>
        %shift_right_arithmetic3A_256 = arith.shrsi %bitcast_convert_type3A_253, %shift_right_arithmetic3A_255 : vector<16xi32>
        %sub3A_257 = arith.constant 1597463007 : i32
        %sub3A_258 = vector.broadcast %sub3A_257 : i32 to vector<16xi32>
        %sub3A_259 = arith.subi %sub3A_258, %shift_right_arithmetic3A_256 : vector<16xi32>
        %bitcast_convert_type3A_260 = tpu.bitcast %sub3A_259 : vector<16xi32> -> vector<16xf32>
        %mul3A_261 = arith.constant 5.000000e-01 : f32
        %mul3A_262 = vector.broadcast %mul3A_261 : f32 to vector<16xf32>
        %mul3A_263 = arith.mulf %mul3A_262, %add3A_252 : vector<16xf32>
        %mul3A_264 = arith.mulf %mul3A_263, %bitcast_convert_type3A_260 : vector<16xf32>
        %mul3A_265 = arith.mulf %mul3A_264, %bitcast_convert_type3A_260 : vector<16xf32>
        %sub3A_266 = arith.constant 1.500000e+00 : f32
        %sub3A_267 = vector.broadcast %sub3A_266 : f32 to vector<16xf32>
        %sub3A_268 = arith.subf %sub3A_267, %mul3A_265 : vector<16xf32>
        %mul3A_269 = arith.mulf %bitcast_convert_type3A_260, %sub3A_268 : vector<16xf32>
        %mul3A_270 = arith.mulf %mul3A_263, %mul3A_269 : vector<16xf32>
        %mul3A_271 = arith.mulf %mul3A_270, %mul3A_269 : vector<16xf32>
        %sub3A_272 = arith.constant 1.500000e+00 : f32
        %sub3A_273 = vector.broadcast %sub3A_272 : f32 to vector<16xf32>
        %sub3A_274 = arith.subf %sub3A_273, %mul3A_271 : vector<16xf32>
        %mul3A_275 = arith.mulf %mul3A_269, %sub3A_274 : vector<16xf32>
        %mul3A_276 = arith.mulf %mul3A_263, %mul3A_275 : vector<16xf32>
        %mul3A_277 = arith.mulf %mul3A_276, %mul3A_275 : vector<16xf32>
        %sub3A_278 = arith.constant 1.500000e+00 : f32
        %sub3A_279 = vector.broadcast %sub3A_278 : f32 to vector<16xf32>
        %sub3A_280 = arith.subf %sub3A_279, %mul3A_277 : vector<16xf32>
        %mul3A_281 = arith.mulf %mul3A_275, %sub3A_280 : vector<16xf32>
        %gt3A_282 = arith.constant 1.000000e+00 : f32
        %gt3A_283 = vector.broadcast %gt3A_282 : f32 to vector<16xf32>
        %gt3A_284 = arith.cmpf ogt, %add3A_252, %gt3A_283 : vector<16xf32>
        %jit3A_285 = arith.constant 1.000000e+00 : f32
        %broadcast_in_dim3A_286 = vector.broadcast %jit3A_285 : f32 to vector<16xf32>
        %select_n3A_287 = arith.select %gt3A_284, %mul3A_281, %broadcast_in_dim3A_286 : vector<16xi1>, vector<16xf32>
        %convert_element_type3A_288 = arith.sitofp %add3A_209 : i32 to f32
        %add3A_289 = arith.constant 0.000000e+00 : f32
        %add3A_290 = arith.addf %add3A_289, %convert_element_type3A_288 : f32
        %mul3A_291 = arith.constant 0.00452261325 : f32
        %mul3A_292 = arith.mulf %add3A_290, %mul3A_291 : f32
        %add3A_293 = arith.constant 1.000000e-01 : f32
        %add3A_294 = arith.addf %add3A_293, %mul3A_292 : f32
        %mul3A_295 = vector.broadcast %add3A_294 : f32 to vector<16xf32>
        %mul3A_296 = arith.mulf %select_n3A_287, %mul3A_295 : vector<16xf32>
        %mul3A_297 = arith.mulf %mul3A_296, %get3A_215 : vector<16xf32>
        %add3A_298 = arith.addf %add3A_199, %mul3A_297 : vector<16xf32>
        %mul3A_299 = arith.mulf %mul3A_296, %get3A_221 : vector<16xf32>
        %add3A_300 = arith.addf %add3A_201, %mul3A_299 : vector<16xf32>
        %mul3A_301 = arith.mulf %mul3A_296, %get3A_227 : vector<16xf32>
        %add3A_302 = arith.addf %add3A_203, %mul3A_301 : vector<16xf32>
        %mul3A_303 = arith.mulf %mul3A_296, %get3A_233 : vector<16xf32>
        %add3A_304 = arith.addf %add3A_205, %mul3A_303 : vector<16xf32>
        %mul3A_305 = arith.constant 10 : i32
        %mul3A_306 = arith.muli %scan3A_110, %mul3A_305 : i32
        %add3A_307 = arith.constant 2 : i32
        %add3A_308 = arith.addi %mul3A_306, %add3A_307 : i32
        %get3A_309 = arith.constant 0 : i32
        %get3A_310 = arith.index_cast %get3A_309 : i32 to index
        %get3A_311 = arith.index_cast %add3A_308 : i32 to index
        %get3A_312 = arith.constant 0 : index
        %get3A_313 = tpu.vector_load %arg6[%get3A_310, %get3A_311, %get3A_312] {strides = array<i32>} : memref<2x100x64xf32, #tpu.memory_space<vmem>>, vector<1x1x16xf32>,
        %get3A_314 = vector.shape_cast %get3A_313 : vector<1x1x16xf32> to vector<16xf32>
        %get3A_315 = arith.constant 0 : i32
        %get3A_316 = arith.index_cast %get3A_315 : i32 to index
        %get3A_317 = arith.index_cast %add3A_308 : i32 to index
        %get3A_318 = arith.constant 16 : index
        %get3A_319 = tpu.vector_load %arg6[%get3A_316, %get3A_317, %get3A_318] {strides = array<i32>} : memref<2x100x64xf32, #tpu.memory_space<vmem>>, vector<1x1x16xf32>,
        %get3A_320 = vector.shape_cast %get3A_319 : vector<1x1x16xf32> to vector<16xf32>
        %get3A_321 = arith.constant 0 : i32
        %get3A_322 = arith.index_cast %get3A_321 : i32 to index
        %get3A_323 = arith.index_cast %add3A_308 : i32 to index
        %get3A_324 = arith.constant 32 : index
        %get3A_325 = tpu.vector_load %arg6[%get3A_322, %get3A_323, %get3A_324] {strides = array<i32>} : memref<2x100x64xf32, #tpu.memory_space<vmem>>, vector<1x1x16xf32>,
        %get3A_326 = vector.shape_cast %get3A_325 : vector<1x1x16xf32> to vector<16xf32>
        %get3A_327 = arith.constant 0 : i32
        %get3A_328 = arith.index_cast %get3A_327 : i32 to index
        %get3A_329 = arith.index_cast %add3A_308 : i32 to index
        %get3A_330 = arith.constant 48 : index
        %get3A_331 = tpu.vector_load %arg6[%get3A_328, %get3A_329, %get3A_330] {strides = array<i32>} : memref<2x100x64xf32, #tpu.memory_space<vmem>>, vector<1x1x16xf32>,
        %get3A_332 = vector.shape_cast %get3A_331 : vector<1x1x16xf32> to vector<16xf32>
        %mul3A_333 = arith.mulf %get3A_314, %get3A_314 : vector<16xf32>
        %mul3A_334 = arith.mulf %get3A_320, %get3A_320 : vector<16xf32>
        %add3A_335 = arith.addf %mul3A_333, %mul3A_334 : vector<16xf32>
        %mul3A_336 = arith.mulf %get3A_326, %get3A_326 : vector<16xf32>
        %add3A_337 = arith.addf %add3A_335, %mul3A_336 : vector<16xf32>
        %mul3A_338 = arith.mulf %get3A_332, %get3A_332 : vector<16xf32>
        %add3A_339 = arith.addf %add3A_337, %mul3A_338 : vector<16xf32>
        %gather3A_340 = vector.shape_cast %broadcast_in_dim3A : vector<16x1xi32> to vector<16xi32>
        %gather3A_341 = tpu.dynamic_gather %add3A_339[%gather3A_340] in [0] : vector<16xf32>, vector<16xi32> -> vector<16xf32>
        %add3A_342 = arith.addf %add3A_339, %gather3A_341 : vector<16xf32>
        %gather3A_343 = vector.shape_cast %broadcast_in_dim3A_8 : vector<16x1xi32> to vector<16xi32>
        %gather3A_344 = tpu.dynamic_gather %add3A_342[%gather3A_343] in [0] : vector<16xf32>, vector<16xi32> -> vector<16xf32>
        %add3A_345 = arith.addf %add3A_342, %gather3A_344 : vector<16xf32>
        %gather3A_346 = vector.shape_cast %broadcast_in_dim3A_12 : vector<16x1xi32> to vector<16xi32>
        %gather3A_347 = tpu.dynamic_gather %add3A_345[%gather3A_346] in [0] : vector<16xf32>, vector<16xi32> -> vector<16xf32>
        %add3A_348 = arith.addf %add3A_345, %gather3A_347 : vector<16xf32>
        %gather3A_349 = vector.shape_cast %broadcast_in_dim3A_16 : vector<16x1xi32> to vector<16xi32>
        %gather3A_350 = tpu.dynamic_gather %add3A_348[%gather3A_349] in [0] : vector<16xf32>, vector<16xi32> -> vector<16xf32>
        %add3A_351 = arith.addf %add3A_348, %gather3A_350 : vector<16xf32>
        %bitcast_convert_type3A_352 = tpu.bitcast %add3A_351 : vector<16xf32> -> vector<16xi32>
        %shift_right_arithmetic3A_353 = arith.constant 1 : i32
        %shift_right_arithmetic3A_354 = vector.broadcast %shift_right_arithmetic3A_353 : i32 to vector<16xi32>
        %shift_right_arithmetic3A_355 = arith.shrsi %bitcast_convert_type3A_352, %shift_right_arithmetic3A_354 : vector<16xi32>
        %sub3A_356 = arith.constant 1597463007 : i32
        %sub3A_357 = vector.broadcast %sub3A_356 : i32 to vector<16xi32>
        %sub3A_358 = arith.subi %sub3A_357, %shift_right_arithmetic3A_355 : vector<16xi32>
        %bitcast_convert_type3A_359 = tpu.bitcast %sub3A_358 : vector<16xi32> -> vector<16xf32>
        %mul3A_360 = arith.constant 5.000000e-01 : f32
        %mul3A_361 = vector.broadcast %mul3A_360 : f32 to vector<16xf32>
        %mul3A_362 = arith.mulf %mul3A_361, %add3A_351 : vector<16xf32>
        %mul3A_363 = arith.mulf %mul3A_362, %bitcast_convert_type3A_359 : vector<16xf32>
        %mul3A_364 = arith.mulf %mul3A_363, %bitcast_convert_type3A_359 : vector<16xf32>
        %sub3A_365 = arith.constant 1.500000e+00 : f32
        %sub3A_366 = vector.broadcast %sub3A_365 : f32 to vector<16xf32>
        %sub3A_367 = arith.subf %sub3A_366, %mul3A_364 : vector<16xf32>
        %mul3A_368 = arith.mulf %bitcast_convert_type3A_359, %sub3A_367 : vector<16xf32>
        %mul3A_369 = arith.mulf %mul3A_362, %mul3A_368 : vector<16xf32>
        %mul3A_370 = arith.mulf %mul3A_369, %mul3A_368 : vector<16xf32>
        %sub3A_371 = arith.constant 1.500000e+00 : f32
        %sub3A_372 = vector.broadcast %sub3A_371 : f32 to vector<16xf32>
        %sub3A_373 = arith.subf %sub3A_372, %mul3A_370 : vector<16xf32>
        %mul3A_374 = arith.mulf %mul3A_368, %sub3A_373 : vector<16xf32>
        %mul3A_375 = arith.mulf %mul3A_362, %mul3A_374 : vector<16xf32>
        %mul3A_376 = arith.mulf %mul3A_375, %mul3A_374 : vector<16xf32>
        %sub3A_377 = arith.constant 1.500000e+00 : f32
        %sub3A_378 = vector.broadcast %sub3A_377 : f32 to vector<16xf32>
        %sub3A_379 = arith.subf %sub3A_378, %mul3A_376 : vector<16xf32>
        %mul3A_380 = arith.mulf %mul3A_374, %sub3A_379 : vector<16xf32>
        %gt3A_381 = arith.constant 1.000000e+00 : f32
        %gt3A_382 = vector.broadcast %gt3A_381 : f32 to vector<16xf32>
        %gt3A_383 = arith.cmpf ogt, %add3A_351, %gt3A_382 : vector<16xf32>
        %jit3A_384 = arith.constant 1.000000e+00 : f32
        %broadcast_in_dim3A_385 = vector.broadcast %jit3A_384 : f32 to vector<16xf32>
        %select_n3A_386 = arith.select %gt3A_383, %mul3A_380, %broadcast_in_dim3A_385 : vector<16xi1>, vector<16xf32>
        %convert_element_type3A_387 = arith.sitofp %add3A_308 : i32 to f32
        %add3A_388 = arith.constant 0.000000e+00 : f32
        %add3A_389 = arith.addf %add3A_388, %convert_element_type3A_387 : f32
        %mul3A_390 = arith.constant 0.00452261325 : f32
        %mul3A_391 = arith.mulf %add3A_389, %mul3A_390 : f32
        %add3A_392 = arith.constant 1.000000e-01 : f32
        %add3A_393 = arith.addf %add3A_392, %mul3A_391 : f32
        %mul3A_394 = vector.broadcast %add3A_393 : f32 to vector<16xf32>
        %mul3A_395 = arith.mulf %select_n3A_386, %mul3A_394 : vector<16xf32>
        %mul3A_396 = arith.mulf %mul3A_395, %get3A_314 : vector<16xf32>
        %add3A_397 = arith.addf %add3A_298, %mul3A_396 : vector<16xf32>
        %mul3A_398 = arith.mulf %mul3A_395, %get3A_320 : vector<16xf32>
        %add3A_399 = arith.addf %add3A_300, %mul3A_398 : vector<16xf32>
        %mul3A_400 = arith.mulf %mul3A_395, %get3A_326 : vector<16xf32>
        %add3A_401 = arith.addf %add3A_302, %mul3A_400 : vector<16xf32>
        %mul3A_402 = arith.mulf %mul3A_395, %get3A_332 : vector<16xf32>
        %add3A_403 = arith.addf %add3A_304, %mul3A_402 : vector<16xf32>
        %mul3A_404 = arith.constant 10 : i32
        %mul3A_405 = arith.muli %scan3A_110, %mul3A_404 : i32
        %add3A_406 = arith.constant 3 : i32
        %add3A_407 = arith.addi %mul3A_405, %add3A_406 : i32
        %get3A_408 = arith.constant 0 : i32
        %get3A_409 = arith.index_cast %get3A_408 : i32 to index
        %get3A_410 = arith.index_cast %add3A_407 : i32 to index
        %get3A_411 = arith.constant 0 : index
        %get3A_412 = tpu.vector_load %arg6[%get3A_409, %get3A_410, %get3A_411] {strides = array<i32>} : memref<2x100x64xf32, #tpu.memory_space<vmem>>, vector<1x1x16xf32>,
        %get3A_413 = vector.shape_cast %get3A_412 : vector<1x1x16xf32> to vector<16xf32>
        %get3A_414 = arith.constant 0 : i32
        %get3A_415 = arith.index_cast %get3A_414 : i32 to index
        %get3A_416 = arith.index_cast %add3A_407 : i32 to index
        %get3A_417 = arith.constant 16 : index
        %get3A_418 = tpu.vector_load %arg6[%get3A_415, %get3A_416, %get3A_417] {strides = array<i32>} : memref<2x100x64xf32, #tpu.memory_space<vmem>>, vector<1x1x16xf32>,
        %get3A_419 = vector.shape_cast %get3A_418 : vector<1x1x16xf32> to vector<16xf32>
        %get3A_420 = arith.constant 0 : i32
        %get3A_421 = arith.index_cast %get3A_420 : i32 to index
        %get3A_422 = arith.index_cast %add3A_407 : i32 to index
        %get3A_423 = arith.constant 32 : index
        %get3A_424 = tpu.vector_load %arg6[%get3A_421, %get3A_422, %get3A_423] {strides = array<i32>} : memref<2x100x64xf32, #tpu.memory_space<vmem>>, vector<1x1x16xf32>,
        %get3A_425 = vector.shape_cast %get3A_424 : vector<1x1x16xf32> to vector<16xf32>
        %get3A_426 = arith.constant 0 : i32
        %get3A_427 = arith.index_cast %get3A_426 : i32 to index
        %get3A_428 = arith.index_cast %add3A_407 : i32 to index
        %get3A_429 = arith.constant 48 : index
        %get3A_430 = tpu.vector_load %arg6[%get3A_427, %get3A_428, %get3A_429] {strides = array<i32>} : memref<2x100x64xf32, #tpu.memory_space<vmem>>, vector<1x1x16xf32>,
        %get3A_431 = vector.shape_cast %get3A_430 : vector<1x1x16xf32> to vector<16xf32>
        %mul3A_432 = arith.mulf %get3A_413, %get3A_413 : vector<16xf32>
        %mul3A_433 = arith.mulf %get3A_419, %get3A_419 : vector<16xf32>
        %add3A_434 = arith.addf %mul3A_432, %mul3A_433 : vector<16xf32>
        %mul3A_435 = arith.mulf %get3A_425, %get3A_425 : vector<16xf32>
        %add3A_436 = arith.addf %add3A_434, %mul3A_435 : vector<16xf32>
        %mul3A_437 = arith.mulf %get3A_431, %get3A_431 : vector<16xf32>
        %add3A_438 = arith.addf %add3A_436, %mul3A_437 : vector<16xf32>
        %gather3A_439 = vector.shape_cast %broadcast_in_dim3A : vector<16x1xi32> to vector<16xi32>
        %gather3A_440 = tpu.dynamic_gather %add3A_438[%gather3A_439] in [0] : vector<16xf32>, vector<16xi32> -> vector<16xf32>
        %add3A_441 = arith.addf %add3A_438, %gather3A_440 : vector<16xf32>
        %gather3A_442 = vector.shape_cast %broadcast_in_dim3A_8 : vector<16x1xi32> to vector<16xi32>
        %gather3A_443 = tpu.dynamic_gather %add3A_441[%gather3A_442] in [0] : vector<16xf32>, vector<16xi32> -> vector<16xf32>
        %add3A_444 = arith.addf %add3A_441, %gather3A_443 : vector<16xf32>
        %gather3A_445 = vector.shape_cast %broadcast_in_dim3A_12 : vector<16x1xi32> to vector<16xi32>
        %gather3A_446 = tpu.dynamic_gather %add3A_444[%gather3A_445] in [0] : vector<16xf32>, vector<16xi32> -> vector<16xf32>
        %add3A_447 = arith.addf %add3A_444, %gather3A_446 : vector<16xf32>
        %gather3A_448 = vector.shape_cast %broadcast_in_dim3A_16 : vector<16x1xi32> to vector<16xi32>
        %gather3A_449 = tpu.dynamic_gather %add3A_447[%gather3A_448] in [0] : vector<16xf32>, vector<16xi32> -> vector<16xf32>
        %add3A_450 = arith.addf %add3A_447, %gather3A_449 : vector<16xf32>
        %bitcast_convert_type3A_451 = tpu.bitcast %add3A_450 : vector<16xf32> -> vector<16xi32>
        %shift_right_arithmetic3A_452 = arith.constant 1 : i32
        %shift_right_arithmetic3A_453 = vector.broadcast %shift_right_arithmetic3A_452 : i32 to vector<16xi32>
        %shift_right_arithmetic3A_454 = arith.shrsi %bitcast_convert_type3A_451, %shift_right_arithmetic3A_453 : vector<16xi32>
        %sub3A_455 = arith.constant 1597463007 : i32
        %sub3A_456 = vector.broadcast %sub3A_455 : i32 to vector<16xi32>
        %sub3A_457 = arith.subi %sub3A_456, %shift_right_arithmetic3A_454 : vector<16xi32>
        %bitcast_convert_type3A_458 = tpu.bitcast %sub3A_457 : vector<16xi32> -> vector<16xf32>
        %mul3A_459 = arith.constant 5.000000e-01 : f32
        %mul3A_460 = vector.broadcast %mul3A_459 : f32 to vector<16xf32>
        %mul3A_461 = arith.mulf %mul3A_460, %add3A_450 : vector<16xf32>
        %mul3A_462 = arith.mulf %mul3A_461, %bitcast_convert_type3A_458 : vector<16xf32>
        %mul3A_463 = arith.mulf %mul3A_462, %bitcast_convert_type3A_458 : vector<16xf32>
        %sub3A_464 = arith.constant 1.500000e+00 : f32
        %sub3A_465 = vector.broadcast %sub3A_464 : f32 to vector<16xf32>
        %sub3A_466 = arith.subf %sub3A_465, %mul3A_463 : vector<16xf32>
        %mul3A_467 = arith.mulf %bitcast_convert_type3A_458, %sub3A_466 : vector<16xf32>
        %mul3A_468 = arith.mulf %mul3A_461, %mul3A_467 : vector<16xf32>
        %mul3A_469 = arith.mulf %mul3A_468, %mul3A_467 : vector<16xf32>
        %sub3A_470 = arith.constant 1.500000e+00 : f32
        %sub3A_471 = vector.broadcast %sub3A_470 : f32 to vector<16xf32>
        %sub3A_472 = arith.subf %sub3A_471, %mul3A_469 : vector<16xf32>
        %mul3A_473 = arith.mulf %mul3A_467, %sub3A_472 : vector<16xf32>
        %mul3A_474 = arith.mulf %mul3A_461, %mul3A_473 : vector<16xf32>
        %mul3A_475 = arith.mulf %mul3A_474, %mul3A_473 : vector<16xf32>
        %sub3A_476 = arith.constant 1.500000e+00 : f32
        %sub3A_477 = vector.broadcast %sub3A_476 : f32 to vector<16xf32>
        %sub3A_478 = arith.subf %sub3A_477, %mul3A_475 : vector<16xf32>
        %mul3A_479 = arith.mulf %mul3A_473, %sub3A_478 : vector<16xf32>
        %gt3A_480 = arith.constant 1.000000e+00 : f32
        %gt3A_481 = vector.broadcast %gt3A_480 : f32 to vector<16xf32>
        %gt3A_482 = arith.cmpf ogt, %add3A_450, %gt3A_481 : vector<16xf32>
        %jit3A_483 = arith.constant 1.000000e+00 : f32
        %broadcast_in_dim3A_484 = vector.broadcast %jit3A_483 : f32 to vector<16xf32>
        %select_n3A_485 = arith.select %gt3A_482, %mul3A_479, %broadcast_in_dim3A_484 : vector<16xi1>, vector<16xf32>
        %convert_element_type3A_486 = arith.sitofp %add3A_407 : i32 to f32
        %add3A_487 = arith.constant 0.000000e+00 : f32
        %add3A_488 = arith.addf %add3A_487, %convert_element_type3A_486 : f32
        %mul3A_489 = arith.constant 0.00452261325 : f32
        %mul3A_490 = arith.mulf %add3A_488, %mul3A_489 : f32
        %add3A_491 = arith.constant 1.000000e-01 : f32
        %add3A_492 = arith.addf %add3A_491, %mul3A_490 : f32
        %mul3A_493 = vector.broadcast %add3A_492 : f32 to vector<16xf32>
        %mul3A_494 = arith.mulf %select_n3A_485, %mul3A_493 : vector<16xf32>
        %mul3A_495 = arith.mulf %mul3A_494, %get3A_413 : vector<16xf32>
        %add3A_496 = arith.addf %add3A_397, %mul3A_495 : vector<16xf32>
        %mul3A_497 = arith.mulf %mul3A_494, %get3A_419 : vector<16xf32>
        %add3A_498 = arith.addf %add3A_399, %mul3A_497 : vector<16xf32>
        %mul3A_499 = arith.mulf %mul3A_494, %get3A_425 : vector<16xf32>
        %add3A_500 = arith.addf %add3A_401, %mul3A_499 : vector<16xf32>
        %mul3A_501 = arith.mulf %mul3A_494, %get3A_431 : vector<16xf32>
        %add3A_502 = arith.addf %add3A_403, %mul3A_501 : vector<16xf32>
        %mul3A_503 = arith.constant 10 : i32
        %mul3A_504 = arith.muli %scan3A_110, %mul3A_503 : i32
        %add3A_505 = arith.constant 4 : i32
        %add3A_506 = arith.addi %mul3A_504, %add3A_505 : i32
        %get3A_507 = arith.constant 0 : i32
        %get3A_508 = arith.index_cast %get3A_507 : i32 to index
        %get3A_509 = arith.index_cast %add3A_506 : i32 to index
        %get3A_510 = arith.constant 0 : index
        %get3A_511 = tpu.vector_load %arg6[%get3A_508, %get3A_509, %get3A_510] {strides = array<i32>} : memref<2x100x64xf32, #tpu.memory_space<vmem>>, vector<1x1x16xf32>,
        %get3A_512 = vector.shape_cast %get3A_511 : vector<1x1x16xf32> to vector<16xf32>
        %get3A_513 = arith.constant 0 : i32
        %get3A_514 = arith.index_cast %get3A_513 : i32 to index
        %get3A_515 = arith.index_cast %add3A_506 : i32 to index
        %get3A_516 = arith.constant 16 : index
        %get3A_517 = tpu.vector_load %arg6[%get3A_514, %get3A_515, %get3A_516] {strides = array<i32>} : memref<2x100x64xf32, #tpu.memory_space<vmem>>, vector<1x1x16xf32>,
        %get3A_518 = vector.shape_cast %get3A_517 : vector<1x1x16xf32> to vector<16xf32>
        %get3A_519 = arith.constant 0 : i32
        %get3A_520 = arith.index_cast %get3A_519 : i32 to index
        %get3A_521 = arith.index_cast %add3A_506 : i32 to index
        %get3A_522 = arith.constant 32 : index
        %get3A_523 = tpu.vector_load %arg6[%get3A_520, %get3A_521, %get3A_522] {strides = array<i32>} : memref<2x100x64xf32, #tpu.memory_space<vmem>>, vector<1x1x16xf32>,
        %get3A_524 = vector.shape_cast %get3A_523 : vector<1x1x16xf32> to vector<16xf32>
        %get3A_525 = arith.constant 0 : i32
        %get3A_526 = arith.index_cast %get3A_525 : i32 to index
        %get3A_527 = arith.index_cast %add3A_506 : i32 to index
        %get3A_528 = arith.constant 48 : index
        %get3A_529 = tpu.vector_load %arg6[%get3A_526, %get3A_527, %get3A_528] {strides = array<i32>} : memref<2x100x64xf32, #tpu.memory_space<vmem>>, vector<1x1x16xf32>,
        %get3A_530 = vector.shape_cast %get3A_529 : vector<1x1x16xf32> to vector<16xf32>
        %mul3A_531 = arith.mulf %get3A_512, %get3A_512 : vector<16xf32>
        %mul3A_532 = arith.mulf %get3A_518, %get3A_518 : vector<16xf32>
        %add3A_533 = arith.addf %mul3A_531, %mul3A_532 : vector<16xf32>
        %mul3A_534 = arith.mulf %get3A_524, %get3A_524 : vector<16xf32>
        %add3A_535 = arith.addf %add3A_533, %mul3A_534 : vector<16xf32>
        %mul3A_536 = arith.mulf %get3A_530, %get3A_530 : vector<16xf32>
        %add3A_537 = arith.addf %add3A_535, %mul3A_536 : vector<16xf32>
        %gather3A_538 = vector.shape_cast %broadcast_in_dim3A : vector<16x1xi32> to vector<16xi32>
        %gather3A_539 = tpu.dynamic_gather %add3A_537[%gather3A_538] in [0] : vector<16xf32>, vector<16xi32> -> vector<16xf32>
        %add3A_540 = arith.addf %add3A_537, %gather3A_539 : vector<16xf32>
        %gather3A_541 = vector.shape_cast %broadcast_in_dim3A_8 : vector<16x1xi32> to vector<16xi32>
        %gather3A_542 = tpu.dynamic_gather %add3A_540[%gather3A_541] in [0] : vector<16xf32>, vector<16xi32> -> vector<16xf32>
        %add3A_543 = arith.addf %add3A_540, %gather3A_542 : vector<16xf32>
        %gather3A_544 = vector.shape_cast %broadcast_in_dim3A_12 : vector<16x1xi32> to vector<16xi32>
        %gather3A_545 = tpu.dynamic_gather %add3A_543[%gather3A_544] in [0] : vector<16xf32>, vector<16xi32> -> vector<16xf32>
        %add3A_546 = arith.addf %add3A_543, %gather3A_545 : vector<16xf32>
        %gather3A_547 = vector.shape_cast %broadcast_in_dim3A_16 : vector<16x1xi32> to vector<16xi32>
        %gather3A_548 = tpu.dynamic_gather %add3A_546[%gather3A_547] in [0] : vector<16xf32>, vector<16xi32> -> vector<16xf32>
        %add3A_549 = arith.addf %add3A_546, %gather3A_548 : vector<16xf32>
        %bitcast_convert_type3A_550 = tpu.bitcast %add3A_549 : vector<16xf32> -> vector<16xi32>
        %shift_right_arithmetic3A_551 = arith.constant 1 : i32
        %shift_right_arithmetic3A_552 = vector.broadcast %shift_right_arithmetic3A_551 : i32 to vector<16xi32>
        %shift_right_arithmetic3A_553 = arith.shrsi %bitcast_convert_type3A_550, %shift_right_arithmetic3A_552 : vector<16xi32>
        %sub3A_554 = arith.constant 1597463007 : i32
        %sub3A_555 = vector.broadcast %sub3A_554 : i32 to vector<16xi32>
        %sub3A_556 = arith.subi %sub3A_555, %shift_right_arithmetic3A_553 : vector<16xi32>
        %bitcast_convert_type3A_557 = tpu.bitcast %sub3A_556 : vector<16xi32> -> vector<16xf32>
        %mul3A_558 = arith.constant 5.000000e-01 : f32
        %mul3A_559 = vector.broadcast %mul3A_558 : f32 to vector<16xf32>
        %mul3A_560 = arith.mulf %mul3A_559, %add3A_549 : vector<16xf32>
        %mul3A_561 = arith.mulf %mul3A_560, %bitcast_convert_type3A_557 : vector<16xf32>
        %mul3A_562 = arith.mulf %mul3A_561, %bitcast_convert_type3A_557 : vector<16xf32>
        %sub3A_563 = arith.constant 1.500000e+00 : f32
        %sub3A_564 = vector.broadcast %sub3A_563 : f32 to vector<16xf32>
        %sub3A_565 = arith.subf %sub3A_564, %mul3A_562 : vector<16xf32>
        %mul3A_566 = arith.mulf %bitcast_convert_type3A_557, %sub3A_565 : vector<16xf32>
        %mul3A_567 = arith.mulf %mul3A_560, %mul3A_566 : vector<16xf32>
        %mul3A_568 = arith.mulf %mul3A_567, %mul3A_566 : vector<16xf32>
        %sub3A_569 = arith.constant 1.500000e+00 : f32
        %sub3A_570 = vector.broadcast %sub3A_569 : f32 to vector<16xf32>
        %sub3A_571 = arith.subf %sub3A_570, %mul3A_568 : vector<16xf32>
        %mul3A_572 = arith.mulf %mul3A_566, %sub3A_571 : vector<16xf32>
        %mul3A_573 = arith.mulf %mul3A_560, %mul3A_572 : vector<16xf32>
        %mul3A_574 = arith.mulf %mul3A_573, %mul3A_572 : vector<16xf32>
        %sub3A_575 = arith.constant 1.500000e+00 : f32
        %sub3A_576 = vector.broadcast %sub3A_575 : f32 to vector<16xf32>
        %sub3A_577 = arith.subf %sub3A_576, %mul3A_574 : vector<16xf32>
        %mul3A_578 = arith.mulf %mul3A_572, %sub3A_577 : vector<16xf32>
        %gt3A_579 = arith.constant 1.000000e+00 : f32
        %gt3A_580 = vector.broadcast %gt3A_579 : f32 to vector<16xf32>
        %gt3A_581 = arith.cmpf ogt, %add3A_549, %gt3A_580 : vector<16xf32>
        %jit3A_582 = arith.constant 1.000000e+00 : f32
        %broadcast_in_dim3A_583 = vector.broadcast %jit3A_582 : f32 to vector<16xf32>
        %select_n3A_584 = arith.select %gt3A_581, %mul3A_578, %broadcast_in_dim3A_583 : vector<16xi1>, vector<16xf32>
        %convert_element_type3A_585 = arith.sitofp %add3A_506 : i32 to f32
        %add3A_586 = arith.constant 0.000000e+00 : f32
        %add3A_587 = arith.addf %add3A_586, %convert_element_type3A_585 : f32
        %mul3A_588 = arith.constant 0.00452261325 : f32
        %mul3A_589 = arith.mulf %add3A_587, %mul3A_588 : f32
        %add3A_590 = arith.constant 1.000000e-01 : f32
        %add3A_591 = arith.addf %add3A_590, %mul3A_589 : f32
        %mul3A_592 = vector.broadcast %add3A_591 : f32 to vector<16xf32>
        %mul3A_593 = arith.mulf %select_n3A_584, %mul3A_592 : vector<16xf32>
        %mul3A_594 = arith.mulf %mul3A_593, %get3A_512 : vector<16xf32>
        %add3A_595 = arith.addf %add3A_496, %mul3A_594 : vector<16xf32>
        %mul3A_596 = arith.mulf %mul3A_593, %get3A_518 : vector<16xf32>
        %add3A_597 = arith.addf %add3A_498, %mul3A_596 : vector<16xf32>
        %mul3A_598 = arith.mulf %mul3A_593, %get3A_524 : vector<16xf32>
        %add3A_599 = arith.addf %add3A_500, %mul3A_598 : vector<16xf32>
        %mul3A_600 = arith.mulf %mul3A_593, %get3A_530 : vector<16xf32>
        %add3A_601 = arith.addf %add3A_502, %mul3A_600 : vector<16xf32>
        %mul3A_602 = arith.constant 10 : i32
        %mul3A_603 = arith.muli %scan3A_110, %mul3A_602 : i32
        %add3A_604 = arith.constant 5 : i32
        %add3A_605 = arith.addi %mul3A_603, %add3A_604 : i32
        %get3A_606 = arith.constant 0 : i32
        %get3A_607 = arith.index_cast %get3A_606 : i32 to index
        %get3A_608 = arith.index_cast %add3A_605 : i32 to index
        %get3A_609 = arith.constant 0 : index
        %get3A_610 = tpu.vector_load %arg6[%get3A_607, %get3A_608, %get3A_609] {strides = array<i32>} : memref<2x100x64xf32, #tpu.memory_space<vmem>>, vector<1x1x16xf32>,
        %get3A_611 = vector.shape_cast %get3A_610 : vector<1x1x16xf32> to vector<16xf32>
        %get3A_612 = arith.constant 0 : i32
        %get3A_613 = arith.index_cast %get3A_612 : i32 to index
        %get3A_614 = arith.index_cast %add3A_605 : i32 to index
        %get3A_615 = arith.constant 16 : index
        %get3A_616 = tpu.vector_load %arg6[%get3A_613, %get3A_614, %get3A_615] {strides = array<i32>} : memref<2x100x64xf32, #tpu.memory_space<vmem>>, vector<1x1x16xf32>,
        %get3A_617 = vector.shape_cast %get3A_616 : vector<1x1x16xf32> to vector<16xf32>
        %get3A_618 = arith.constant 0 : i32
        %get3A_619 = arith.index_cast %get3A_618 : i32 to index
        %get3A_620 = arith.index_cast %add3A_605 : i32 to index
        %get3A_621 = arith.constant 32 : index
        %get3A_622 = tpu.vector_load %arg6[%get3A_619, %get3A_620, %get3A_621] {strides = array<i32>} : memref<2x100x64xf32, #tpu.memory_space<vmem>>, vector<1x1x16xf32>,
        %get3A_623 = vector.shape_cast %get3A_622 : vector<1x1x16xf32> to vector<16xf32>
        %get3A_624 = arith.constant 0 : i32
        %get3A_625 = arith.index_cast %get3A_624 : i32 to index
        %get3A_626 = arith.index_cast %add3A_605 : i32 to index
        %get3A_627 = arith.constant 48 : index
        %get3A_628 = tpu.vector_load %arg6[%get3A_625, %get3A_626, %get3A_627] {strides = array<i32>} : memref<2x100x64xf32, #tpu.memory_space<vmem>>, vector<1x1x16xf32>,
        %get3A_629 = vector.shape_cast %get3A_628 : vector<1x1x16xf32> to vector<16xf32>
        %mul3A_630 = arith.mulf %get3A_611, %get3A_611 : vector<16xf32>
        %mul3A_631 = arith.mulf %get3A_617, %get3A_617 : vector<16xf32>
        %add3A_632 = arith.addf %mul3A_630, %mul3A_631 : vector<16xf32>
        %mul3A_633 = arith.mulf %get3A_623, %get3A_623 : vector<16xf32>
        %add3A_634 = arith.addf %add3A_632, %mul3A_633 : vector<16xf32>
        %mul3A_635 = arith.mulf %get3A_629, %get3A_629 : vector<16xf32>
        %add3A_636 = arith.addf %add3A_634, %mul3A_635 : vector<16xf32>
        %gather3A_637 = vector.shape_cast %broadcast_in_dim3A : vector<16x1xi32> to vector<16xi32>
        %gather3A_638 = tpu.dynamic_gather %add3A_636[%gather3A_637] in [0] : vector<16xf32>, vector<16xi32> -> vector<16xf32>
        %add3A_639 = arith.addf %add3A_636, %gather3A_638 : vector<16xf32>
        %gather3A_640 = vector.shape_cast %broadcast_in_dim3A_8 : vector<16x1xi32> to vector<16xi32>
        %gather3A_641 = tpu.dynamic_gather %add3A_639[%gather3A_640] in [0] : vector<16xf32>, vector<16xi32> -> vector<16xf32>
        %add3A_642 = arith.addf %add3A_639, %gather3A_641 : vector<16xf32>
        %gather3A_643 = vector.shape_cast %broadcast_in_dim3A_12 : vector<16x1xi32> to vector<16xi32>
        %gather3A_644 = tpu.dynamic_gather %add3A_642[%gather3A_643] in [0] : vector<16xf32>, vector<16xi32> -> vector<16xf32>
        %add3A_645 = arith.addf %add3A_642, %gather3A_644 : vector<16xf32>
        %gather3A_646 = vector.shape_cast %broadcast_in_dim3A_16 : vector<16x1xi32> to vector<16xi32>
        %gather3A_647 = tpu.dynamic_gather %add3A_645[%gather3A_646] in [0] : vector<16xf32>, vector<16xi32> -> vector<16xf32>
        %add3A_648 = arith.addf %add3A_645, %gather3A_647 : vector<16xf32>
        %bitcast_convert_type3A_649 = tpu.bitcast %add3A_648 : vector<16xf32> -> vector<16xi32>
        %shift_right_arithmetic3A_650 = arith.constant 1 : i32
        %shift_right_arithmetic3A_651 = vector.broadcast %shift_right_arithmetic3A_650 : i32 to vector<16xi32>
        %shift_right_arithmetic3A_652 = arith.shrsi %bitcast_convert_type3A_649, %shift_right_arithmetic3A_651 : vector<16xi32>
        %sub3A_653 = arith.constant 1597463007 : i32
        %sub3A_654 = vector.broadcast %sub3A_653 : i32 to vector<16xi32>
        %sub3A_655 = arith.subi %sub3A_654, %shift_right_arithmetic3A_652 : vector<16xi32>
        %bitcast_convert_type3A_656 = tpu.bitcast %sub3A_655 : vector<16xi32> -> vector<16xf32>
        %mul3A_657 = arith.constant 5.000000e-01 : f32
        %mul3A_658 = vector.broadcast %mul3A_657 : f32 to vector<16xf32>
        %mul3A_659 = arith.mulf %mul3A_658, %add3A_648 : vector<16xf32>
        %mul3A_660 = arith.mulf %mul3A_659, %bitcast_convert_type3A_656 : vector<16xf32>
        %mul3A_661 = arith.mulf %mul3A_660, %bitcast_convert_type3A_656 : vector<16xf32>
        %sub3A_662 = arith.constant 1.500000e+00 : f32
        %sub3A_663 = vector.broadcast %sub3A_662 : f32 to vector<16xf32>
        %sub3A_664 = arith.subf %sub3A_663, %mul3A_661 : vector<16xf32>
        %mul3A_665 = arith.mulf %bitcast_convert_type3A_656, %sub3A_664 : vector<16xf32>
        %mul3A_666 = arith.mulf %mul3A_659, %mul3A_665 : vector<16xf32>
        %mul3A_667 = arith.mulf %mul3A_666, %mul3A_665 : vector<16xf32>
        %sub3A_668 = arith.constant 1.500000e+00 : f32
        %sub3A_669 = vector.broadcast %sub3A_668 : f32 to vector<16xf32>
        %sub3A_670 = arith.subf %sub3A_669, %mul3A_667 : vector<16xf32>
        %mul3A_671 = arith.mulf %mul3A_665, %sub3A_670 : vector<16xf32>
        %mul3A_672 = arith.mulf %mul3A_659, %mul3A_671 : vector<16xf32>
        %mul3A_673 = arith.mulf %mul3A_672, %mul3A_671 : vector<16xf32>
        %sub3A_674 = arith.constant 1.500000e+00 : f32
        %sub3A_675 = vector.broadcast %sub3A_674 : f32 to vector<16xf32>
        %sub3A_676 = arith.subf %sub3A_675, %mul3A_673 : vector<16xf32>
        %mul3A_677 = arith.mulf %mul3A_671, %sub3A_676 : vector<16xf32>
        %gt3A_678 = arith.constant 1.000000e+00 : f32
        %gt3A_679 = vector.broadcast %gt3A_678 : f32 to vector<16xf32>
        %gt3A_680 = arith.cmpf ogt, %add3A_648, %gt3A_679 : vector<16xf32>
        %jit3A_681 = arith.constant 1.000000e+00 : f32
        %broadcast_in_dim3A_682 = vector.broadcast %jit3A_681 : f32 to vector<16xf32>
        %select_n3A_683 = arith.select %gt3A_680, %mul3A_677, %broadcast_in_dim3A_682 : vector<16xi1>, vector<16xf32>
        %convert_element_type3A_684 = arith.sitofp %add3A_605 : i32 to f32
        %add3A_685 = arith.constant 0.000000e+00 : f32
        %add3A_686 = arith.addf %add3A_685, %convert_element_type3A_684 : f32
        %mul3A_687 = arith.constant 0.00452261325 : f32
        %mul3A_688 = arith.mulf %add3A_686, %mul3A_687 : f32
        %add3A_689 = arith.constant 1.000000e-01 : f32
        %add3A_690 = arith.addf %add3A_689, %mul3A_688 : f32
        %mul3A_691 = vector.broadcast %add3A_690 : f32 to vector<16xf32>
        %mul3A_692 = arith.mulf %select_n3A_683, %mul3A_691 : vector<16xf32>
        %mul3A_693 = arith.mulf %mul3A_692, %get3A_611 : vector<16xf32>
        %add3A_694 = arith.addf %add3A_595, %mul3A_693 : vector<16xf32>
        %mul3A_695 = arith.mulf %mul3A_692, %get3A_617 : vector<16xf32>
        %add3A_696 = arith.addf %add3A_597, %mul3A_695 : vector<16xf32>
        %mul3A_697 = arith.mulf %mul3A_692, %get3A_623 : vector<16xf32>
        %add3A_698 = arith.addf %add3A_599, %mul3A_697 : vector<16xf32>
        %mul3A_699 = arith.mulf %mul3A_692, %get3A_629 : vector<16xf32>
        %add3A_700 = arith.addf %add3A_601, %mul3A_699 : vector<16xf32>
        %mul3A_701 = arith.constant 10 : i32
        %mul3A_702 = arith.muli %scan3A_110, %mul3A_701 : i32
        %add3A_703 = arith.constant 6 : i32
        %add3A_704 = arith.addi %mul3A_702, %add3A_703 : i32
        %get3A_705 = arith.constant 0 : i32
        %get3A_706 = arith.index_cast %get3A_705 : i32 to index
        %get3A_707 = arith.index_cast %add3A_704 : i32 to index
        %get3A_708 = arith.constant 0 : index
        %get3A_709 = tpu.vector_load %arg6[%get3A_706, %get3A_707, %get3A_708] {strides = array<i32>} : memref<2x100x64xf32, #tpu.memory_space<vmem>>, vector<1x1x16xf32>,
        %get3A_710 = vector.shape_cast %get3A_709 : vector<1x1x16xf32> to vector<16xf32>
        %get3A_711 = arith.constant 0 : i32
        %get3A_712 = arith.index_cast %get3A_711 : i32 to index
        %get3A_713 = arith.index_cast %add3A_704 : i32 to index
        %get3A_714 = arith.constant 16 : index
        %get3A_715 = tpu.vector_load %arg6[%get3A_712, %get3A_713, %get3A_714] {strides = array<i32>} : memref<2x100x64xf32, #tpu.memory_space<vmem>>, vector<1x1x16xf32>,
        %get3A_716 = vector.shape_cast %get3A_715 : vector<1x1x16xf32> to vector<16xf32>
        %get3A_717 = arith.constant 0 : i32
        %get3A_718 = arith.index_cast %get3A_717 : i32 to index
        %get3A_719 = arith.index_cast %add3A_704 : i32 to index
        %get3A_720 = arith.constant 32 : index
        %get3A_721 = tpu.vector_load %arg6[%get3A_718, %get3A_719, %get3A_720] {strides = array<i32>} : memref<2x100x64xf32, #tpu.memory_space<vmem>>, vector<1x1x16xf32>,
        %get3A_722 = vector.shape_cast %get3A_721 : vector<1x1x16xf32> to vector<16xf32>
        %get3A_723 = arith.constant 0 : i32
        %get3A_724 = arith.index_cast %get3A_723 : i32 to index
        %get3A_725 = arith.index_cast %add3A_704 : i32 to index
        %get3A_726 = arith.constant 48 : index
        %get3A_727 = tpu.vector_load %arg6[%get3A_724, %get3A_725, %get3A_726] {strides = array<i32>} : memref<2x100x64xf32, #tpu.memory_space<vmem>>, vector<1x1x16xf32>,
        %get3A_728 = vector.shape_cast %get3A_727 : vector<1x1x16xf32> to vector<16xf32>
        %mul3A_729 = arith.mulf %get3A_710, %get3A_710 : vector<16xf32>
        %mul3A_730 = arith.mulf %get3A_716, %get3A_716 : vector<16xf32>
        %add3A_731 = arith.addf %mul3A_729, %mul3A_730 : vector<16xf32>
        %mul3A_732 = arith.mulf %get3A_722, %get3A_722 : vector<16xf32>
        %add3A_733 = arith.addf %add3A_731, %mul3A_732 : vector<16xf32>
        %mul3A_734 = arith.mulf %get3A_728, %get3A_728 : vector<16xf32>
        %add3A_735 = arith.addf %add3A_733, %mul3A_734 : vector<16xf32>
        %gather3A_736 = vector.shape_cast %broadcast_in_dim3A : vector<16x1xi32> to vector<16xi32>
        %gather3A_737 = tpu.dynamic_gather %add3A_735[%gather3A_736] in [0] : vector<16xf32>, vector<16xi32> -> vector<16xf32>
        %add3A_738 = arith.addf %add3A_735, %gather3A_737 : vector<16xf32>
        %gather3A_739 = vector.shape_cast %broadcast_in_dim3A_8 : vector<16x1xi32> to vector<16xi32>
        %gather3A_740 = tpu.dynamic_gather %add3A_738[%gather3A_739] in [0] : vector<16xf32>, vector<16xi32> -> vector<16xf32>
        %add3A_741 = arith.addf %add3A_738, %gather3A_740 : vector<16xf32>
        %gather3A_742 = vector.shape_cast %broadcast_in_dim3A_12 : vector<16x1xi32> to vector<16xi32>
        %gather3A_743 = tpu.dynamic_gather %add3A_741[%gather3A_742] in [0] : vector<16xf32>, vector<16xi32> -> vector<16xf32>
        %add3A_744 = arith.addf %add3A_741, %gather3A_743 : vector<16xf32>
        %gather3A_745 = vector.shape_cast %broadcast_in_dim3A_16 : vector<16x1xi32> to vector<16xi32>
        %gather3A_746 = tpu.dynamic_gather %add3A_744[%gather3A_745] in [0] : vector<16xf32>, vector<16xi32> -> vector<16xf32>
        %add3A_747 = arith.addf %add3A_744, %gather3A_746 : vector<16xf32>
        %bitcast_convert_type3A_748 = tpu.bitcast %add3A_747 : vector<16xf32> -> vector<16xi32>
        %shift_right_arithmetic3A_749 = arith.constant 1 : i32
        %shift_right_arithmetic3A_750 = vector.broadcast %shift_right_arithmetic3A_749 : i32 to vector<16xi32>
        %shift_right_arithmetic3A_751 = arith.shrsi %bitcast_convert_type3A_748, %shift_right_arithmetic3A_750 : vector<16xi32>
        %sub3A_752 = arith.constant 1597463007 : i32
        %sub3A_753 = vector.broadcast %sub3A_752 : i32 to vector<16xi32>
        %sub3A_754 = arith.subi %sub3A_753, %shift_right_arithmetic3A_751 : vector<16xi32>
        %bitcast_convert_type3A_755 = tpu.bitcast %sub3A_754 : vector<16xi32> -> vector<16xf32>
        %mul3A_756 = arith.constant 5.000000e-01 : f32
        %mul3A_757 = vector.broadcast %mul3A_756 : f32 to vector<16xf32>
        %mul3A_758 = arith.mulf %mul3A_757, %add3A_747 : vector<16xf32>
        %mul3A_759 = arith.mulf %mul3A_758, %bitcast_convert_type3A_755 : vector<16xf32>
        %mul3A_760 = arith.mulf %mul3A_759, %bitcast_convert_type3A_755 : vector<16xf32>
        %sub3A_761 = arith.constant 1.500000e+00 : f32
        %sub3A_762 = vector.broadcast %sub3A_761 : f32 to vector<16xf32>
        %sub3A_763 = arith.subf %sub3A_762, %mul3A_760 : vector<16xf32>
        %mul3A_764 = arith.mulf %bitcast_convert_type3A_755, %sub3A_763 : vector<16xf32>
        %mul3A_765 = arith.mulf %mul3A_758, %mul3A_764 : vector<16xf32>
        %mul3A_766 = arith.mulf %mul3A_765, %mul3A_764 : vector<16xf32>
        %sub3A_767 = arith.constant 1.500000e+00 : f32
        %sub3A_768 = vector.broadcast %sub3A_767 : f32 to vector<16xf32>
        %sub3A_769 = arith.subf %sub3A_768, %mul3A_766 : vector<16xf32>
        %mul3A_770 = arith.mulf %mul3A_764, %sub3A_769 : vector<16xf32>
        %mul3A_771 = arith.mulf %mul3A_758, %mul3A_770 : vector<16xf32>
        %mul3A_772 = arith.mulf %mul3A_771, %mul3A_770 : vector<16xf32>
        %sub3A_773 = arith.constant 1.500000e+00 : f32
        %sub3A_774 = vector.broadcast %sub3A_773 : f32 to vector<16xf32>
        %sub3A_775 = arith.subf %sub3A_774, %mul3A_772 : vector<16xf32>
        %mul3A_776 = arith.mulf %mul3A_770, %sub3A_775 : vector<16xf32>
        %gt3A_777 = arith.constant 1.000000e+00 : f32
        %gt3A_778 = vector.broadcast %gt3A_777 : f32 to vector<16xf32>
        %gt3A_779 = arith.cmpf ogt, %add3A_747, %gt3A_778 : vector<16xf32>
        %jit3A_780 = arith.constant 1.000000e+00 : f32
        %broadcast_in_dim3A_781 = vector.broadcast %jit3A_780 : f32 to vector<16xf32>
        %select_n3A_782 = arith.select %gt3A_779, %mul3A_776, %broadcast_in_dim3A_781 : vector<16xi1>, vector<16xf32>
        %convert_element_type3A_783 = arith.sitofp %add3A_704 : i32 to f32
        %add3A_784 = arith.constant 0.000000e+00 : f32
        %add3A_785 = arith.addf %add3A_784, %convert_element_type3A_783 : f32
        %mul3A_786 = arith.constant 0.00452261325 : f32
        %mul3A_787 = arith.mulf %add3A_785, %mul3A_786 : f32
        %add3A_788 = arith.constant 1.000000e-01 : f32
        %add3A_789 = arith.addf %add3A_788, %mul3A_787 : f32
        %mul3A_790 = vector.broadcast %add3A_789 : f32 to vector<16xf32>
        %mul3A_791 = arith.mulf %select_n3A_782, %mul3A_790 : vector<16xf32>
        %mul3A_792 = arith.mulf %mul3A_791, %get3A_710 : vector<16xf32>
        %add3A_793 = arith.addf %add3A_694, %mul3A_792 : vector<16xf32>
        %mul3A_794 = arith.mulf %mul3A_791, %get3A_716 : vector<16xf32>
        %add3A_795 = arith.addf %add3A_696, %mul3A_794 : vector<16xf32>
        %mul3A_796 = arith.mulf %mul3A_791, %get3A_722 : vector<16xf32>
        %add3A_797 = arith.addf %add3A_698, %mul3A_796 : vector<16xf32>
        %mul3A_798 = arith.mulf %mul3A_791, %get3A_728 : vector<16xf32>
        %add3A_799 = arith.addf %add3A_700, %mul3A_798 : vector<16xf32>
        %mul3A_800 = arith.constant 10 : i32
        %mul3A_801 = arith.muli %scan3A_110, %mul3A_800 : i32
        %add3A_802 = arith.constant 7 : i32
        %add3A_803 = arith.addi %mul3A_801, %add3A_802 : i32
        %get3A_804 = arith.constant 0 : i32
        %get3A_805 = arith.index_cast %get3A_804 : i32 to index
        %get3A_806 = arith.index_cast %add3A_803 : i32 to index
        %get3A_807 = arith.constant 0 : index
        %get3A_808 = tpu.vector_load %arg6[%get3A_805, %get3A_806, %get3A_807] {strides = array<i32>} : memref<2x100x64xf32, #tpu.memory_space<vmem>>, vector<1x1x16xf32>,
        %get3A_809 = vector.shape_cast %get3A_808 : vector<1x1x16xf32> to vector<16xf32>
        %get3A_810 = arith.constant 0 : i32
        %get3A_811 = arith.index_cast %get3A_810 : i32 to index
        %get3A_812 = arith.index_cast %add3A_803 : i32 to index
        %get3A_813 = arith.constant 16 : index
        %get3A_814 = tpu.vector_load %arg6[%get3A_811, %get3A_812, %get3A_813] {strides = array<i32>} : memref<2x100x64xf32, #tpu.memory_space<vmem>>, vector<1x1x16xf32>,
        %get3A_815 = vector.shape_cast %get3A_814 : vector<1x1x16xf32> to vector<16xf32>
        %get3A_816 = arith.constant 0 : i32
        %get3A_817 = arith.index_cast %get3A_816 : i32 to index
        %get3A_818 = arith.index_cast %add3A_803 : i32 to index
        %get3A_819 = arith.constant 32 : index
        %get3A_820 = tpu.vector_load %arg6[%get3A_817, %get3A_818, %get3A_819] {strides = array<i32>} : memref<2x100x64xf32, #tpu.memory_space<vmem>>, vector<1x1x16xf32>,
        %get3A_821 = vector.shape_cast %get3A_820 : vector<1x1x16xf32> to vector<16xf32>
        %get3A_822 = arith.constant 0 : i32
        %get3A_823 = arith.index_cast %get3A_822 : i32 to index
        %get3A_824 = arith.index_cast %add3A_803 : i32 to index
        %get3A_825 = arith.constant 48 : index
        %get3A_826 = tpu.vector_load %arg6[%get3A_823, %get3A_824, %get3A_825] {strides = array<i32>} : memref<2x100x64xf32, #tpu.memory_space<vmem>>, vector<1x1x16xf32>,
        %get3A_827 = vector.shape_cast %get3A_826 : vector<1x1x16xf32> to vector<16xf32>
        %mul3A_828 = arith.mulf %get3A_809, %get3A_809 : vector<16xf32>
        %mul3A_829 = arith.mulf %get3A_815, %get3A_815 : vector<16xf32>
        %add3A_830 = arith.addf %mul3A_828, %mul3A_829 : vector<16xf32>
        %mul3A_831 = arith.mulf %get3A_821, %get3A_821 : vector<16xf32>
        %add3A_832 = arith.addf %add3A_830, %mul3A_831 : vector<16xf32>
        %mul3A_833 = arith.mulf %get3A_827, %get3A_827 : vector<16xf32>
        %add3A_834 = arith.addf %add3A_832, %mul3A_833 : vector<16xf32>
        %gather3A_835 = vector.shape_cast %broadcast_in_dim3A : vector<16x1xi32> to vector<16xi32>
        %gather3A_836 = tpu.dynamic_gather %add3A_834[%gather3A_835] in [0] : vector<16xf32>, vector<16xi32> -> vector<16xf32>
        %add3A_837 = arith.addf %add3A_834, %gather3A_836 : vector<16xf32>
        %gather3A_838 = vector.shape_cast %broadcast_in_dim3A_8 : vector<16x1xi32> to vector<16xi32>
        %gather3A_839 = tpu.dynamic_gather %add3A_837[%gather3A_838] in [0] : vector<16xf32>, vector<16xi32> -> vector<16xf32>
        %add3A_840 = arith.addf %add3A_837, %gather3A_839 : vector<16xf32>
        %gather3A_841 = vector.shape_cast %broadcast_in_dim3A_12 : vector<16x1xi32> to vector<16xi32>
        %gather3A_842 = tpu.dynamic_gather %add3A_840[%gather3A_841] in [0] : vector<16xf32>, vector<16xi32> -> vector<16xf32>
        %add3A_843 = arith.addf %add3A_840, %gather3A_842 : vector<16xf32>
        %gather3A_844 = vector.shape_cast %broadcast_in_dim3A_16 : vector<16x1xi32> to vector<16xi32>
        %gather3A_845 = tpu.dynamic_gather %add3A_843[%gather3A_844] in [0] : vector<16xf32>, vector<16xi32> -> vector<16xf32>
        %add3A_846 = arith.addf %add3A_843, %gather3A_845 : vector<16xf32>
        %bitcast_convert_type3A_847 = tpu.bitcast %add3A_846 : vector<16xf32> -> vector<16xi32>
        %shift_right_arithmetic3A_848 = arith.constant 1 : i32
        %shift_right_arithmetic3A_849 = vector.broadcast %shift_right_arithmetic3A_848 : i32 to vector<16xi32>
        %shift_right_arithmetic3A_850 = arith.shrsi %bitcast_convert_type3A_847, %shift_right_arithmetic3A_849 : vector<16xi32>
        %sub3A_851 = arith.constant 1597463007 : i32
        %sub3A_852 = vector.broadcast %sub3A_851 : i32 to vector<16xi32>
        %sub3A_853 = arith.subi %sub3A_852, %shift_right_arithmetic3A_850 : vector<16xi32>
        %bitcast_convert_type3A_854 = tpu.bitcast %sub3A_853 : vector<16xi32> -> vector<16xf32>
        %mul3A_855 = arith.constant 5.000000e-01 : f32
        %mul3A_856 = vector.broadcast %mul3A_855 : f32 to vector<16xf32>
        %mul3A_857 = arith.mulf %mul3A_856, %add3A_846 : vector<16xf32>
        %mul3A_858 = arith.mulf %mul3A_857, %bitcast_convert_type3A_854 : vector<16xf32>
        %mul3A_859 = arith.mulf %mul3A_858, %bitcast_convert_type3A_854 : vector<16xf32>
        %sub3A_860 = arith.constant 1.500000e+00 : f32
        %sub3A_861 = vector.broadcast %sub3A_860 : f32 to vector<16xf32>
        %sub3A_862 = arith.subf %sub3A_861, %mul3A_859 : vector<16xf32>
        %mul3A_863 = arith.mulf %bitcast_convert_type3A_854, %sub3A_862 : vector<16xf32>
        %mul3A_864 = arith.mulf %mul3A_857, %mul3A_863 : vector<16xf32>
        %mul3A_865 = arith.mulf %mul3A_864, %mul3A_863 : vector<16xf32>
        %sub3A_866 = arith.constant 1.500000e+00 : f32
        %sub3A_867 = vector.broadcast %sub3A_866 : f32 to vector<16xf32>
        %sub3A_868 = arith.subf %sub3A_867, %mul3A_865 : vector<16xf32>
        %mul3A_869 = arith.mulf %mul3A_863, %sub3A_868 : vector<16xf32>
        %mul3A_870 = arith.mulf %mul3A_857, %mul3A_869 : vector<16xf32>
        %mul3A_871 = arith.mulf %mul3A_870, %mul3A_869 : vector<16xf32>
        %sub3A_872 = arith.constant 1.500000e+00 : f32
        %sub3A_873 = vector.broadcast %sub3A_872 : f32 to vector<16xf32>
        %sub3A_874 = arith.subf %sub3A_873, %mul3A_871 : vector<16xf32>
        %mul3A_875 = arith.mulf %mul3A_869, %sub3A_874 : vector<16xf32>
        %gt3A_876 = arith.constant 1.000000e+00 : f32
        %gt3A_877 = vector.broadcast %gt3A_876 : f32 to vector<16xf32>
        %gt3A_878 = arith.cmpf ogt, %add3A_846, %gt3A_877 : vector<16xf32>
        %jit3A_879 = arith.constant 1.000000e+00 : f32
        %broadcast_in_dim3A_880 = vector.broadcast %jit3A_879 : f32 to vector<16xf32>
        %select_n3A_881 = arith.select %gt3A_878, %mul3A_875, %broadcast_in_dim3A_880 : vector<16xi1>, vector<16xf32>
        %convert_element_type3A_882 = arith.sitofp %add3A_803 : i32 to f32
        %add3A_883 = arith.constant 0.000000e+00 : f32
        %add3A_884 = arith.addf %add3A_883, %convert_element_type3A_882 : f32
        %mul3A_885 = arith.constant 0.00452261325 : f32
        %mul3A_886 = arith.mulf %add3A_884, %mul3A_885 : f32
        %add3A_887 = arith.constant 1.000000e-01 : f32
        %add3A_888 = arith.addf %add3A_887, %mul3A_886 : f32
        %mul3A_889 = vector.broadcast %add3A_888 : f32 to vector<16xf32>
        %mul3A_890 = arith.mulf %select_n3A_881, %mul3A_889 : vector<16xf32>
        %mul3A_891 = arith.mulf %mul3A_890, %get3A_809 : vector<16xf32>
        %add3A_892 = arith.addf %add3A_793, %mul3A_891 : vector<16xf32>
        %mul3A_893 = arith.mulf %mul3A_890, %get3A_815 : vector<16xf32>
        %add3A_894 = arith.addf %add3A_795, %mul3A_893 : vector<16xf32>
        %mul3A_895 = arith.mulf %mul3A_890, %get3A_821 : vector<16xf32>
        %add3A_896 = arith.addf %add3A_797, %mul3A_895 : vector<16xf32>
        %mul3A_897 = arith.mulf %mul3A_890, %get3A_827 : vector<16xf32>
        %add3A_898 = arith.addf %add3A_799, %mul3A_897 : vector<16xf32>
        %mul3A_899 = arith.constant 10 : i32
        %mul3A_900 = arith.muli %scan3A_110, %mul3A_899 : i32
        %add3A_901 = arith.constant 8 : i32
        %add3A_902 = arith.addi %mul3A_900, %add3A_901 : i32
        %get3A_903 = arith.constant 0 : i32
        %get3A_904 = arith.index_cast %get3A_903 : i32 to index
        %get3A_905 = arith.index_cast %add3A_902 : i32 to index
        %get3A_906 = arith.constant 0 : index
        %get3A_907 = tpu.vector_load %arg6[%get3A_904, %get3A_905, %get3A_906] {strides = array<i32>} : memref<2x100x64xf32, #tpu.memory_space<vmem>>, vector<1x1x16xf32>,
        %get3A_908 = vector.shape_cast %get3A_907 : vector<1x1x16xf32> to vector<16xf32>
        %get3A_909 = arith.constant 0 : i32
        %get3A_910 = arith.index_cast %get3A_909 : i32 to index
        %get3A_911 = arith.index_cast %add3A_902 : i32 to index
        %get3A_912 = arith.constant 16 : index
        %get3A_913 = tpu.vector_load %arg6[%get3A_910, %get3A_911, %get3A_912] {strides = array<i32>} : memref<2x100x64xf32, #tpu.memory_space<vmem>>, vector<1x1x16xf32>,
        %get3A_914 = vector.shape_cast %get3A_913 : vector<1x1x16xf32> to vector<16xf32>
        %get3A_915 = arith.constant 0 : i32
        %get3A_916 = arith.index_cast %get3A_915 : i32 to index
        %get3A_917 = arith.index_cast %add3A_902 : i32 to index
        %get3A_918 = arith.constant 32 : index
        %get3A_919 = tpu.vector_load %arg6[%get3A_916, %get3A_917, %get3A_918] {strides = array<i32>} : memref<2x100x64xf32, #tpu.memory_space<vmem>>, vector<1x1x16xf32>,
        %get3A_920 = vector.shape_cast %get3A_919 : vector<1x1x16xf32> to vector<16xf32>
        %get3A_921 = arith.constant 0 : i32
        %get3A_922 = arith.index_cast %get3A_921 : i32 to index
        %get3A_923 = arith.index_cast %add3A_902 : i32 to index
        %get3A_924 = arith.constant 48 : index
        %get3A_925 = tpu.vector_load %arg6[%get3A_922, %get3A_923, %get3A_924] {strides = array<i32>} : memref<2x100x64xf32, #tpu.memory_space<vmem>>, vector<1x1x16xf32>,
        %get3A_926 = vector.shape_cast %get3A_925 : vector<1x1x16xf32> to vector<16xf32>
        %mul3A_927 = arith.mulf %get3A_908, %get3A_908 : vector<16xf32>
        %mul3A_928 = arith.mulf %get3A_914, %get3A_914 : vector<16xf32>
        %add3A_929 = arith.addf %mul3A_927, %mul3A_928 : vector<16xf32>
        %mul3A_930 = arith.mulf %get3A_920, %get3A_920 : vector<16xf32>
        %add3A_931 = arith.addf %add3A_929, %mul3A_930 : vector<16xf32>
        %mul3A_932 = arith.mulf %get3A_926, %get3A_926 : vector<16xf32>
        %add3A_933 = arith.addf %add3A_931, %mul3A_932 : vector<16xf32>
        %gather3A_934 = vector.shape_cast %broadcast_in_dim3A : vector<16x1xi32> to vector<16xi32>
        %gather3A_935 = tpu.dynamic_gather %add3A_933[%gather3A_934] in [0] : vector<16xf32>, vector<16xi32> -> vector<16xf32>
        %add3A_936 = arith.addf %add3A_933, %gather3A_935 : vector<16xf32>
        %gather3A_937 = vector.shape_cast %broadcast_in_dim3A_8 : vector<16x1xi32> to vector<16xi32>
        %gather3A_938 = tpu.dynamic_gather %add3A_936[%gather3A_937] in [0] : vector<16xf32>, vector<16xi32> -> vector<16xf32>
        %add3A_939 = arith.addf %add3A_936, %gather3A_938 : vector<16xf32>
        %gather3A_940 = vector.shape_cast %broadcast_in_dim3A_12 : vector<16x1xi32> to vector<16xi32>
        %gather3A_941 = tpu.dynamic_gather %add3A_939[%gather3A_940] in [0] : vector<16xf32>, vector<16xi32> -> vector<16xf32>
        %add3A_942 = arith.addf %add3A_939, %gather3A_941 : vector<16xf32>
        %gather3A_943 = vector.shape_cast %broadcast_in_dim3A_16 : vector<16x1xi32> to vector<16xi32>
        %gather3A_944 = tpu.dynamic_gather %add3A_942[%gather3A_943] in [0] : vector<16xf32>, vector<16xi32> -> vector<16xf32>
        %add3A_945 = arith.addf %add3A_942, %gather3A_944 : vector<16xf32>
        %bitcast_convert_type3A_946 = tpu.bitcast %add3A_945 : vector<16xf32> -> vector<16xi32>
        %shift_right_arithmetic3A_947 = arith.constant 1 : i32
        %shift_right_arithmetic3A_948 = vector.broadcast %shift_right_arithmetic3A_947 : i32 to vector<16xi32>
        %shift_right_arithmetic3A_949 = arith.shrsi %bitcast_convert_type3A_946, %shift_right_arithmetic3A_948 : vector<16xi32>
        %sub3A_950 = arith.constant 1597463007 : i32
        %sub3A_951 = vector.broadcast %sub3A_950 : i32 to vector<16xi32>
        %sub3A_952 = arith.subi %sub3A_951, %shift_right_arithmetic3A_949 : vector<16xi32>
        %bitcast_convert_type3A_953 = tpu.bitcast %sub3A_952 : vector<16xi32> -> vector<16xf32>
        %mul3A_954 = arith.constant 5.000000e-01 : f32
        %mul3A_955 = vector.broadcast %mul3A_954 : f32 to vector<16xf32>
        %mul3A_956 = arith.mulf %mul3A_955, %add3A_945 : vector<16xf32>
        %mul3A_957 = arith.mulf %mul3A_956, %bitcast_convert_type3A_953 : vector<16xf32>
        %mul3A_958 = arith.mulf %mul3A_957, %bitcast_convert_type3A_953 : vector<16xf32>
        %sub3A_959 = arith.constant 1.500000e+00 : f32
        %sub3A_960 = vector.broadcast %sub3A_959 : f32 to vector<16xf32>
        %sub3A_961 = arith.subf %sub3A_960, %mul3A_958 : vector<16xf32>
        %mul3A_962 = arith.mulf %bitcast_convert_type3A_953, %sub3A_961 : vector<16xf32>
        %mul3A_963 = arith.mulf %mul3A_956, %mul3A_962 : vector<16xf32>
        %mul3A_964 = arith.mulf %mul3A_963, %mul3A_962 : vector<16xf32>
        %sub3A_965 = arith.constant 1.500000e+00 : f32
        %sub3A_966 = vector.broadcast %sub3A_965 : f32 to vector<16xf32>
        %sub3A_967 = arith.subf %sub3A_966, %mul3A_964 : vector<16xf32>
        %mul3A_968 = arith.mulf %mul3A_962, %sub3A_967 : vector<16xf32>
        %mul3A_969 = arith.mulf %mul3A_956, %mul3A_968 : vector<16xf32>
        %mul3A_970 = arith.mulf %mul3A_969, %mul3A_968 : vector<16xf32>
        %sub3A_971 = arith.constant 1.500000e+00 : f32
        %sub3A_972 = vector.broadcast %sub3A_971 : f32 to vector<16xf32>
        %sub3A_973 = arith.subf %sub3A_972, %mul3A_970 : vector<16xf32>
        %mul3A_974 = arith.mulf %mul3A_968, %sub3A_973 : vector<16xf32>
        %gt3A_975 = arith.constant 1.000000e+00 : f32
        %gt3A_976 = vector.broadcast %gt3A_975 : f32 to vector<16xf32>
        %gt3A_977 = arith.cmpf ogt, %add3A_945, %gt3A_976 : vector<16xf32>
        %jit3A_978 = arith.constant 1.000000e+00 : f32
        %broadcast_in_dim3A_979 = vector.broadcast %jit3A_978 : f32 to vector<16xf32>
        %select_n3A_980 = arith.select %gt3A_977, %mul3A_974, %broadcast_in_dim3A_979 : vector<16xi1>, vector<16xf32>
        %convert_element_type3A_981 = arith.sitofp %add3A_902 : i32 to f32
        %add3A_982 = arith.constant 0.000000e+00 : f32
        %add3A_983 = arith.addf %add3A_982, %convert_element_type3A_981 : f32
        %mul3A_984 = arith.constant 0.00452261325 : f32
        %mul3A_985 = arith.mulf %add3A_983, %mul3A_984 : f32
        %add3A_986 = arith.constant 1.000000e-01 : f32
        %add3A_987 = arith.addf %add3A_986, %mul3A_985 : f32
        %mul3A_988 = vector.broadcast %add3A_987 : f32 to vector<16xf32>
        %mul3A_989 = arith.mulf %select_n3A_980, %mul3A_988 : vector<16xf32>
        %mul3A_990 = arith.mulf %mul3A_989, %get3A_908 : vector<16xf32>
        %add3A_991 = arith.addf %add3A_892, %mul3A_990 : vector<16xf32>
        %mul3A_992 = arith.mulf %mul3A_989, %get3A_914 : vector<16xf32>
        %add3A_993 = arith.addf %add3A_894, %mul3A_992 : vector<16xf32>
        %mul3A_994 = arith.mulf %mul3A_989, %get3A_920 : vector<16xf32>
        %add3A_995 = arith.addf %add3A_896, %mul3A_994 : vector<16xf32>
        %mul3A_996 = arith.mulf %mul3A_989, %get3A_926 : vector<16xf32>
        %add3A_997 = arith.addf %add3A_898, %mul3A_996 : vector<16xf32>
        %mul3A_998 = arith.constant 10 : i32
        %mul3A_999 = arith.muli %scan3A_110, %mul3A_998 : i32
        %add3A_1000 = arith.constant 9 : i32
        %add3A_1001 = arith.addi %mul3A_999, %add3A_1000 : i32
        %get3A_1002 = arith.constant 0 : i32
        %get3A_1003 = arith.index_cast %get3A_1002 : i32 to index
        %get3A_1004 = arith.index_cast %add3A_1001 : i32 to index
        %get3A_1005 = arith.constant 0 : index
        %get3A_1006 = tpu.vector_load %arg6[%get3A_1003, %get3A_1004, %get3A_1005] {strides = array<i32>} : memref<2x100x64xf32, #tpu.memory_space<vmem>>, vector<1x1x16xf32>,
        %get3A_1007 = vector.shape_cast %get3A_1006 : vector<1x1x16xf32> to vector<16xf32>
        %get3A_1008 = arith.constant 0 : i32
        %get3A_1009 = arith.index_cast %get3A_1008 : i32 to index
        %get3A_1010 = arith.index_cast %add3A_1001 : i32 to index
        %get3A_1011 = arith.constant 16 : index
        %get3A_1012 = tpu.vector_load %arg6[%get3A_1009, %get3A_1010, %get3A_1011] {strides = array<i32>} : memref<2x100x64xf32, #tpu.memory_space<vmem>>, vector<1x1x16xf32>,
        %get3A_1013 = vector.shape_cast %get3A_1012 : vector<1x1x16xf32> to vector<16xf32>
        %get3A_1014 = arith.constant 0 : i32
        %get3A_1015 = arith.index_cast %get3A_1014 : i32 to index
        %get3A_1016 = arith.index_cast %add3A_1001 : i32 to index
        %get3A_1017 = arith.constant 32 : index
        %get3A_1018 = tpu.vector_load %arg6[%get3A_1015, %get3A_1016, %get3A_1017] {strides = array<i32>} : memref<2x100x64xf32, #tpu.memory_space<vmem>>, vector<1x1x16xf32>,
        %get3A_1019 = vector.shape_cast %get3A_1018 : vector<1x1x16xf32> to vector<16xf32>
        %get3A_1020 = arith.constant 0 : i32
        %get3A_1021 = arith.index_cast %get3A_1020 : i32 to index
        %get3A_1022 = arith.index_cast %add3A_1001 : i32 to index
        %get3A_1023 = arith.constant 48 : index
        %get3A_1024 = tpu.vector_load %arg6[%get3A_1021, %get3A_1022, %get3A_1023] {strides = array<i32>} : memref<2x100x64xf32, #tpu.memory_space<vmem>>, vector<1x1x16xf32>,
        %get3A_1025 = vector.shape_cast %get3A_1024 : vector<1x1x16xf32> to vector<16xf32>
        %mul3A_1026 = arith.mulf %get3A_1007, %get3A_1007 : vector<16xf32>
        %mul3A_1027 = arith.mulf %get3A_1013, %get3A_1013 : vector<16xf32>
        %add3A_1028 = arith.addf %mul3A_1026, %mul3A_1027 : vector<16xf32>
        %mul3A_1029 = arith.mulf %get3A_1019, %get3A_1019 : vector<16xf32>
        %add3A_1030 = arith.addf %add3A_1028, %mul3A_1029 : vector<16xf32>
        %mul3A_1031 = arith.mulf %get3A_1025, %get3A_1025 : vector<16xf32>
        %add3A_1032 = arith.addf %add3A_1030, %mul3A_1031 : vector<16xf32>
        %gather3A_1033 = vector.shape_cast %broadcast_in_dim3A : vector<16x1xi32> to vector<16xi32>
        %gather3A_1034 = tpu.dynamic_gather %add3A_1032[%gather3A_1033] in [0] : vector<16xf32>, vector<16xi32> -> vector<16xf32>
        %add3A_1035 = arith.addf %add3A_1032, %gather3A_1034 : vector<16xf32>
        %gather3A_1036 = vector.shape_cast %broadcast_in_dim3A_8 : vector<16x1xi32> to vector<16xi32>
        %gather3A_1037 = tpu.dynamic_gather %add3A_1035[%gather3A_1036] in [0] : vector<16xf32>, vector<16xi32> -> vector<16xf32>
        %add3A_1038 = arith.addf %add3A_1035, %gather3A_1037 : vector<16xf32>
        %gather3A_1039 = vector.shape_cast %broadcast_in_dim3A_12 : vector<16x1xi32> to vector<16xi32>
        %gather3A_1040 = tpu.dynamic_gather %add3A_1038[%gather3A_1039] in [0] : vector<16xf32>, vector<16xi32> -> vector<16xf32>
        %add3A_1041 = arith.addf %add3A_1038, %gather3A_1040 : vector<16xf32>
        %gather3A_1042 = vector.shape_cast %broadcast_in_dim3A_16 : vector<16x1xi32> to vector<16xi32>
        %gather3A_1043 = tpu.dynamic_gather %add3A_1041[%gather3A_1042] in [0] : vector<16xf32>, vector<16xi32> -> vector<16xf32>
        %add3A_1044 = arith.addf %add3A_1041, %gather3A_1043 : vector<16xf32>
        %bitcast_convert_type3A_1045 = tpu.bitcast %add3A_1044 : vector<16xf32> -> vector<16xi32>
        %shift_right_arithmetic3A_1046 = arith.constant 1 : i32
        %shift_right_arithmetic3A_1047 = vector.broadcast %shift_right_arithmetic3A_1046 : i32 to vector<16xi32>
        %shift_right_arithmetic3A_1048 = arith.shrsi %bitcast_convert_type3A_1045, %shift_right_arithmetic3A_1047 : vector<16xi32>
        %sub3A_1049 = arith.constant 1597463007 : i32
        %sub3A_1050 = vector.broadcast %sub3A_1049 : i32 to vector<16xi32>
        %sub3A_1051 = arith.subi %sub3A_1050, %shift_right_arithmetic3A_1048 : vector<16xi32>
        %bitcast_convert_type3A_1052 = tpu.bitcast %sub3A_1051 : vector<16xi32> -> vector<16xf32>
        %mul3A_1053 = arith.constant 5.000000e-01 : f32
        %mul3A_1054 = vector.broadcast %mul3A_1053 : f32 to vector<16xf32>
        %mul3A_1055 = arith.mulf %mul3A_1054, %add3A_1044 : vector<16xf32>
        %mul3A_1056 = arith.mulf %mul3A_1055, %bitcast_convert_type3A_1052 : vector<16xf32>
        %mul3A_1057 = arith.mulf %mul3A_1056, %bitcast_convert_type3A_1052 : vector<16xf32>
        %sub3A_1058 = arith.constant 1.500000e+00 : f32
        %sub3A_1059 = vector.broadcast %sub3A_1058 : f32 to vector<16xf32>
        %sub3A_1060 = arith.subf %sub3A_1059, %mul3A_1057 : vector<16xf32>
        %mul3A_1061 = arith.mulf %bitcast_convert_type3A_1052, %sub3A_1060 : vector<16xf32>
        %mul3A_1062 = arith.mulf %mul3A_1055, %mul3A_1061 : vector<16xf32>
        %mul3A_1063 = arith.mulf %mul3A_1062, %mul3A_1061 : vector<16xf32>
        %sub3A_1064 = arith.constant 1.500000e+00 : f32
        %sub3A_1065 = vector.broadcast %sub3A_1064 : f32 to vector<16xf32>
        %sub3A_1066 = arith.subf %sub3A_1065, %mul3A_1063 : vector<16xf32>
        %mul3A_1067 = arith.mulf %mul3A_1061, %sub3A_1066 : vector<16xf32>
        %mul3A_1068 = arith.mulf %mul3A_1055, %mul3A_1067 : vector<16xf32>
        %mul3A_1069 = arith.mulf %mul3A_1068, %mul3A_1067 : vector<16xf32>
        %sub3A_1070 = arith.constant 1.500000e+00 : f32
        %sub3A_1071 = vector.broadcast %sub3A_1070 : f32 to vector<16xf32>
        %sub3A_1072 = arith.subf %sub3A_1071, %mul3A_1069 : vector<16xf32>
        %mul3A_1073 = arith.mulf %mul3A_1067, %sub3A_1072 : vector<16xf32>
        %gt3A_1074 = arith.constant 1.000000e+00 : f32
        %gt3A_1075 = vector.broadcast %gt3A_1074 : f32 to vector<16xf32>
        %gt3A_1076 = arith.cmpf ogt, %add3A_1044, %gt3A_1075 : vector<16xf32>
        %jit3A_1077 = arith.constant 1.000000e+00 : f32
        %broadcast_in_dim3A_1078 = vector.broadcast %jit3A_1077 : f32 to vector<16xf32>
        %select_n3A_1079 = arith.select %gt3A_1076, %mul3A_1073, %broadcast_in_dim3A_1078 : vector<16xi1>, vector<16xf32>
        %convert_element_type3A_1080 = arith.sitofp %add3A_1001 : i32 to f32
        %add3A_1081 = arith.constant 0.000000e+00 : f32
        %add3A_1082 = arith.addf %add3A_1081, %convert_element_type3A_1080 : f32
        %mul3A_1083 = arith.constant 0.00452261325 : f32
        %mul3A_1084 = arith.mulf %add3A_1082, %mul3A_1083 : f32
        %add3A_1085 = arith.constant 1.000000e-01 : f32
        %add3A_1086 = arith.addf %add3A_1085, %mul3A_1084 : f32
        %mul3A_1087 = vector.broadcast %add3A_1086 : f32 to vector<16xf32>
        %mul3A_1088 = arith.mulf %select_n3A_1079, %mul3A_1087 : vector<16xf32>
        %mul3A_1089 = arith.mulf %mul3A_1088, %get3A_1007 : vector<16xf32>
        %add3A_1090 = arith.addf %add3A_991, %mul3A_1089 : vector<16xf32>
        %mul3A_1091 = arith.mulf %mul3A_1088, %get3A_1013 : vector<16xf32>
        %add3A_1092 = arith.addf %add3A_993, %mul3A_1091 : vector<16xf32>
        %mul3A_1093 = arith.mulf %mul3A_1088, %get3A_1019 : vector<16xf32>
        %add3A_1094 = arith.addf %add3A_995, %mul3A_1093 : vector<16xf32>
        %mul3A_1095 = arith.mulf %mul3A_1088, %get3A_1025 : vector<16xf32>
        %add3A_1096 = arith.addf %add3A_997, %mul3A_1095 : vector<16xf32>
        scf.yield %add3A_1090, %add3A_1092, %add3A_1094, %add3A_1096 : vector<16xf32>, vector<16xf32>, vector<16xf32>, vector<16xf32>
      }
      %scan3A_67 = arith.constant 10 : i32
      %add3A_68 = arith.constant 1 : i32
      %add3A_69 = arith.addi %scan3A_35, %add3A_68 : i32
      %lt3A = arith.constant 128 : i32
      %lt3A_70 = arith.cmpi slt, %add3A_69, %lt3A : i32
      %convert_element_type3A = arith.extui %lt3A_70 : i1 to i32
      %cond3A = arith.constant 0 : i32
      %cond3A_71 = arith.cmpi ne, %convert_element_type3A, %cond3A : i32
      scf.if %cond3A_71 {
        %add3A_110 = arith.constant 1 : i32
        %add3A_111 = arith.addi %scan3A_35, %add3A_110 : i32
        %dma_start3A_112 = arith.constant 0 : i32
        %dma_start3A_113 = arith.constant 0 : i32
        %dma_start3A_114 = arith.constant 0 : i32
        %dma_start3A_115 = arith.constant 0 : i32
        %dma_start3A_116 = tpu.memref_slice %arg6[%dma_start3A_113, %dma_start3A_114, %dma_start3A_115] : memref<2x100x64xf32, #tpu.memory_space<vmem>> -> memref<1x100x64xf32, #tpu.memory_space<vmem>>
        %dma_start3A_117 = tpu.memref_squeeze %dma_start3A_116 : memref<1x100x64xf32, #tpu.memory_space<vmem>> -> memref<100x64xf32, #tpu.memory_space<vmem>>
        %dma_start3A_118 = arith.constant 0 : i32
        %dma_start3A_119 = tpu.memref_slice %arg5[%add3A_111, %dma_start3A_112, %dma_start3A_118] : memref<128x2x100xi32, #tpu.memory_space<vmem>> -> memref<1x1x100xi32, #tpu.memory_space<vmem>>
        %dma_start3A_120 = tpu.memref_squeeze %dma_start3A_119 : memref<1x1x100xi32, #tpu.memory_space<vmem>> -> memref<100xi32, #tpu.memory_space<vmem>>
        %dma_start3A_121 = arith.constant 0 : i32
        %dma_start3A_122 = arith.constant 0 : i32
        %dma_start3A_123 = tpu.memref_slice %arg3[%dma_start3A_121, %dma_start3A_122] : memref<1000000x64xf32, #tpu.memory_space<hbm>> -> memref<1000000x64xf32, #tpu.memory_space<hbm>>
        tpu.enqueue_indirect_dma source(%dma_start3A_123 : memref<1000000x64xf32, #tpu.memory_space<hbm>>) target(%dma_start3A_117 : memref<100x64xf32, #tpu.memory_space<vmem>>) offsets(%dma_start3A_120 : memref<100xi32, #tpu.memory_space<vmem>>) semaphore(%arg8 : memref<!tpu.dma_semaphore, #tpu.memory_space<semaphore_mem>>)
      } else {
      }
      %dma_wait3A_72 = arith.constant 1 : i32
      %dma_wait3A_73 = arith.constant 1 : i32
      %dma_wait3A_74 = arith.constant 0 : i32
      %dma_wait3A_75 = arith.constant 0 : i32
      %dma_wait3A_76 = tpu.memref_slice %arg6[%dma_wait3A_73, %dma_wait3A_74, %dma_wait3A_75] : memref<2x100x64xf32, #tpu.memory_space<vmem>> -> memref<1x100x64xf32, #tpu.memory_space<vmem>>
      %dma_wait3A_77 = tpu.memref_squeeze %dma_wait3A_76 : memref<1x100x64xf32, #tpu.memory_space<vmem>> -> memref<100x64xf32, #tpu.memory_space<vmem>>
      %dma_wait3A_78 = arith.constant 0 : i32
      %dma_wait3A_79 = tpu.memref_slice %arg5[%scan3A_35, %dma_wait3A_72, %dma_wait3A_78] : memref<128x2x100xi32, #tpu.memory_space<vmem>> -> memref<1x1x100xi32, #tpu.memory_space<vmem>>
      %dma_wait3A_80 = tpu.memref_squeeze %dma_wait3A_79 : memref<1x1x100xi32, #tpu.memory_space<vmem>> -> memref<100xi32, #tpu.memory_space<vmem>>
      %dma_wait3A_81 = arith.constant 0 : i32
      %dma_wait3A_82 = arith.constant 0 : i32
      %dma_wait3A_83 = tpu.memref_slice %arg3[%dma_wait3A_81, %dma_wait3A_82] : memref<1000000x64xf32, #tpu.memory_space<hbm>> -> memref<1000000x64xf32, #tpu.memory_space<hbm>>
      tpu.wait_indirect_dma semaphore(%arg9 : memref<!tpu.dma_semaphore, #tpu.memory_space<semaphore_mem>>) src(%dma_wait3A_83 : memref<1000000x64xf32, #tpu.memory_space<hbm>>) dst(%dma_wait3A_77 : memref<100x64xf32, #tpu.memory_space<vmem>>)
      %scan3A_84 = arith.constant 0 : i32
      %scan3A_85 = arith.constant 10 : i32
      %scan3A_86 = arith.addi %scan3A_84, %scan3A_85 : i32
      %scan3A_87 = arith.constant 1 : i32
      %scan3A_88:4 = scf.for %scan3A_110 = %scan3A_84 to %scan3A_86 step %scan3A_87 iter_args(%scan3A_111 = %scan3A_66#0, %scan3A_112 = %scan3A_66#1, %scan3A_113 = %scan3A_66#2, %scan3A_114 = %scan3A_66#3) -> (vector<16xf32>, vector<16xf32>, vector<16xf32>, vector<16xf32>)  : i32 {
        %mul3A_115 = arith.constant 10 : i32
        %mul3A_116 = arith.muli %scan3A_110, %mul3A_115 : i32
        %add3A_117 = arith.constant 0 : i32
        %add3A_118 = arith.addi %mul3A_116, %add3A_117 : i32
        %get3A = arith.constant 1 : i32
        %get3A_119 = arith.index_cast %get3A : i32 to index
        %get3A_120 = arith.index_cast %add3A_118 : i32 to index
        %get3A_121 = arith.constant 0 : index
        %get3A_122 = tpu.vector_load %arg6[%get3A_119, %get3A_120, %get3A_121] {strides = array<i32>} : memref<2x100x64xf32, #tpu.memory_space<vmem>>, vector<1x1x16xf32>,
        %get3A_123 = vector.shape_cast %get3A_122 : vector<1x1x16xf32> to vector<16xf32>
        %get3A_124 = arith.constant 1 : i32
        %get3A_125 = arith.index_cast %get3A_124 : i32 to index
        %get3A_126 = arith.index_cast %add3A_118 : i32 to index
        %get3A_127 = arith.constant 16 : index
        %get3A_128 = tpu.vector_load %arg6[%get3A_125, %get3A_126, %get3A_127] {strides = array<i32>} : memref<2x100x64xf32, #tpu.memory_space<vmem>>, vector<1x1x16xf32>,
        %get3A_129 = vector.shape_cast %get3A_128 : vector<1x1x16xf32> to vector<16xf32>
        %get3A_130 = arith.constant 1 : i32
        %get3A_131 = arith.index_cast %get3A_130 : i32 to index
        %get3A_132 = arith.index_cast %add3A_118 : i32 to index
        %get3A_133 = arith.constant 32 : index
        %get3A_134 = tpu.vector_load %arg6[%get3A_131, %get3A_132, %get3A_133] {strides = array<i32>} : memref<2x100x64xf32, #tpu.memory_space<vmem>>, vector<1x1x16xf32>,
        %get3A_135 = vector.shape_cast %get3A_134 : vector<1x1x16xf32> to vector<16xf32>
        %get3A_136 = arith.constant 1 : i32
        %get3A_137 = arith.index_cast %get3A_136 : i32 to index
        %get3A_138 = arith.index_cast %add3A_118 : i32 to index
        %get3A_139 = arith.constant 48 : index
        %get3A_140 = tpu.vector_load %arg6[%get3A_137, %get3A_138, %get3A_139] {strides = array<i32>} : memref<2x100x64xf32, #tpu.memory_space<vmem>>, vector<1x1x16xf32>,
        %get3A_141 = vector.shape_cast %get3A_140 : vector<1x1x16xf32> to vector<16xf32>
        %mul3A_142 = arith.mulf %get3A_123, %get3A_123 : vector<16xf32>
        %mul3A_143 = arith.mulf %get3A_129, %get3A_129 : vector<16xf32>
        %add3A_144 = arith.addf %mul3A_142, %mul3A_143 : vector<16xf32>
        %mul3A_145 = arith.mulf %get3A_135, %get3A_135 : vector<16xf32>
        %add3A_146 = arith.addf %add3A_144, %mul3A_145 : vector<16xf32>
        %mul3A_147 = arith.mulf %get3A_141, %get3A_141 : vector<16xf32>
        %add3A_148 = arith.addf %add3A_146, %mul3A_147 : vector<16xf32>
        %gather3A = vector.shape_cast %broadcast_in_dim3A : vector<16x1xi32> to vector<16xi32>
        %gather3A_149 = tpu.dynamic_gather %add3A_148[%gather3A] in [0] : vector<16xf32>, vector<16xi32> -> vector<16xf32>
        %add3A_150 = arith.addf %add3A_148, %gather3A_149 : vector<16xf32>
        %gather3A_151 = vector.shape_cast %broadcast_in_dim3A_8 : vector<16x1xi32> to vector<16xi32>
        %gather3A_152 = tpu.dynamic_gather %add3A_150[%gather3A_151] in [0] : vector<16xf32>, vector<16xi32> -> vector<16xf32>
        %add3A_153 = arith.addf %add3A_150, %gather3A_152 : vector<16xf32>
        %gather3A_154 = vector.shape_cast %broadcast_in_dim3A_12 : vector<16x1xi32> to vector<16xi32>
        %gather3A_155 = tpu.dynamic_gather %add3A_153[%gather3A_154] in [0] : vector<16xf32>, vector<16xi32> -> vector<16xf32>
        %add3A_156 = arith.addf %add3A_153, %gather3A_155 : vector<16xf32>
        %gather3A_157 = vector.shape_cast %broadcast_in_dim3A_16 : vector<16x1xi32> to vector<16xi32>
        %gather3A_158 = tpu.dynamic_gather %add3A_156[%gather3A_157] in [0] : vector<16xf32>, vector<16xi32> -> vector<16xf32>
        %add3A_159 = arith.addf %add3A_156, %gather3A_158 : vector<16xf32>
        %bitcast_convert_type3A = tpu.bitcast %add3A_159 : vector<16xf32> -> vector<16xi32>
        %shift_right_arithmetic3A = arith.constant 1 : i32
        %shift_right_arithmetic3A_160 = vector.broadcast %shift_right_arithmetic3A : i32 to vector<16xi32>
        %shift_right_arithmetic3A_161 = arith.shrsi %bitcast_convert_type3A, %shift_right_arithmetic3A_160 : vector<16xi32>
        %sub3A = arith.constant 1597463007 : i32
        %sub3A_162 = vector.broadcast %sub3A : i32 to vector<16xi32>
        %sub3A_163 = arith.subi %sub3A_162, %shift_right_arithmetic3A_161 : vector<16xi32>
        %bitcast_convert_type3A_164 = tpu.bitcast %sub3A_163 : vector<16xi32> -> vector<16xf32>
        %mul3A_165 = arith.constant 5.000000e-01 : f32
        %mul3A_166 = vector.broadcast %mul3A_165 : f32 to vector<16xf32>
        %mul3A_167 = arith.mulf %mul3A_166, %add3A_159 : vector<16xf32>
        %mul3A_168 = arith.mulf %mul3A_167, %bitcast_convert_type3A_164 : vector<16xf32>
        %mul3A_169 = arith.mulf %mul3A_168, %bitcast_convert_type3A_164 : vector<16xf32>
        %sub3A_170 = arith.constant 1.500000e+00 : f32
        %sub3A_171 = vector.broadcast %sub3A_170 : f32 to vector<16xf32>
        %sub3A_172 = arith.subf %sub3A_171, %mul3A_169 : vector<16xf32>
        %mul3A_173 = arith.mulf %bitcast_convert_type3A_164, %sub3A_172 : vector<16xf32>
        %mul3A_174 = arith.mulf %mul3A_167, %mul3A_173 : vector<16xf32>
        %mul3A_175 = arith.mulf %mul3A_174, %mul3A_173 : vector<16xf32>
        %sub3A_176 = arith.constant 1.500000e+00 : f32
        %sub3A_177 = vector.broadcast %sub3A_176 : f32 to vector<16xf32>
        %sub3A_178 = arith.subf %sub3A_177, %mul3A_175 : vector<16xf32>
        %mul3A_179 = arith.mulf %mul3A_173, %sub3A_178 : vector<16xf32>
        %mul3A_180 = arith.mulf %mul3A_167, %mul3A_179 : vector<16xf32>
        %mul3A_181 = arith.mulf %mul3A_180, %mul3A_179 : vector<16xf32>
        %sub3A_182 = arith.constant 1.500000e+00 : f32
        %sub3A_183 = vector.broadcast %sub3A_182 : f32 to vector<16xf32>
        %sub3A_184 = arith.subf %sub3A_183, %mul3A_181 : vector<16xf32>
        %mul3A_185 = arith.mulf %mul3A_179, %sub3A_184 : vector<16xf32>
        %gt3A = arith.constant 1.000000e+00 : f32
        %gt3A_186 = vector.broadcast %gt3A : f32 to vector<16xf32>
        %gt3A_187 = arith.cmpf ogt, %add3A_159, %gt3A_186 : vector<16xf32>
        %jit3A = arith.constant 1.000000e+00 : f32
        %broadcast_in_dim3A_188 = vector.broadcast %jit3A : f32 to vector<16xf32>
        %select_n3A = arith.select %gt3A_187, %mul3A_185, %broadcast_in_dim3A_188 : vector<16xi1>, vector<16xf32>
        %convert_element_type3A_189 = arith.sitofp %add3A_118 : i32 to f32
        %add3A_190 = arith.constant 1.000000e+02 : f32
        %add3A_191 = arith.addf %add3A_190, %convert_element_type3A_189 : f32
        %mul3A_192 = arith.constant 0.00452261325 : f32
        %mul3A_193 = arith.mulf %add3A_191, %mul3A_192 : f32
        %add3A_194 = arith.constant 1.000000e-01 : f32
        %add3A_195 = arith.addf %add3A_194, %mul3A_193 : f32
        %mul3A_196 = vector.broadcast %add3A_195 : f32 to vector<16xf32>
        %mul3A_197 = arith.mulf %select_n3A, %mul3A_196 : vector<16xf32>
        %mul3A_198 = arith.mulf %mul3A_197, %get3A_123 : vector<16xf32>
        %add3A_199 = arith.addf %scan3A_111, %mul3A_198 : vector<16xf32>
        %mul3A_200 = arith.mulf %mul3A_197, %get3A_129 : vector<16xf32>
        %add3A_201 = arith.addf %scan3A_112, %mul3A_200 : vector<16xf32>
        %mul3A_202 = arith.mulf %mul3A_197, %get3A_135 : vector<16xf32>
        %add3A_203 = arith.addf %scan3A_113, %mul3A_202 : vector<16xf32>
        %mul3A_204 = arith.mulf %mul3A_197, %get3A_141 : vector<16xf32>
        %add3A_205 = arith.addf %scan3A_114, %mul3A_204 : vector<16xf32>
        %mul3A_206 = arith.constant 10 : i32
        %mul3A_207 = arith.muli %scan3A_110, %mul3A_206 : i32
        %add3A_208 = arith.constant 1 : i32
        %add3A_209 = arith.addi %mul3A_207, %add3A_208 : i32
        %get3A_210 = arith.constant 1 : i32
        %get3A_211 = arith.index_cast %get3A_210 : i32 to index
        %get3A_212 = arith.index_cast %add3A_209 : i32 to index
        %get3A_213 = arith.constant 0 : index
        %get3A_214 = tpu.vector_load %arg6[%get3A_211, %get3A_212, %get3A_213] {strides = array<i32>} : memref<2x100x64xf32, #tpu.memory_space<vmem>>, vector<1x1x16xf32>,
        %get3A_215 = vector.shape_cast %get3A_214 : vector<1x1x16xf32> to vector<16xf32>
        %get3A_216 = arith.constant 1 : i32
        %get3A_217 = arith.index_cast %get3A_216 : i32 to index
        %get3A_218 = arith.index_cast %add3A_209 : i32 to index
        %get3A_219 = arith.constant 16 : index
        %get3A_220 = tpu.vector_load %arg6[%get3A_217, %get3A_218, %get3A_219] {strides = array<i32>} : memref<2x100x64xf32, #tpu.memory_space<vmem>>, vector<1x1x16xf32>,
        %get3A_221 = vector.shape_cast %get3A_220 : vector<1x1x16xf32> to vector<16xf32>
        %get3A_222 = arith.constant 1 : i32
        %get3A_223 = arith.index_cast %get3A_222 : i32 to index
        %get3A_224 = arith.index_cast %add3A_209 : i32 to index
        %get3A_225 = arith.constant 32 : index
        %get3A_226 = tpu.vector_load %arg6[%get3A_223, %get3A_224, %get3A_225] {strides = array<i32>} : memref<2x100x64xf32, #tpu.memory_space<vmem>>, vector<1x1x16xf32>,
        %get3A_227 = vector.shape_cast %get3A_226 : vector<1x1x16xf32> to vector<16xf32>
        %get3A_228 = arith.constant 1 : i32
        %get3A_229 = arith.index_cast %get3A_228 : i32 to index
        %get3A_230 = arith.index_cast %add3A_209 : i32 to index
        %get3A_231 = arith.constant 48 : index
        %get3A_232 = tpu.vector_load %arg6[%get3A_229, %get3A_230, %get3A_231] {strides = array<i32>} : memref<2x100x64xf32, #tpu.memory_space<vmem>>, vector<1x1x16xf32>,
        %get3A_233 = vector.shape_cast %get3A_232 : vector<1x1x16xf32> to vector<16xf32>
        %mul3A_234 = arith.mulf %get3A_215, %get3A_215 : vector<16xf32>
        %mul3A_235 = arith.mulf %get3A_221, %get3A_221 : vector<16xf32>
        %add3A_236 = arith.addf %mul3A_234, %mul3A_235 : vector<16xf32>
        %mul3A_237 = arith.mulf %get3A_227, %get3A_227 : vector<16xf32>
        %add3A_238 = arith.addf %add3A_236, %mul3A_237 : vector<16xf32>
        %mul3A_239 = arith.mulf %get3A_233, %get3A_233 : vector<16xf32>
        %add3A_240 = arith.addf %add3A_238, %mul3A_239 : vector<16xf32>
        %gather3A_241 = vector.shape_cast %broadcast_in_dim3A : vector<16x1xi32> to vector<16xi32>
        %gather3A_242 = tpu.dynamic_gather %add3A_240[%gather3A_241] in [0] : vector<16xf32>, vector<16xi32> -> vector<16xf32>
        %add3A_243 = arith.addf %add3A_240, %gather3A_242 : vector<16xf32>
        %gather3A_244 = vector.shape_cast %broadcast_in_dim3A_8 : vector<16x1xi32> to vector<16xi32>
        %gather3A_245 = tpu.dynamic_gather %add3A_243[%gather3A_244] in [0] : vector<16xf32>, vector<16xi32> -> vector<16xf32>
        %add3A_246 = arith.addf %add3A_243, %gather3A_245 : vector<16xf32>
        %gather3A_247 = vector.shape_cast %broadcast_in_dim3A_12 : vector<16x1xi32> to vector<16xi32>
        %gather3A_248 = tpu.dynamic_gather %add3A_246[%gather3A_247] in [0] : vector<16xf32>, vector<16xi32> -> vector<16xf32>
        %add3A_249 = arith.addf %add3A_246, %gather3A_248 : vector<16xf32>
        %gather3A_250 = vector.shape_cast %broadcast_in_dim3A_16 : vector<16x1xi32> to vector<16xi32>
        %gather3A_251 = tpu.dynamic_gather %add3A_249[%gather3A_250] in [0] : vector<16xf32>, vector<16xi32> -> vector<16xf32>
        %add3A_252 = arith.addf %add3A_249, %gather3A_251 : vector<16xf32>
        %bitcast_convert_type3A_253 = tpu.bitcast %add3A_252 : vector<16xf32> -> vector<16xi32>
        %shift_right_arithmetic3A_254 = arith.constant 1 : i32
        %shift_right_arithmetic3A_255 = vector.broadcast %shift_right_arithmetic3A_254 : i32 to vector<16xi32>
        %shift_right_arithmetic3A_256 = arith.shrsi %bitcast_convert_type3A_253, %shift_right_arithmetic3A_255 : vector<16xi32>
        %sub3A_257 = arith.constant 1597463007 : i32
        %sub3A_258 = vector.broadcast %sub3A_257 : i32 to vector<16xi32>
        %sub3A_259 = arith.subi %sub3A_258, %shift_right_arithmetic3A_256 : vector<16xi32>
        %bitcast_convert_type3A_260 = tpu.bitcast %sub3A_259 : vector<16xi32> -> vector<16xf32>
        %mul3A_261 = arith.constant 5.000000e-01 : f32
        %mul3A_262 = vector.broadcast %mul3A_261 : f32 to vector<16xf32>
        %mul3A_263 = arith.mulf %mul3A_262, %add3A_252 : vector<16xf32>
        %mul3A_264 = arith.mulf %mul3A_263, %bitcast_convert_type3A_260 : vector<16xf32>
        %mul3A_265 = arith.mulf %mul3A_264, %bitcast_convert_type3A_260 : vector<16xf32>
        %sub3A_266 = arith.constant 1.500000e+00 : f32
        %sub3A_267 = vector.broadcast %sub3A_266 : f32 to vector<16xf32>
        %sub3A_268 = arith.subf %sub3A_267, %mul3A_265 : vector<16xf32>
        %mul3A_269 = arith.mulf %bitcast_convert_type3A_260, %sub3A_268 : vector<16xf32>
        %mul3A_270 = arith.mulf %mul3A_263, %mul3A_269 : vector<16xf32>
        %mul3A_271 = arith.mulf %mul3A_270, %mul3A_269 : vector<16xf32>
        %sub3A_272 = arith.constant 1.500000e+00 : f32
        %sub3A_273 = vector.broadcast %sub3A_272 : f32 to vector<16xf32>
        %sub3A_274 = arith.subf %sub3A_273, %mul3A_271 : vector<16xf32>
        %mul3A_275 = arith.mulf %mul3A_269, %sub3A_274 : vector<16xf32>
        %mul3A_276 = arith.mulf %mul3A_263, %mul3A_275 : vector<16xf32>
        %mul3A_277 = arith.mulf %mul3A_276, %mul3A_275 : vector<16xf32>
        %sub3A_278 = arith.constant 1.500000e+00 : f32
        %sub3A_279 = vector.broadcast %sub3A_278 : f32 to vector<16xf32>
        %sub3A_280 = arith.subf %sub3A_279, %mul3A_277 : vector<16xf32>
        %mul3A_281 = arith.mulf %mul3A_275, %sub3A_280 : vector<16xf32>
        %gt3A_282 = arith.constant 1.000000e+00 : f32
        %gt3A_283 = vector.broadcast %gt3A_282 : f32 to vector<16xf32>
        %gt3A_284 = arith.cmpf ogt, %add3A_252, %gt3A_283 : vector<16xf32>
        %jit3A_285 = arith.constant 1.000000e+00 : f32
        %broadcast_in_dim3A_286 = vector.broadcast %jit3A_285 : f32 to vector<16xf32>
        %select_n3A_287 = arith.select %gt3A_284, %mul3A_281, %broadcast_in_dim3A_286 : vector<16xi1>, vector<16xf32>
        %convert_element_type3A_288 = arith.sitofp %add3A_209 : i32 to f32
        %add3A_289 = arith.constant 1.000000e+02 : f32
        %add3A_290 = arith.addf %add3A_289, %convert_element_type3A_288 : f32
        %mul3A_291 = arith.constant 0.00452261325 : f32
        %mul3A_292 = arith.mulf %add3A_290, %mul3A_291 : f32
        %add3A_293 = arith.constant 1.000000e-01 : f32
        %add3A_294 = arith.addf %add3A_293, %mul3A_292 : f32
        %mul3A_295 = vector.broadcast %add3A_294 : f32 to vector<16xf32>
        %mul3A_296 = arith.mulf %select_n3A_287, %mul3A_295 : vector<16xf32>
        %mul3A_297 = arith.mulf %mul3A_296, %get3A_215 : vector<16xf32>
        %add3A_298 = arith.addf %add3A_199, %mul3A_297 : vector<16xf32>
        %mul3A_299 = arith.mulf %mul3A_296, %get3A_221 : vector<16xf32>
        %add3A_300 = arith.addf %add3A_201, %mul3A_299 : vector<16xf32>
        %mul3A_301 = arith.mulf %mul3A_296, %get3A_227 : vector<16xf32>
        %add3A_302 = arith.addf %add3A_203, %mul3A_301 : vector<16xf32>
        %mul3A_303 = arith.mulf %mul3A_296, %get3A_233 : vector<16xf32>
        %add3A_304 = arith.addf %add3A_205, %mul3A_303 : vector<16xf32>
        %mul3A_305 = arith.constant 10 : i32
        %mul3A_306 = arith.muli %scan3A_110, %mul3A_305 : i32
        %add3A_307 = arith.constant 2 : i32
        %add3A_308 = arith.addi %mul3A_306, %add3A_307 : i32
        %get3A_309 = arith.constant 1 : i32
        %get3A_310 = arith.index_cast %get3A_309 : i32 to index
        %get3A_311 = arith.index_cast %add3A_308 : i32 to index
        %get3A_312 = arith.constant 0 : index
        %get3A_313 = tpu.vector_load %arg6[%get3A_310, %get3A_311, %get3A_312] {strides = array<i32>} : memref<2x100x64xf32, #tpu.memory_space<vmem>>, vector<1x1x16xf32>,
        %get3A_314 = vector.shape_cast %get3A_313 : vector<1x1x16xf32> to vector<16xf32>
        %get3A_315 = arith.constant 1 : i32
        %get3A_316 = arith.index_cast %get3A_315 : i32 to index
        %get3A_317 = arith.index_cast %add3A_308 : i32 to index
        %get3A_318 = arith.constant 16 : index
        %get3A_319 = tpu.vector_load %arg6[%get3A_316, %get3A_317, %get3A_318] {strides = array<i32>} : memref<2x100x64xf32, #tpu.memory_space<vmem>>, vector<1x1x16xf32>,
        %get3A_320 = vector.shape_cast %get3A_319 : vector<1x1x16xf32> to vector<16xf32>
        %get3A_321 = arith.constant 1 : i32
        %get3A_322 = arith.index_cast %get3A_321 : i32 to index
        %get3A_323 = arith.index_cast %add3A_308 : i32 to index
        %get3A_324 = arith.constant 32 : index
        %get3A_325 = tpu.vector_load %arg6[%get3A_322, %get3A_323, %get3A_324] {strides = array<i32>} : memref<2x100x64xf32, #tpu.memory_space<vmem>>, vector<1x1x16xf32>,
        %get3A_326 = vector.shape_cast %get3A_325 : vector<1x1x16xf32> to vector<16xf32>
        %get3A_327 = arith.constant 1 : i32
        %get3A_328 = arith.index_cast %get3A_327 : i32 to index
        %get3A_329 = arith.index_cast %add3A_308 : i32 to index
        %get3A_330 = arith.constant 48 : index
        %get3A_331 = tpu.vector_load %arg6[%get3A_328, %get3A_329, %get3A_330] {strides = array<i32>} : memref<2x100x64xf32, #tpu.memory_space<vmem>>, vector<1x1x16xf32>,
        %get3A_332 = vector.shape_cast %get3A_331 : vector<1x1x16xf32> to vector<16xf32>
        %mul3A_333 = arith.mulf %get3A_314, %get3A_314 : vector<16xf32>
        %mul3A_334 = arith.mulf %get3A_320, %get3A_320 : vector<16xf32>
        %add3A_335 = arith.addf %mul3A_333, %mul3A_334 : vector<16xf32>
        %mul3A_336 = arith.mulf %get3A_326, %get3A_326 : vector<16xf32>
        %add3A_337 = arith.addf %add3A_335, %mul3A_336 : vector<16xf32>
        %mul3A_338 = arith.mulf %get3A_332, %get3A_332 : vector<16xf32>
        %add3A_339 = arith.addf %add3A_337, %mul3A_338 : vector<16xf32>
        %gather3A_340 = vector.shape_cast %broadcast_in_dim3A : vector<16x1xi32> to vector<16xi32>
        %gather3A_341 = tpu.dynamic_gather %add3A_339[%gather3A_340] in [0] : vector<16xf32>, vector<16xi32> -> vector<16xf32>
        %add3A_342 = arith.addf %add3A_339, %gather3A_341 : vector<16xf32>
        %gather3A_343 = vector.shape_cast %broadcast_in_dim3A_8 : vector<16x1xi32> to vector<16xi32>
        %gather3A_344 = tpu.dynamic_gather %add3A_342[%gather3A_343] in [0] : vector<16xf32>, vector<16xi32> -> vector<16xf32>
        %add3A_345 = arith.addf %add3A_342, %gather3A_344 : vector<16xf32>
        %gather3A_346 = vector.shape_cast %broadcast_in_dim3A_12 : vector<16x1xi32> to vector<16xi32>
        %gather3A_347 = tpu.dynamic_gather %add3A_345[%gather3A_346] in [0] : vector<16xf32>, vector<16xi32> -> vector<16xf32>
        %add3A_348 = arith.addf %add3A_345, %gather3A_347 : vector<16xf32>
        %gather3A_349 = vector.shape_cast %broadcast_in_dim3A_16 : vector<16x1xi32> to vector<16xi32>
        %gather3A_350 = tpu.dynamic_gather %add3A_348[%gather3A_349] in [0] : vector<16xf32>, vector<16xi32> -> vector<16xf32>
        %add3A_351 = arith.addf %add3A_348, %gather3A_350 : vector<16xf32>
        %bitcast_convert_type3A_352 = tpu.bitcast %add3A_351 : vector<16xf32> -> vector<16xi32>
        %shift_right_arithmetic3A_353 = arith.constant 1 : i32
        %shift_right_arithmetic3A_354 = vector.broadcast %shift_right_arithmetic3A_353 : i32 to vector<16xi32>
        %shift_right_arithmetic3A_355 = arith.shrsi %bitcast_convert_type3A_352, %shift_right_arithmetic3A_354 : vector<16xi32>
        %sub3A_356 = arith.constant 1597463007 : i32
        %sub3A_357 = vector.broadcast %sub3A_356 : i32 to vector<16xi32>
        %sub3A_358 = arith.subi %sub3A_357, %shift_right_arithmetic3A_355 : vector<16xi32>
        %bitcast_convert_type3A_359 = tpu.bitcast %sub3A_358 : vector<16xi32> -> vector<16xf32>
        %mul3A_360 = arith.constant 5.000000e-01 : f32
        %mul3A_361 = vector.broadcast %mul3A_360 : f32 to vector<16xf32>
        %mul3A_362 = arith.mulf %mul3A_361, %add3A_351 : vector<16xf32>
        %mul3A_363 = arith.mulf %mul3A_362, %bitcast_convert_type3A_359 : vector<16xf32>
        %mul3A_364 = arith.mulf %mul3A_363, %bitcast_convert_type3A_359 : vector<16xf32>
        %sub3A_365 = arith.constant 1.500000e+00 : f32
        %sub3A_366 = vector.broadcast %sub3A_365 : f32 to vector<16xf32>
        %sub3A_367 = arith.subf %sub3A_366, %mul3A_364 : vector<16xf32>
        %mul3A_368 = arith.mulf %bitcast_convert_type3A_359, %sub3A_367 : vector<16xf32>
        %mul3A_369 = arith.mulf %mul3A_362, %mul3A_368 : vector<16xf32>
        %mul3A_370 = arith.mulf %mul3A_369, %mul3A_368 : vector<16xf32>
        %sub3A_371 = arith.constant 1.500000e+00 : f32
        %sub3A_372 = vector.broadcast %sub3A_371 : f32 to vector<16xf32>
        %sub3A_373 = arith.subf %sub3A_372, %mul3A_370 : vector<16xf32>
        %mul3A_374 = arith.mulf %mul3A_368, %sub3A_373 : vector<16xf32>
        %mul3A_375 = arith.mulf %mul3A_362, %mul3A_374 : vector<16xf32>
        %mul3A_376 = arith.mulf %mul3A_375, %mul3A_374 : vector<16xf32>
        %sub3A_377 = arith.constant 1.500000e+00 : f32
        %sub3A_378 = vector.broadcast %sub3A_377 : f32 to vector<16xf32>
        %sub3A_379 = arith.subf %sub3A_378, %mul3A_376 : vector<16xf32>
        %mul3A_380 = arith.mulf %mul3A_374, %sub3A_379 : vector<16xf32>
        %gt3A_381 = arith.constant 1.000000e+00 : f32
        %gt3A_382 = vector.broadcast %gt3A_381 : f32 to vector<16xf32>
        %gt3A_383 = arith.cmpf ogt, %add3A_351, %gt3A_382 : vector<16xf32>
        %jit3A_384 = arith.constant 1.000000e+00 : f32
        %broadcast_in_dim3A_385 = vector.broadcast %jit3A_384 : f32 to vector<16xf32>
        %select_n3A_386 = arith.select %gt3A_383, %mul3A_380, %broadcast_in_dim3A_385 : vector<16xi1>, vector<16xf32>
        %convert_element_type3A_387 = arith.sitofp %add3A_308 : i32 to f32
        %add3A_388 = arith.constant 1.000000e+02 : f32
        %add3A_389 = arith.addf %add3A_388, %convert_element_type3A_387 : f32
        %mul3A_390 = arith.constant 0.00452261325 : f32
        %mul3A_391 = arith.mulf %add3A_389, %mul3A_390 : f32
        %add3A_392 = arith.constant 1.000000e-01 : f32
        %add3A_393 = arith.addf %add3A_392, %mul3A_391 : f32
        %mul3A_394 = vector.broadcast %add3A_393 : f32 to vector<16xf32>
        %mul3A_395 = arith.mulf %select_n3A_386, %mul3A_394 : vector<16xf32>
        %mul3A_396 = arith.mulf %mul3A_395, %get3A_314 : vector<16xf32>
        %add3A_397 = arith.addf %add3A_298, %mul3A_396 : vector<16xf32>
        %mul3A_398 = arith.mulf %mul3A_395, %get3A_320 : vector<16xf32>
        %add3A_399 = arith.addf %add3A_300, %mul3A_398 : vector<16xf32>
        %mul3A_400 = arith.mulf %mul3A_395, %get3A_326 : vector<16xf32>
        %add3A_401 = arith.addf %add3A_302, %mul3A_400 : vector<16xf32>
        %mul3A_402 = arith.mulf %mul3A_395, %get3A_332 : vector<16xf32>
        %add3A_403 = arith.addf %add3A_304, %mul3A_402 : vector<16xf32>
        %mul3A_404 = arith.constant 10 : i32
        %mul3A_405 = arith.muli %scan3A_110, %mul3A_404 : i32
        %add3A_406 = arith.constant 3 : i32
        %add3A_407 = arith.addi %mul3A_405, %add3A_406 : i32
        %get3A_408 = arith.constant 1 : i32
        %get3A_409 = arith.index_cast %get3A_408 : i32 to index
        %get3A_410 = arith.index_cast %add3A_407 : i32 to index
        %get3A_411 = arith.constant 0 : index
        %get3A_412 = tpu.vector_load %arg6[%get3A_409, %get3A_410, %get3A_411] {strides = array<i32>} : memref<2x100x64xf32, #tpu.memory_space<vmem>>, vector<1x1x16xf32>,
        %get3A_413 = vector.shape_cast %get3A_412 : vector<1x1x16xf32> to vector<16xf32>
        %get3A_414 = arith.constant 1 : i32
        %get3A_415 = arith.index_cast %get3A_414 : i32 to index
        %get3A_416 = arith.index_cast %add3A_407 : i32 to index
        %get3A_417 = arith.constant 16 : index
        %get3A_418 = tpu.vector_load %arg6[%get3A_415, %get3A_416, %get3A_417] {strides = array<i32>} : memref<2x100x64xf32, #tpu.memory_space<vmem>>, vector<1x1x16xf32>,
        %get3A_419 = vector.shape_cast %get3A_418 : vector<1x1x16xf32> to vector<16xf32>
        %get3A_420 = arith.constant 1 : i32
        %get3A_421 = arith.index_cast %get3A_420 : i32 to index
        %get3A_422 = arith.index_cast %add3A_407 : i32 to index
        %get3A_423 = arith.constant 32 : index
        %get3A_424 = tpu.vector_load %arg6[%get3A_421, %get3A_422, %get3A_423] {strides = array<i32>} : memref<2x100x64xf32, #tpu.memory_space<vmem>>, vector<1x1x16xf32>,
        %get3A_425 = vector.shape_cast %get3A_424 : vector<1x1x16xf32> to vector<16xf32>
        %get3A_426 = arith.constant 1 : i32
        %get3A_427 = arith.index_cast %get3A_426 : i32 to index
        %get3A_428 = arith.index_cast %add3A_407 : i32 to index
        %get3A_429 = arith.constant 48 : index
        %get3A_430 = tpu.vector_load %arg6[%get3A_427, %get3A_428, %get3A_429] {strides = array<i32>} : memref<2x100x64xf32, #tpu.memory_space<vmem>>, vector<1x1x16xf32>,
        %get3A_431 = vector.shape_cast %get3A_430 : vector<1x1x16xf32> to vector<16xf32>
        %mul3A_432 = arith.mulf %get3A_413, %get3A_413 : vector<16xf32>
        %mul3A_433 = arith.mulf %get3A_419, %get3A_419 : vector<16xf32>
        %add3A_434 = arith.addf %mul3A_432, %mul3A_433 : vector<16xf32>
        %mul3A_435 = arith.mulf %get3A_425, %get3A_425 : vector<16xf32>
        %add3A_436 = arith.addf %add3A_434, %mul3A_435 : vector<16xf32>
        %mul3A_437 = arith.mulf %get3A_431, %get3A_431 : vector<16xf32>
        %add3A_438 = arith.addf %add3A_436, %mul3A_437 : vector<16xf32>
        %gather3A_439 = vector.shape_cast %broadcast_in_dim3A : vector<16x1xi32> to vector<16xi32>
        %gather3A_440 = tpu.dynamic_gather %add3A_438[%gather3A_439] in [0] : vector<16xf32>, vector<16xi32> -> vector<16xf32>
        %add3A_441 = arith.addf %add3A_438, %gather3A_440 : vector<16xf32>
        %gather3A_442 = vector.shape_cast %broadcast_in_dim3A_8 : vector<16x1xi32> to vector<16xi32>
        %gather3A_443 = tpu.dynamic_gather %add3A_441[%gather3A_442] in [0] : vector<16xf32>, vector<16xi32> -> vector<16xf32>
        %add3A_444 = arith.addf %add3A_441, %gather3A_443 : vector<16xf32>
        %gather3A_445 = vector.shape_cast %broadcast_in_dim3A_12 : vector<16x1xi32> to vector<16xi32>
        %gather3A_446 = tpu.dynamic_gather %add3A_444[%gather3A_445] in [0] : vector<16xf32>, vector<16xi32> -> vector<16xf32>
        %add3A_447 = arith.addf %add3A_444, %gather3A_446 : vector<16xf32>
        %gather3A_448 = vector.shape_cast %broadcast_in_dim3A_16 : vector<16x1xi32> to vector<16xi32>
        %gather3A_449 = tpu.dynamic_gather %add3A_447[%gather3A_448] in [0] : vector<16xf32>, vector<16xi32> -> vector<16xf32>
        %add3A_450 = arith.addf %add3A_447, %gather3A_449 : vector<16xf32>
        %bitcast_convert_type3A_451 = tpu.bitcast %add3A_450 : vector<16xf32> -> vector<16xi32>
        %shift_right_arithmetic3A_452 = arith.constant 1 : i32
        %shift_right_arithmetic3A_453 = vector.broadcast %shift_right_arithmetic3A_452 : i32 to vector<16xi32>
        %shift_right_arithmetic3A_454 = arith.shrsi %bitcast_convert_type3A_451, %shift_right_arithmetic3A_453 : vector<16xi32>
        %sub3A_455 = arith.constant 1597463007 : i32
        %sub3A_456 = vector.broadcast %sub3A_455 : i32 to vector<16xi32>
        %sub3A_457 = arith.subi %sub3A_456, %shift_right_arithmetic3A_454 : vector<16xi32>
        %bitcast_convert_type3A_458 = tpu.bitcast %sub3A_457 : vector<16xi32> -> vector<16xf32>
        %mul3A_459 = arith.constant 5.000000e-01 : f32
        %mul3A_460 = vector.broadcast %mul3A_459 : f32 to vector<16xf32>
        %mul3A_461 = arith.mulf %mul3A_460, %add3A_450 : vector<16xf32>
        %mul3A_462 = arith.mulf %mul3A_461, %bitcast_convert_type3A_458 : vector<16xf32>
        %mul3A_463 = arith.mulf %mul3A_462, %bitcast_convert_type3A_458 : vector<16xf32>
        %sub3A_464 = arith.constant 1.500000e+00 : f32
        %sub3A_465 = vector.broadcast %sub3A_464 : f32 to vector<16xf32>
        %sub3A_466 = arith.subf %sub3A_465, %mul3A_463 : vector<16xf32>
        %mul3A_467 = arith.mulf %bitcast_convert_type3A_458, %sub3A_466 : vector<16xf32>
        %mul3A_468 = arith.mulf %mul3A_461, %mul3A_467 : vector<16xf32>
        %mul3A_469 = arith.mulf %mul3A_468, %mul3A_467 : vector<16xf32>
        %sub3A_470 = arith.constant 1.500000e+00 : f32
        %sub3A_471 = vector.broadcast %sub3A_470 : f32 to vector<16xf32>
        %sub3A_472 = arith.subf %sub3A_471, %mul3A_469 : vector<16xf32>
        %mul3A_473 = arith.mulf %mul3A_467, %sub3A_472 : vector<16xf32>
        %mul3A_474 = arith.mulf %mul3A_461, %mul3A_473 : vector<16xf32>
        %mul3A_475 = arith.mulf %mul3A_474, %mul3A_473 : vector<16xf32>
        %sub3A_476 = arith.constant 1.500000e+00 : f32
        %sub3A_477 = vector.broadcast %sub3A_476 : f32 to vector<16xf32>
        %sub3A_478 = arith.subf %sub3A_477, %mul3A_475 : vector<16xf32>
        %mul3A_479 = arith.mulf %mul3A_473, %sub3A_478 : vector<16xf32>
        %gt3A_480 = arith.constant 1.000000e+00 : f32
        %gt3A_481 = vector.broadcast %gt3A_480 : f32 to vector<16xf32>
        %gt3A_482 = arith.cmpf ogt, %add3A_450, %gt3A_481 : vector<16xf32>
        %jit3A_483 = arith.constant 1.000000e+00 : f32
        %broadcast_in_dim3A_484 = vector.broadcast %jit3A_483 : f32 to vector<16xf32>
        %select_n3A_485 = arith.select %gt3A_482, %mul3A_479, %broadcast_in_dim3A_484 : vector<16xi1>, vector<16xf32>
        %convert_element_type3A_486 = arith.sitofp %add3A_407 : i32 to f32
        %add3A_487 = arith.constant 1.000000e+02 : f32
        %add3A_488 = arith.addf %add3A_487, %convert_element_type3A_486 : f32
        %mul3A_489 = arith.constant 0.00452261325 : f32
        %mul3A_490 = arith.mulf %add3A_488, %mul3A_489 : f32
        %add3A_491 = arith.constant 1.000000e-01 : f32
        %add3A_492 = arith.addf %add3A_491, %mul3A_490 : f32
        %mul3A_493 = vector.broadcast %add3A_492 : f32 to vector<16xf32>
        %mul3A_494 = arith.mulf %select_n3A_485, %mul3A_493 : vector<16xf32>
        %mul3A_495 = arith.mulf %mul3A_494, %get3A_413 : vector<16xf32>
        %add3A_496 = arith.addf %add3A_397, %mul3A_495 : vector<16xf32>
        %mul3A_497 = arith.mulf %mul3A_494, %get3A_419 : vector<16xf32>
        %add3A_498 = arith.addf %add3A_399, %mul3A_497 : vector<16xf32>
        %mul3A_499 = arith.mulf %mul3A_494, %get3A_425 : vector<16xf32>
        %add3A_500 = arith.addf %add3A_401, %mul3A_499 : vector<16xf32>
        %mul3A_501 = arith.mulf %mul3A_494, %get3A_431 : vector<16xf32>
        %add3A_502 = arith.addf %add3A_403, %mul3A_501 : vector<16xf32>
        %mul3A_503 = arith.constant 10 : i32
        %mul3A_504 = arith.muli %scan3A_110, %mul3A_503 : i32
        %add3A_505 = arith.constant 4 : i32
        %add3A_506 = arith.addi %mul3A_504, %add3A_505 : i32
        %get3A_507 = arith.constant 1 : i32
        %get3A_508 = arith.index_cast %get3A_507 : i32 to index
        %get3A_509 = arith.index_cast %add3A_506 : i32 to index
        %get3A_510 = arith.constant 0 : index
        %get3A_511 = tpu.vector_load %arg6[%get3A_508, %get3A_509, %get3A_510] {strides = array<i32>} : memref<2x100x64xf32, #tpu.memory_space<vmem>>, vector<1x1x16xf32>,
        %get3A_512 = vector.shape_cast %get3A_511 : vector<1x1x16xf32> to vector<16xf32>
        %get3A_513 = arith.constant 1 : i32
        %get3A_514 = arith.index_cast %get3A_513 : i32 to index
        %get3A_515 = arith.index_cast %add3A_506 : i32 to index
        %get3A_516 = arith.constant 16 : index
        %get3A_517 = tpu.vector_load %arg6[%get3A_514, %get3A_515, %get3A_516] {strides = array<i32>} : memref<2x100x64xf32, #tpu.memory_space<vmem>>, vector<1x1x16xf32>,
        %get3A_518 = vector.shape_cast %get3A_517 : vector<1x1x16xf32> to vector<16xf32>
        %get3A_519 = arith.constant 1 : i32
        %get3A_520 = arith.index_cast %get3A_519 : i32 to index
        %get3A_521 = arith.index_cast %add3A_506 : i32 to index
        %get3A_522 = arith.constant 32 : index
        %get3A_523 = tpu.vector_load %arg6[%get3A_520, %get3A_521, %get3A_522] {strides = array<i32>} : memref<2x100x64xf32, #tpu.memory_space<vmem>>, vector<1x1x16xf32>,
        %get3A_524 = vector.shape_cast %get3A_523 : vector<1x1x16xf32> to vector<16xf32>
        %get3A_525 = arith.constant 1 : i32
        %get3A_526 = arith.index_cast %get3A_525 : i32 to index
        %get3A_527 = arith.index_cast %add3A_506 : i32 to index
        %get3A_528 = arith.constant 48 : index
        %get3A_529 = tpu.vector_load %arg6[%get3A_526, %get3A_527, %get3A_528] {strides = array<i32>} : memref<2x100x64xf32, #tpu.memory_space<vmem>>, vector<1x1x16xf32>,
        %get3A_530 = vector.shape_cast %get3A_529 : vector<1x1x16xf32> to vector<16xf32>
        %mul3A_531 = arith.mulf %get3A_512, %get3A_512 : vector<16xf32>
        %mul3A_532 = arith.mulf %get3A_518, %get3A_518 : vector<16xf32>
        %add3A_533 = arith.addf %mul3A_531, %mul3A_532 : vector<16xf32>
        %mul3A_534 = arith.mulf %get3A_524, %get3A_524 : vector<16xf32>
        %add3A_535 = arith.addf %add3A_533, %mul3A_534 : vector<16xf32>
        %mul3A_536 = arith.mulf %get3A_530, %get3A_530 : vector<16xf32>
        %add3A_537 = arith.addf %add3A_535, %mul3A_536 : vector<16xf32>
        %gather3A_538 = vector.shape_cast %broadcast_in_dim3A : vector<16x1xi32> to vector<16xi32>
        %gather3A_539 = tpu.dynamic_gather %add3A_537[%gather3A_538] in [0] : vector<16xf32>, vector<16xi32> -> vector<16xf32>
        %add3A_540 = arith.addf %add3A_537, %gather3A_539 : vector<16xf32>
        %gather3A_541 = vector.shape_cast %broadcast_in_dim3A_8 : vector<16x1xi32> to vector<16xi32>
        %gather3A_542 = tpu.dynamic_gather %add3A_540[%gather3A_541] in [0] : vector<16xf32>, vector<16xi32> -> vector<16xf32>
        %add3A_543 = arith.addf %add3A_540, %gather3A_542 : vector<16xf32>
        %gather3A_544 = vector.shape_cast %broadcast_in_dim3A_12 : vector<16x1xi32> to vector<16xi32>
        %gather3A_545 = tpu.dynamic_gather %add3A_543[%gather3A_544] in [0] : vector<16xf32>, vector<16xi32> -> vector<16xf32>
        %add3A_546 = arith.addf %add3A_543, %gather3A_545 : vector<16xf32>
        %gather3A_547 = vector.shape_cast %broadcast_in_dim3A_16 : vector<16x1xi32> to vector<16xi32>
        %gather3A_548 = tpu.dynamic_gather %add3A_546[%gather3A_547] in [0] : vector<16xf32>, vector<16xi32> -> vector<16xf32>
        %add3A_549 = arith.addf %add3A_546, %gather3A_548 : vector<16xf32>
        %bitcast_convert_type3A_550 = tpu.bitcast %add3A_549 : vector<16xf32> -> vector<16xi32>
        %shift_right_arithmetic3A_551 = arith.constant 1 : i32
        %shift_right_arithmetic3A_552 = vector.broadcast %shift_right_arithmetic3A_551 : i32 to vector<16xi32>
        %shift_right_arithmetic3A_553 = arith.shrsi %bitcast_convert_type3A_550, %shift_right_arithmetic3A_552 : vector<16xi32>
        %sub3A_554 = arith.constant 1597463007 : i32
        %sub3A_555 = vector.broadcast %sub3A_554 : i32 to vector<16xi32>
        %sub3A_556 = arith.subi %sub3A_555, %shift_right_arithmetic3A_553 : vector<16xi32>
        %bitcast_convert_type3A_557 = tpu.bitcast %sub3A_556 : vector<16xi32> -> vector<16xf32>
        %mul3A_558 = arith.constant 5.000000e-01 : f32
        %mul3A_559 = vector.broadcast %mul3A_558 : f32 to vector<16xf32>
        %mul3A_560 = arith.mulf %mul3A_559, %add3A_549 : vector<16xf32>
        %mul3A_561 = arith.mulf %mul3A_560, %bitcast_convert_type3A_557 : vector<16xf32>
        %mul3A_562 = arith.mulf %mul3A_561, %bitcast_convert_type3A_557 : vector<16xf32>
        %sub3A_563 = arith.constant 1.500000e+00 : f32
        %sub3A_564 = vector.broadcast %sub3A_563 : f32 to vector<16xf32>
        %sub3A_565 = arith.subf %sub3A_564, %mul3A_562 : vector<16xf32>
        %mul3A_566 = arith.mulf %bitcast_convert_type3A_557, %sub3A_565 : vector<16xf32>
        %mul3A_567 = arith.mulf %mul3A_560, %mul3A_566 : vector<16xf32>
        %mul3A_568 = arith.mulf %mul3A_567, %mul3A_566 : vector<16xf32>
        %sub3A_569 = arith.constant 1.500000e+00 : f32
        %sub3A_570 = vector.broadcast %sub3A_569 : f32 to vector<16xf32>
        %sub3A_571 = arith.subf %sub3A_570, %mul3A_568 : vector<16xf32>
        %mul3A_572 = arith.mulf %mul3A_566, %sub3A_571 : vector<16xf32>
        %mul3A_573 = arith.mulf %mul3A_560, %mul3A_572 : vector<16xf32>
        %mul3A_574 = arith.mulf %mul3A_573, %mul3A_572 : vector<16xf32>
        %sub3A_575 = arith.constant 1.500000e+00 : f32
        %sub3A_576 = vector.broadcast %sub3A_575 : f32 to vector<16xf32>
        %sub3A_577 = arith.subf %sub3A_576, %mul3A_574 : vector<16xf32>
        %mul3A_578 = arith.mulf %mul3A_572, %sub3A_577 : vector<16xf32>
        %gt3A_579 = arith.constant 1.000000e+00 : f32
        %gt3A_580 = vector.broadcast %gt3A_579 : f32 to vector<16xf32>
        %gt3A_581 = arith.cmpf ogt, %add3A_549, %gt3A_580 : vector<16xf32>
        %jit3A_582 = arith.constant 1.000000e+00 : f32
        %broadcast_in_dim3A_583 = vector.broadcast %jit3A_582 : f32 to vector<16xf32>
        %select_n3A_584 = arith.select %gt3A_581, %mul3A_578, %broadcast_in_dim3A_583 : vector<16xi1>, vector<16xf32>
        %convert_element_type3A_585 = arith.sitofp %add3A_506 : i32 to f32
        %add3A_586 = arith.constant 1.000000e+02 : f32
        %add3A_587 = arith.addf %add3A_586, %convert_element_type3A_585 : f32
        %mul3A_588 = arith.constant 0.00452261325 : f32
        %mul3A_589 = arith.mulf %add3A_587, %mul3A_588 : f32
        %add3A_590 = arith.constant 1.000000e-01 : f32
        %add3A_591 = arith.addf %add3A_590, %mul3A_589 : f32
        %mul3A_592 = vector.broadcast %add3A_591 : f32 to vector<16xf32>
        %mul3A_593 = arith.mulf %select_n3A_584, %mul3A_592 : vector<16xf32>
        %mul3A_594 = arith.mulf %mul3A_593, %get3A_512 : vector<16xf32>
        %add3A_595 = arith.addf %add3A_496, %mul3A_594 : vector<16xf32>
        %mul3A_596 = arith.mulf %mul3A_593, %get3A_518 : vector<16xf32>
        %add3A_597 = arith.addf %add3A_498, %mul3A_596 : vector<16xf32>
        %mul3A_598 = arith.mulf %mul3A_593, %get3A_524 : vector<16xf32>
        %add3A_599 = arith.addf %add3A_500, %mul3A_598 : vector<16xf32>
        %mul3A_600 = arith.mulf %mul3A_593, %get3A_530 : vector<16xf32>
        %add3A_601 = arith.addf %add3A_502, %mul3A_600 : vector<16xf32>
        %mul3A_602 = arith.constant 10 : i32
        %mul3A_603 = arith.muli %scan3A_110, %mul3A_602 : i32
        %add3A_604 = arith.constant 5 : i32
        %add3A_605 = arith.addi %mul3A_603, %add3A_604 : i32
        %get3A_606 = arith.constant 1 : i32
        %get3A_607 = arith.index_cast %get3A_606 : i32 to index
        %get3A_608 = arith.index_cast %add3A_605 : i32 to index
        %get3A_609 = arith.constant 0 : index
        %get3A_610 = tpu.vector_load %arg6[%get3A_607, %get3A_608, %get3A_609] {strides = array<i32>} : memref<2x100x64xf32, #tpu.memory_space<vmem>>, vector<1x1x16xf32>,
        %get3A_611 = vector.shape_cast %get3A_610 : vector<1x1x16xf32> to vector<16xf32>
        %get3A_612 = arith.constant 1 : i32
        %get3A_613 = arith.index_cast %get3A_612 : i32 to index
        %get3A_614 = arith.index_cast %add3A_605 : i32 to index
        %get3A_615 = arith.constant 16 : index
        %get3A_616 = tpu.vector_load %arg6[%get3A_613, %get3A_614, %get3A_615] {strides = array<i32>} : memref<2x100x64xf32, #tpu.memory_space<vmem>>, vector<1x1x16xf32>,
        %get3A_617 = vector.shape_cast %get3A_616 : vector<1x1x16xf32> to vector<16xf32>
        %get3A_618 = arith.constant 1 : i32
        %get3A_619 = arith.index_cast %get3A_618 : i32 to index
        %get3A_620 = arith.index_cast %add3A_605 : i32 to index
        %get3A_621 = arith.constant 32 : index
        %get3A_622 = tpu.vector_load %arg6[%get3A_619, %get3A_620, %get3A_621] {strides = array<i32>} : memref<2x100x64xf32, #tpu.memory_space<vmem>>, vector<1x1x16xf32>,
        %get3A_623 = vector.shape_cast %get3A_622 : vector<1x1x16xf32> to vector<16xf32>
        %get3A_624 = arith.constant 1 : i32
        %get3A_625 = arith.index_cast %get3A_624 : i32 to index
        %get3A_626 = arith.index_cast %add3A_605 : i32 to index
        %get3A_627 = arith.constant 48 : index
        %get3A_628 = tpu.vector_load %arg6[%get3A_625, %get3A_626, %get3A_627] {strides = array<i32>} : memref<2x100x64xf32, #tpu.memory_space<vmem>>, vector<1x1x16xf32>,
        %get3A_629 = vector.shape_cast %get3A_628 : vector<1x1x16xf32> to vector<16xf32>
        %mul3A_630 = arith.mulf %get3A_611, %get3A_611 : vector<16xf32>
        %mul3A_631 = arith.mulf %get3A_617, %get3A_617 : vector<16xf32>
        %add3A_632 = arith.addf %mul3A_630, %mul3A_631 : vector<16xf32>
        %mul3A_633 = arith.mulf %get3A_623, %get3A_623 : vector<16xf32>
        %add3A_634 = arith.addf %add3A_632, %mul3A_633 : vector<16xf32>
        %mul3A_635 = arith.mulf %get3A_629, %get3A_629 : vector<16xf32>
        %add3A_636 = arith.addf %add3A_634, %mul3A_635 : vector<16xf32>
        %gather3A_637 = vector.shape_cast %broadcast_in_dim3A : vector<16x1xi32> to vector<16xi32>
        %gather3A_638 = tpu.dynamic_gather %add3A_636[%gather3A_637] in [0] : vector<16xf32>, vector<16xi32> -> vector<16xf32>
        %add3A_639 = arith.addf %add3A_636, %gather3A_638 : vector<16xf32>
        %gather3A_640 = vector.shape_cast %broadcast_in_dim3A_8 : vector<16x1xi32> to vector<16xi32>
        %gather3A_641 = tpu.dynamic_gather %add3A_639[%gather3A_640] in [0] : vector<16xf32>, vector<16xi32> -> vector<16xf32>
        %add3A_642 = arith.addf %add3A_639, %gather3A_641 : vector<16xf32>
        %gather3A_643 = vector.shape_cast %broadcast_in_dim3A_12 : vector<16x1xi32> to vector<16xi32>
        %gather3A_644 = tpu.dynamic_gather %add3A_642[%gather3A_643] in [0] : vector<16xf32>, vector<16xi32> -> vector<16xf32>
        %add3A_645 = arith.addf %add3A_642, %gather3A_644 : vector<16xf32>
        %gather3A_646 = vector.shape_cast %broadcast_in_dim3A_16 : vector<16x1xi32> to vector<16xi32>
        %gather3A_647 = tpu.dynamic_gather %add3A_645[%gather3A_646] in [0] : vector<16xf32>, vector<16xi32> -> vector<16xf32>
        %add3A_648 = arith.addf %add3A_645, %gather3A_647 : vector<16xf32>
        %bitcast_convert_type3A_649 = tpu.bitcast %add3A_648 : vector<16xf32> -> vector<16xi32>
        %shift_right_arithmetic3A_650 = arith.constant 1 : i32
        %shift_right_arithmetic3A_651 = vector.broadcast %shift_right_arithmetic3A_650 : i32 to vector<16xi32>
        %shift_right_arithmetic3A_652 = arith.shrsi %bitcast_convert_type3A_649, %shift_right_arithmetic3A_651 : vector<16xi32>
        %sub3A_653 = arith.constant 1597463007 : i32
        %sub3A_654 = vector.broadcast %sub3A_653 : i32 to vector<16xi32>
        %sub3A_655 = arith.subi %sub3A_654, %shift_right_arithmetic3A_652 : vector<16xi32>
        %bitcast_convert_type3A_656 = tpu.bitcast %sub3A_655 : vector<16xi32> -> vector<16xf32>
        %mul3A_657 = arith.constant 5.000000e-01 : f32
        %mul3A_658 = vector.broadcast %mul3A_657 : f32 to vector<16xf32>
        %mul3A_659 = arith.mulf %mul3A_658, %add3A_648 : vector<16xf32>
        %mul3A_660 = arith.mulf %mul3A_659, %bitcast_convert_type3A_656 : vector<16xf32>
        %mul3A_661 = arith.mulf %mul3A_660, %bitcast_convert_type3A_656 : vector<16xf32>
        %sub3A_662 = arith.constant 1.500000e+00 : f32
        %sub3A_663 = vector.broadcast %sub3A_662 : f32 to vector<16xf32>
        %sub3A_664 = arith.subf %sub3A_663, %mul3A_661 : vector<16xf32>
        %mul3A_665 = arith.mulf %bitcast_convert_type3A_656, %sub3A_664 : vector<16xf32>
        %mul3A_666 = arith.mulf %mul3A_659, %mul3A_665 : vector<16xf32>
        %mul3A_667 = arith.mulf %mul3A_666, %mul3A_665 : vector<16xf32>
        %sub3A_668 = arith.constant 1.500000e+00 : f32
        %sub3A_669 = vector.broadcast %sub3A_668 : f32 to vector<16xf32>
        %sub3A_670 = arith.subf %sub3A_669, %mul3A_667 : vector<16xf32>
        %mul3A_671 = arith.mulf %mul3A_665, %sub3A_670 : vector<16xf32>
        %mul3A_672 = arith.mulf %mul3A_659, %mul3A_671 : vector<16xf32>
        %mul3A_673 = arith.mulf %mul3A_672, %mul3A_671 : vector<16xf32>
        %sub3A_674 = arith.constant 1.500000e+00 : f32
        %sub3A_675 = vector.broadcast %sub3A_674 : f32 to vector<16xf32>
        %sub3A_676 = arith.subf %sub3A_675, %mul3A_673 : vector<16xf32>
        %mul3A_677 = arith.mulf %mul3A_671, %sub3A_676 : vector<16xf32>
        %gt3A_678 = arith.constant 1.000000e+00 : f32
        %gt3A_679 = vector.broadcast %gt3A_678 : f32 to vector<16xf32>
        %gt3A_680 = arith.cmpf ogt, %add3A_648, %gt3A_679 : vector<16xf32>
        %jit3A_681 = arith.constant 1.000000e+00 : f32
        %broadcast_in_dim3A_682 = vector.broadcast %jit3A_681 : f32 to vector<16xf32>
        %select_n3A_683 = arith.select %gt3A_680, %mul3A_677, %broadcast_in_dim3A_682 : vector<16xi1>, vector<16xf32>
        %convert_element_type3A_684 = arith.sitofp %add3A_605 : i32 to f32
        %add3A_685 = arith.constant 1.000000e+02 : f32
        %add3A_686 = arith.addf %add3A_685, %convert_element_type3A_684 : f32
        %mul3A_687 = arith.constant 0.00452261325 : f32
        %mul3A_688 = arith.mulf %add3A_686, %mul3A_687 : f32
        %add3A_689 = arith.constant 1.000000e-01 : f32
        %add3A_690 = arith.addf %add3A_689, %mul3A_688 : f32
        %mul3A_691 = vector.broadcast %add3A_690 : f32 to vector<16xf32>
        %mul3A_692 = arith.mulf %select_n3A_683, %mul3A_691 : vector<16xf32>
        %mul3A_693 = arith.mulf %mul3A_692, %get3A_611 : vector<16xf32>
        %add3A_694 = arith.addf %add3A_595, %mul3A_693 : vector<16xf32>
        %mul3A_695 = arith.mulf %mul3A_692, %get3A_617 : vector<16xf32>
        %add3A_696 = arith.addf %add3A_597, %mul3A_695 : vector<16xf32>
        %mul3A_697 = arith.mulf %mul3A_692, %get3A_623 : vector<16xf32>
        %add3A_698 = arith.addf %add3A_599, %mul3A_697 : vector<16xf32>
        %mul3A_699 = arith.mulf %mul3A_692, %get3A_629 : vector<16xf32>
        %add3A_700 = arith.addf %add3A_601, %mul3A_699 : vector<16xf32>
        %mul3A_701 = arith.constant 10 : i32
        %mul3A_702 = arith.muli %scan3A_110, %mul3A_701 : i32
        %add3A_703 = arith.constant 6 : i32
        %add3A_704 = arith.addi %mul3A_702, %add3A_703 : i32
        %get3A_705 = arith.constant 1 : i32
        %get3A_706 = arith.index_cast %get3A_705 : i32 to index
        %get3A_707 = arith.index_cast %add3A_704 : i32 to index
        %get3A_708 = arith.constant 0 : index
        %get3A_709 = tpu.vector_load %arg6[%get3A_706, %get3A_707, %get3A_708] {strides = array<i32>} : memref<2x100x64xf32, #tpu.memory_space<vmem>>, vector<1x1x16xf32>,
        %get3A_710 = vector.shape_cast %get3A_709 : vector<1x1x16xf32> to vector<16xf32>
        %get3A_711 = arith.constant 1 : i32
        %get3A_712 = arith.index_cast %get3A_711 : i32 to index
        %get3A_713 = arith.index_cast %add3A_704 : i32 to index
        %get3A_714 = arith.constant 16 : index
        %get3A_715 = tpu.vector_load %arg6[%get3A_712, %get3A_713, %get3A_714] {strides = array<i32>} : memref<2x100x64xf32, #tpu.memory_space<vmem>>, vector<1x1x16xf32>,
        %get3A_716 = vector.shape_cast %get3A_715 : vector<1x1x16xf32> to vector<16xf32>
        %get3A_717 = arith.constant 1 : i32
        %get3A_718 = arith.index_cast %get3A_717 : i32 to index
        %get3A_719 = arith.index_cast %add3A_704 : i32 to index
        %get3A_720 = arith.constant 32 : index
        %get3A_721 = tpu.vector_load %arg6[%get3A_718, %get3A_719, %get3A_720] {strides = array<i32>} : memref<2x100x64xf32, #tpu.memory_space<vmem>>, vector<1x1x16xf32>,
        %get3A_722 = vector.shape_cast %get3A_721 : vector<1x1x16xf32> to vector<16xf32>
        %get3A_723 = arith.constant 1 : i32
        %get3A_724 = arith.index_cast %get3A_723 : i32 to index
        %get3A_725 = arith.index_cast %add3A_704 : i32 to index
        %get3A_726 = arith.constant 48 : index
        %get3A_727 = tpu.vector_load %arg6[%get3A_724, %get3A_725, %get3A_726] {strides = array<i32>} : memref<2x100x64xf32, #tpu.memory_space<vmem>>, vector<1x1x16xf32>,
        %get3A_728 = vector.shape_cast %get3A_727 : vector<1x1x16xf32> to vector<16xf32>
        %mul3A_729 = arith.mulf %get3A_710, %get3A_710 : vector<16xf32>
        %mul3A_730 = arith.mulf %get3A_716, %get3A_716 : vector<16xf32>
        %add3A_731 = arith.addf %mul3A_729, %mul3A_730 : vector<16xf32>
        %mul3A_732 = arith.mulf %get3A_722, %get3A_722 : vector<16xf32>
        %add3A_733 = arith.addf %add3A_731, %mul3A_732 : vector<16xf32>
        %mul3A_734 = arith.mulf %get3A_728, %get3A_728 : vector<16xf32>
        %add3A_735 = arith.addf %add3A_733, %mul3A_734 : vector<16xf32>
        %gather3A_736 = vector.shape_cast %broadcast_in_dim3A : vector<16x1xi32> to vector<16xi32>
        %gather3A_737 = tpu.dynamic_gather %add3A_735[%gather3A_736] in [0] : vector<16xf32>, vector<16xi32> -> vector<16xf32>
        %add3A_738 = arith.addf %add3A_735, %gather3A_737 : vector<16xf32>
        %gather3A_739 = vector.shape_cast %broadcast_in_dim3A_8 : vector<16x1xi32> to vector<16xi32>
        %gather3A_740 = tpu.dynamic_gather %add3A_738[%gather3A_739] in [0] : vector<16xf32>, vector<16xi32> -> vector<16xf32>
        %add3A_741 = arith.addf %add3A_738, %gather3A_740 : vector<16xf32>
        %gather3A_742 = vector.shape_cast %broadcast_in_dim3A_12 : vector<16x1xi32> to vector<16xi32>
        %gather3A_743 = tpu.dynamic_gather %add3A_741[%gather3A_742] in [0] : vector<16xf32>, vector<16xi32> -> vector<16xf32>
        %add3A_744 = arith.addf %add3A_741, %gather3A_743 : vector<16xf32>
        %gather3A_745 = vector.shape_cast %broadcast_in_dim3A_16 : vector<16x1xi32> to vector<16xi32>
        %gather3A_746 = tpu.dynamic_gather %add3A_744[%gather3A_745] in [0] : vector<16xf32>, vector<16xi32> -> vector<16xf32>
        %add3A_747 = arith.addf %add3A_744, %gather3A_746 : vector<16xf32>
        %bitcast_convert_type3A_748 = tpu.bitcast %add3A_747 : vector<16xf32> -> vector<16xi32>
        %shift_right_arithmetic3A_749 = arith.constant 1 : i32
        %shift_right_arithmetic3A_750 = vector.broadcast %shift_right_arithmetic3A_749 : i32 to vector<16xi32>
        %shift_right_arithmetic3A_751 = arith.shrsi %bitcast_convert_type3A_748, %shift_right_arithmetic3A_750 : vector<16xi32>
        %sub3A_752 = arith.constant 1597463007 : i32
        %sub3A_753 = vector.broadcast %sub3A_752 : i32 to vector<16xi32>
        %sub3A_754 = arith.subi %sub3A_753, %shift_right_arithmetic3A_751 : vector<16xi32>
        %bitcast_convert_type3A_755 = tpu.bitcast %sub3A_754 : vector<16xi32> -> vector<16xf32>
        %mul3A_756 = arith.constant 5.000000e-01 : f32
        %mul3A_757 = vector.broadcast %mul3A_756 : f32 to vector<16xf32>
        %mul3A_758 = arith.mulf %mul3A_757, %add3A_747 : vector<16xf32>
        %mul3A_759 = arith.mulf %mul3A_758, %bitcast_convert_type3A_755 : vector<16xf32>
        %mul3A_760 = arith.mulf %mul3A_759, %bitcast_convert_type3A_755 : vector<16xf32>
        %sub3A_761 = arith.constant 1.500000e+00 : f32
        %sub3A_762 = vector.broadcast %sub3A_761 : f32 to vector<16xf32>
        %sub3A_763 = arith.subf %sub3A_762, %mul3A_760 : vector<16xf32>
        %mul3A_764 = arith.mulf %bitcast_convert_type3A_755, %sub3A_763 : vector<16xf32>
        %mul3A_765 = arith.mulf %mul3A_758, %mul3A_764 : vector<16xf32>
        %mul3A_766 = arith.mulf %mul3A_765, %mul3A_764 : vector<16xf32>
        %sub3A_767 = arith.constant 1.500000e+00 : f32
        %sub3A_768 = vector.broadcast %sub3A_767 : f32 to vector<16xf32>
        %sub3A_769 = arith.subf %sub3A_768, %mul3A_766 : vector<16xf32>
        %mul3A_770 = arith.mulf %mul3A_764, %sub3A_769 : vector<16xf32>
        %mul3A_771 = arith.mulf %mul3A_758, %mul3A_770 : vector<16xf32>
        %mul3A_772 = arith.mulf %mul3A_771, %mul3A_770 : vector<16xf32>
        %sub3A_773 = arith.constant 1.500000e+00 : f32
        %sub3A_774 = vector.broadcast %sub3A_773 : f32 to vector<16xf32>
        %sub3A_775 = arith.subf %sub3A_774, %mul3A_772 : vector<16xf32>
        %mul3A_776 = arith.mulf %mul3A_770, %sub3A_775 : vector<16xf32>
        %gt3A_777 = arith.constant 1.000000e+00 : f32
        %gt3A_778 = vector.broadcast %gt3A_777 : f32 to vector<16xf32>
        %gt3A_779 = arith.cmpf ogt, %add3A_747, %gt3A_778 : vector<16xf32>
        %jit3A_780 = arith.constant 1.000000e+00 : f32
        %broadcast_in_dim3A_781 = vector.broadcast %jit3A_780 : f32 to vector<16xf32>
        %select_n3A_782 = arith.select %gt3A_779, %mul3A_776, %broadcast_in_dim3A_781 : vector<16xi1>, vector<16xf32>
        %convert_element_type3A_783 = arith.sitofp %add3A_704 : i32 to f32
        %add3A_784 = arith.constant 1.000000e+02 : f32
        %add3A_785 = arith.addf %add3A_784, %convert_element_type3A_783 : f32
        %mul3A_786 = arith.constant 0.00452261325 : f32
        %mul3A_787 = arith.mulf %add3A_785, %mul3A_786 : f32
        %add3A_788 = arith.constant 1.000000e-01 : f32
        %add3A_789 = arith.addf %add3A_788, %mul3A_787 : f32
        %mul3A_790 = vector.broadcast %add3A_789 : f32 to vector<16xf32>
        %mul3A_791 = arith.mulf %select_n3A_782, %mul3A_790 : vector<16xf32>
        %mul3A_792 = arith.mulf %mul3A_791, %get3A_710 : vector<16xf32>
        %add3A_793 = arith.addf %add3A_694, %mul3A_792 : vector<16xf32>
        %mul3A_794 = arith.mulf %mul3A_791, %get3A_716 : vector<16xf32>
        %add3A_795 = arith.addf %add3A_696, %mul3A_794 : vector<16xf32>
        %mul3A_796 = arith.mulf %mul3A_791, %get3A_722 : vector<16xf32>
        %add3A_797 = arith.addf %add3A_698, %mul3A_796 : vector<16xf32>
        %mul3A_798 = arith.mulf %mul3A_791, %get3A_728 : vector<16xf32>
        %add3A_799 = arith.addf %add3A_700, %mul3A_798 : vector<16xf32>
        %mul3A_800 = arith.constant 10 : i32
        %mul3A_801 = arith.muli %scan3A_110, %mul3A_800 : i32
        %add3A_802 = arith.constant 7 : i32
        %add3A_803 = arith.addi %mul3A_801, %add3A_802 : i32
        %get3A_804 = arith.constant 1 : i32
        %get3A_805 = arith.index_cast %get3A_804 : i32 to index
        %get3A_806 = arith.index_cast %add3A_803 : i32 to index
        %get3A_807 = arith.constant 0 : index
        %get3A_808 = tpu.vector_load %arg6[%get3A_805, %get3A_806, %get3A_807] {strides = array<i32>} : memref<2x100x64xf32, #tpu.memory_space<vmem>>, vector<1x1x16xf32>,
        %get3A_809 = vector.shape_cast %get3A_808 : vector<1x1x16xf32> to vector<16xf32>
        %get3A_810 = arith.constant 1 : i32
        %get3A_811 = arith.index_cast %get3A_810 : i32 to index
        %get3A_812 = arith.index_cast %add3A_803 : i32 to index
        %get3A_813 = arith.constant 16 : index
        %get3A_814 = tpu.vector_load %arg6[%get3A_811, %get3A_812, %get3A_813] {strides = array<i32>} : memref<2x100x64xf32, #tpu.memory_space<vmem>>, vector<1x1x16xf32>,
        %get3A_815 = vector.shape_cast %get3A_814 : vector<1x1x16xf32> to vector<16xf32>
        %get3A_816 = arith.constant 1 : i32
        %get3A_817 = arith.index_cast %get3A_816 : i32 to index
        %get3A_818 = arith.index_cast %add3A_803 : i32 to index
        %get3A_819 = arith.constant 32 : index
        %get3A_820 = tpu.vector_load %arg6[%get3A_817, %get3A_818, %get3A_819] {strides = array<i32>} : memref<2x100x64xf32, #tpu.memory_space<vmem>>, vector<1x1x16xf32>,
        %get3A_821 = vector.shape_cast %get3A_820 : vector<1x1x16xf32> to vector<16xf32>
        %get3A_822 = arith.constant 1 : i32
        %get3A_823 = arith.index_cast %get3A_822 : i32 to index
        %get3A_824 = arith.index_cast %add3A_803 : i32 to index
        %get3A_825 = arith.constant 48 : index
        %get3A_826 = tpu.vector_load %arg6[%get3A_823, %get3A_824, %get3A_825] {strides = array<i32>} : memref<2x100x64xf32, #tpu.memory_space<vmem>>, vector<1x1x16xf32>,
        %get3A_827 = vector.shape_cast %get3A_826 : vector<1x1x16xf32> to vector<16xf32>
        %mul3A_828 = arith.mulf %get3A_809, %get3A_809 : vector<16xf32>
        %mul3A_829 = arith.mulf %get3A_815, %get3A_815 : vector<16xf32>
        %add3A_830 = arith.addf %mul3A_828, %mul3A_829 : vector<16xf32>
        %mul3A_831 = arith.mulf %get3A_821, %get3A_821 : vector<16xf32>
        %add3A_832 = arith.addf %add3A_830, %mul3A_831 : vector<16xf32>
        %mul3A_833 = arith.mulf %get3A_827, %get3A_827 : vector<16xf32>
        %add3A_834 = arith.addf %add3A_832, %mul3A_833 : vector<16xf32>
        %gather3A_835 = vector.shape_cast %broadcast_in_dim3A : vector<16x1xi32> to vector<16xi32>
        %gather3A_836 = tpu.dynamic_gather %add3A_834[%gather3A_835] in [0] : vector<16xf32>, vector<16xi32> -> vector<16xf32>
        %add3A_837 = arith.addf %add3A_834, %gather3A_836 : vector<16xf32>
        %gather3A_838 = vector.shape_cast %broadcast_in_dim3A_8 : vector<16x1xi32> to vector<16xi32>
        %gather3A_839 = tpu.dynamic_gather %add3A_837[%gather3A_838] in [0] : vector<16xf32>, vector<16xi32> -> vector<16xf32>
        %add3A_840 = arith.addf %add3A_837, %gather3A_839 : vector<16xf32>
        %gather3A_841 = vector.shape_cast %broadcast_in_dim3A_12 : vector<16x1xi32> to vector<16xi32>
        %gather3A_842 = tpu.dynamic_gather %add3A_840[%gather3A_841] in [0] : vector<16xf32>, vector<16xi32> -> vector<16xf32>
        %add3A_843 = arith.addf %add3A_840, %gather3A_842 : vector<16xf32>
        %gather3A_844 = vector.shape_cast %broadcast_in_dim3A_16 : vector<16x1xi32> to vector<16xi32>
        %gather3A_845 = tpu.dynamic_gather %add3A_843[%gather3A_844] in [0] : vector<16xf32>, vector<16xi32> -> vector<16xf32>
        %add3A_846 = arith.addf %add3A_843, %gather3A_845 : vector<16xf32>
        %bitcast_convert_type3A_847 = tpu.bitcast %add3A_846 : vector<16xf32> -> vector<16xi32>
        %shift_right_arithmetic3A_848 = arith.constant 1 : i32
        %shift_right_arithmetic3A_849 = vector.broadcast %shift_right_arithmetic3A_848 : i32 to vector<16xi32>
        %shift_right_arithmetic3A_850 = arith.shrsi %bitcast_convert_type3A_847, %shift_right_arithmetic3A_849 : vector<16xi32>
        %sub3A_851 = arith.constant 1597463007 : i32
        %sub3A_852 = vector.broadcast %sub3A_851 : i32 to vector<16xi32>
        %sub3A_853 = arith.subi %sub3A_852, %shift_right_arithmetic3A_850 : vector<16xi32>
        %bitcast_convert_type3A_854 = tpu.bitcast %sub3A_853 : vector<16xi32> -> vector<16xf32>
        %mul3A_855 = arith.constant 5.000000e-01 : f32
        %mul3A_856 = vector.broadcast %mul3A_855 : f32 to vector<16xf32>
        %mul3A_857 = arith.mulf %mul3A_856, %add3A_846 : vector<16xf32>
        %mul3A_858 = arith.mulf %mul3A_857, %bitcast_convert_type3A_854 : vector<16xf32>
        %mul3A_859 = arith.mulf %mul3A_858, %bitcast_convert_type3A_854 : vector<16xf32>
        %sub3A_860 = arith.constant 1.500000e+00 : f32
        %sub3A_861 = vector.broadcast %sub3A_860 : f32 to vector<16xf32>
        %sub3A_862 = arith.subf %sub3A_861, %mul3A_859 : vector<16xf32>
        %mul3A_863 = arith.mulf %bitcast_convert_type3A_854, %sub3A_862 : vector<16xf32>
        %mul3A_864 = arith.mulf %mul3A_857, %mul3A_863 : vector<16xf32>
        %mul3A_865 = arith.mulf %mul3A_864, %mul3A_863 : vector<16xf32>
        %sub3A_866 = arith.constant 1.500000e+00 : f32
        %sub3A_867 = vector.broadcast %sub3A_866 : f32 to vector<16xf32>
        %sub3A_868 = arith.subf %sub3A_867, %mul3A_865 : vector<16xf32>
        %mul3A_869 = arith.mulf %mul3A_863, %sub3A_868 : vector<16xf32>
        %mul3A_870 = arith.mulf %mul3A_857, %mul3A_869 : vector<16xf32>
        %mul3A_871 = arith.mulf %mul3A_870, %mul3A_869 : vector<16xf32>
        %sub3A_872 = arith.constant 1.500000e+00 : f32
        %sub3A_873 = vector.broadcast %sub3A_872 : f32 to vector<16xf32>
        %sub3A_874 = arith.subf %sub3A_873, %mul3A_871 : vector<16xf32>
        %mul3A_875 = arith.mulf %mul3A_869, %sub3A_874 : vector<16xf32>
        %gt3A_876 = arith.constant 1.000000e+00 : f32
        %gt3A_877 = vector.broadcast %gt3A_876 : f32 to vector<16xf32>
        %gt3A_878 = arith.cmpf ogt, %add3A_846, %gt3A_877 : vector<16xf32>
        %jit3A_879 = arith.constant 1.000000e+00 : f32
        %broadcast_in_dim3A_880 = vector.broadcast %jit3A_879 : f32 to vector<16xf32>
        %select_n3A_881 = arith.select %gt3A_878, %mul3A_875, %broadcast_in_dim3A_880 : vector<16xi1>, vector<16xf32>
        %convert_element_type3A_882 = arith.sitofp %add3A_803 : i32 to f32
        %add3A_883 = arith.constant 1.000000e+02 : f32
        %add3A_884 = arith.addf %add3A_883, %convert_element_type3A_882 : f32
        %mul3A_885 = arith.constant 0.00452261325 : f32
        %mul3A_886 = arith.mulf %add3A_884, %mul3A_885 : f32
        %add3A_887 = arith.constant 1.000000e-01 : f32
        %add3A_888 = arith.addf %add3A_887, %mul3A_886 : f32
        %mul3A_889 = vector.broadcast %add3A_888 : f32 to vector<16xf32>
        %mul3A_890 = arith.mulf %select_n3A_881, %mul3A_889 : vector<16xf32>
        %mul3A_891 = arith.mulf %mul3A_890, %get3A_809 : vector<16xf32>
        %add3A_892 = arith.addf %add3A_793, %mul3A_891 : vector<16xf32>
        %mul3A_893 = arith.mulf %mul3A_890, %get3A_815 : vector<16xf32>
        %add3A_894 = arith.addf %add3A_795, %mul3A_893 : vector<16xf32>
        %mul3A_895 = arith.mulf %mul3A_890, %get3A_821 : vector<16xf32>
        %add3A_896 = arith.addf %add3A_797, %mul3A_895 : vector<16xf32>
        %mul3A_897 = arith.mulf %mul3A_890, %get3A_827 : vector<16xf32>
        %add3A_898 = arith.addf %add3A_799, %mul3A_897 : vector<16xf32>
        %mul3A_899 = arith.constant 10 : i32
        %mul3A_900 = arith.muli %scan3A_110, %mul3A_899 : i32
        %add3A_901 = arith.constant 8 : i32
        %add3A_902 = arith.addi %mul3A_900, %add3A_901 : i32
        %get3A_903 = arith.constant 1 : i32
        %get3A_904 = arith.index_cast %get3A_903 : i32 to index
        %get3A_905 = arith.index_cast %add3A_902 : i32 to index
        %get3A_906 = arith.constant 0 : index
        %get3A_907 = tpu.vector_load %arg6[%get3A_904, %get3A_905, %get3A_906] {strides = array<i32>} : memref<2x100x64xf32, #tpu.memory_space<vmem>>, vector<1x1x16xf32>,
        %get3A_908 = vector.shape_cast %get3A_907 : vector<1x1x16xf32> to vector<16xf32>
        %get3A_909 = arith.constant 1 : i32
        %get3A_910 = arith.index_cast %get3A_909 : i32 to index
        %get3A_911 = arith.index_cast %add3A_902 : i32 to index
        %get3A_912 = arith.constant 16 : index
        %get3A_913 = tpu.vector_load %arg6[%get3A_910, %get3A_911, %get3A_912] {strides = array<i32>} : memref<2x100x64xf32, #tpu.memory_space<vmem>>, vector<1x1x16xf32>,
        %get3A_914 = vector.shape_cast %get3A_913 : vector<1x1x16xf32> to vector<16xf32>
        %get3A_915 = arith.constant 1 : i32
        %get3A_916 = arith.index_cast %get3A_915 : i32 to index
        %get3A_917 = arith.index_cast %add3A_902 : i32 to index
        %get3A_918 = arith.constant 32 : index
        %get3A_919 = tpu.vector_load %arg6[%get3A_916, %get3A_917, %get3A_918] {strides = array<i32>} : memref<2x100x64xf32, #tpu.memory_space<vmem>>, vector<1x1x16xf32>,
        %get3A_920 = vector.shape_cast %get3A_919 : vector<1x1x16xf32> to vector<16xf32>
        %get3A_921 = arith.constant 1 : i32
        %get3A_922 = arith.index_cast %get3A_921 : i32 to index
        %get3A_923 = arith.index_cast %add3A_902 : i32 to index
        %get3A_924 = arith.constant 48 : index
        %get3A_925 = tpu.vector_load %arg6[%get3A_922, %get3A_923, %get3A_924] {strides = array<i32>} : memref<2x100x64xf32, #tpu.memory_space<vmem>>, vector<1x1x16xf32>,
        %get3A_926 = vector.shape_cast %get3A_925 : vector<1x1x16xf32> to vector<16xf32>
        %mul3A_927 = arith.mulf %get3A_908, %get3A_908 : vector<16xf32>
        %mul3A_928 = arith.mulf %get3A_914, %get3A_914 : vector<16xf32>
        %add3A_929 = arith.addf %mul3A_927, %mul3A_928 : vector<16xf32>
        %mul3A_930 = arith.mulf %get3A_920, %get3A_920 : vector<16xf32>
        %add3A_931 = arith.addf %add3A_929, %mul3A_930 : vector<16xf32>
        %mul3A_932 = arith.mulf %get3A_926, %get3A_926 : vector<16xf32>
        %add3A_933 = arith.addf %add3A_931, %mul3A_932 : vector<16xf32>
        %gather3A_934 = vector.shape_cast %broadcast_in_dim3A : vector<16x1xi32> to vector<16xi32>
        %gather3A_935 = tpu.dynamic_gather %add3A_933[%gather3A_934] in [0] : vector<16xf32>, vector<16xi32> -> vector<16xf32>
        %add3A_936 = arith.addf %add3A_933, %gather3A_935 : vector<16xf32>
        %gather3A_937 = vector.shape_cast %broadcast_in_dim3A_8 : vector<16x1xi32> to vector<16xi32>
        %gather3A_938 = tpu.dynamic_gather %add3A_936[%gather3A_937] in [0] : vector<16xf32>, vector<16xi32> -> vector<16xf32>
        %add3A_939 = arith.addf %add3A_936, %gather3A_938 : vector<16xf32>
        %gather3A_940 = vector.shape_cast %broadcast_in_dim3A_12 : vector<16x1xi32> to vector<16xi32>
        %gather3A_941 = tpu.dynamic_gather %add3A_939[%gather3A_940] in [0] : vector<16xf32>, vector<16xi32> -> vector<16xf32>
        %add3A_942 = arith.addf %add3A_939, %gather3A_941 : vector<16xf32>
        %gather3A_943 = vector.shape_cast %broadcast_in_dim3A_16 : vector<16x1xi32> to vector<16xi32>
        %gather3A_944 = tpu.dynamic_gather %add3A_942[%gather3A_943] in [0] : vector<16xf32>, vector<16xi32> -> vector<16xf32>
        %add3A_945 = arith.addf %add3A_942, %gather3A_944 : vector<16xf32>
        %bitcast_convert_type3A_946 = tpu.bitcast %add3A_945 : vector<16xf32> -> vector<16xi32>
        %shift_right_arithmetic3A_947 = arith.constant 1 : i32
        %shift_right_arithmetic3A_948 = vector.broadcast %shift_right_arithmetic3A_947 : i32 to vector<16xi32>
        %shift_right_arithmetic3A_949 = arith.shrsi %bitcast_convert_type3A_946, %shift_right_arithmetic3A_948 : vector<16xi32>
        %sub3A_950 = arith.constant 1597463007 : i32
        %sub3A_951 = vector.broadcast %sub3A_950 : i32 to vector<16xi32>
        %sub3A_952 = arith.subi %sub3A_951, %shift_right_arithmetic3A_949 : vector<16xi32>
        %bitcast_convert_type3A_953 = tpu.bitcast %sub3A_952 : vector<16xi32> -> vector<16xf32>
        %mul3A_954 = arith.constant 5.000000e-01 : f32
        %mul3A_955 = vector.broadcast %mul3A_954 : f32 to vector<16xf32>
        %mul3A_956 = arith.mulf %mul3A_955, %add3A_945 : vector<16xf32>
        %mul3A_957 = arith.mulf %mul3A_956, %bitcast_convert_type3A_953 : vector<16xf32>
        %mul3A_958 = arith.mulf %mul3A_957, %bitcast_convert_type3A_953 : vector<16xf32>
        %sub3A_959 = arith.constant 1.500000e+00 : f32
        %sub3A_960 = vector.broadcast %sub3A_959 : f32 to vector<16xf32>
        %sub3A_961 = arith.subf %sub3A_960, %mul3A_958 : vector<16xf32>
        %mul3A_962 = arith.mulf %bitcast_convert_type3A_953, %sub3A_961 : vector<16xf32>
        %mul3A_963 = arith.mulf %mul3A_956, %mul3A_962 : vector<16xf32>
        %mul3A_964 = arith.mulf %mul3A_963, %mul3A_962 : vector<16xf32>
        %sub3A_965 = arith.constant 1.500000e+00 : f32
        %sub3A_966 = vector.broadcast %sub3A_965 : f32 to vector<16xf32>
        %sub3A_967 = arith.subf %sub3A_966, %mul3A_964 : vector<16xf32>
        %mul3A_968 = arith.mulf %mul3A_962, %sub3A_967 : vector<16xf32>
        %mul3A_969 = arith.mulf %mul3A_956, %mul3A_968 : vector<16xf32>
        %mul3A_970 = arith.mulf %mul3A_969, %mul3A_968 : vector<16xf32>
        %sub3A_971 = arith.constant 1.500000e+00 : f32
        %sub3A_972 = vector.broadcast %sub3A_971 : f32 to vector<16xf32>
        %sub3A_973 = arith.subf %sub3A_972, %mul3A_970 : vector<16xf32>
        %mul3A_974 = arith.mulf %mul3A_968, %sub3A_973 : vector<16xf32>
        %gt3A_975 = arith.constant 1.000000e+00 : f32
        %gt3A_976 = vector.broadcast %gt3A_975 : f32 to vector<16xf32>
        %gt3A_977 = arith.cmpf ogt, %add3A_945, %gt3A_976 : vector<16xf32>
        %jit3A_978 = arith.constant 1.000000e+00 : f32
        %broadcast_in_dim3A_979 = vector.broadcast %jit3A_978 : f32 to vector<16xf32>
        %select_n3A_980 = arith.select %gt3A_977, %mul3A_974, %broadcast_in_dim3A_979 : vector<16xi1>, vector<16xf32>
        %convert_element_type3A_981 = arith.sitofp %add3A_902 : i32 to f32
        %add3A_982 = arith.constant 1.000000e+02 : f32
        %add3A_983 = arith.addf %add3A_982, %convert_element_type3A_981 : f32
        %mul3A_984 = arith.constant 0.00452261325 : f32
        %mul3A_985 = arith.mulf %add3A_983, %mul3A_984 : f32
        %add3A_986 = arith.constant 1.000000e-01 : f32
        %add3A_987 = arith.addf %add3A_986, %mul3A_985 : f32
        %mul3A_988 = vector.broadcast %add3A_987 : f32 to vector<16xf32>
        %mul3A_989 = arith.mulf %select_n3A_980, %mul3A_988 : vector<16xf32>
        %mul3A_990 = arith.mulf %mul3A_989, %get3A_908 : vector<16xf32>
        %add3A_991 = arith.addf %add3A_892, %mul3A_990 : vector<16xf32>
        %mul3A_992 = arith.mulf %mul3A_989, %get3A_914 : vector<16xf32>
        %add3A_993 = arith.addf %add3A_894, %mul3A_992 : vector<16xf32>
        %mul3A_994 = arith.mulf %mul3A_989, %get3A_920 : vector<16xf32>
        %add3A_995 = arith.addf %add3A_896, %mul3A_994 : vector<16xf32>
        %mul3A_996 = arith.mulf %mul3A_989, %get3A_926 : vector<16xf32>
        %add3A_997 = arith.addf %add3A_898, %mul3A_996 : vector<16xf32>
        %mul3A_998 = arith.constant 10 : i32
        %mul3A_999 = arith.muli %scan3A_110, %mul3A_998 : i32
        %add3A_1000 = arith.constant 9 : i32
        %add3A_1001 = arith.addi %mul3A_999, %add3A_1000 : i32
        %get3A_1002 = arith.constant 1 : i32
        %get3A_1003 = arith.index_cast %get3A_1002 : i32 to index
        %get3A_1004 = arith.index_cast %add3A_1001 : i32 to index
        %get3A_1005 = arith.constant 0 : index
        %get3A_1006 = tpu.vector_load %arg6[%get3A_1003, %get3A_1004, %get3A_1005] {strides = array<i32>} : memref<2x100x64xf32, #tpu.memory_space<vmem>>, vector<1x1x16xf32>,
        %get3A_1007 = vector.shape_cast %get3A_1006 : vector<1x1x16xf32> to vector<16xf32>
        %get3A_1008 = arith.constant 1 : i32
        %get3A_1009 = arith.index_cast %get3A_1008 : i32 to index
        %get3A_1010 = arith.index_cast %add3A_1001 : i32 to index
        %get3A_1011 = arith.constant 16 : index
        %get3A_1012 = tpu.vector_load %arg6[%get3A_1009, %get3A_1010, %get3A_1011] {strides = array<i32>} : memref<2x100x64xf32, #tpu.memory_space<vmem>>, vector<1x1x16xf32>,
        %get3A_1013 = vector.shape_cast %get3A_1012 : vector<1x1x16xf32> to vector<16xf32>
        %get3A_1014 = arith.constant 1 : i32
        %get3A_1015 = arith.index_cast %get3A_1014 : i32 to index
        %get3A_1016 = arith.index_cast %add3A_1001 : i32 to index
        %get3A_1017 = arith.constant 32 : index
        %get3A_1018 = tpu.vector_load %arg6[%get3A_1015, %get3A_1016, %get3A_1017] {strides = array<i32>} : memref<2x100x64xf32, #tpu.memory_space<vmem>>, vector<1x1x16xf32>,
        %get3A_1019 = vector.shape_cast %get3A_1018 : vector<1x1x16xf32> to vector<16xf32>
        %get3A_1020 = arith.constant 1 : i32
        %get3A_1021 = arith.index_cast %get3A_1020 : i32 to index
        %get3A_1022 = arith.index_cast %add3A_1001 : i32 to index
        %get3A_1023 = arith.constant 48 : index
        %get3A_1024 = tpu.vector_load %arg6[%get3A_1021, %get3A_1022, %get3A_1023] {strides = array<i32>} : memref<2x100x64xf32, #tpu.memory_space<vmem>>, vector<1x1x16xf32>,
        %get3A_1025 = vector.shape_cast %get3A_1024 : vector<1x1x16xf32> to vector<16xf32>
        %mul3A_1026 = arith.mulf %get3A_1007, %get3A_1007 : vector<16xf32>
        %mul3A_1027 = arith.mulf %get3A_1013, %get3A_1013 : vector<16xf32>
        %add3A_1028 = arith.addf %mul3A_1026, %mul3A_1027 : vector<16xf32>
        %mul3A_1029 = arith.mulf %get3A_1019, %get3A_1019 : vector<16xf32>
        %add3A_1030 = arith.addf %add3A_1028, %mul3A_1029 : vector<16xf32>
        %mul3A_1031 = arith.mulf %get3A_1025, %get3A_1025 : vector<16xf32>
        %add3A_1032 = arith.addf %add3A_1030, %mul3A_1031 : vector<16xf32>
        %gather3A_1033 = vector.shape_cast %broadcast_in_dim3A : vector<16x1xi32> to vector<16xi32>
        %gather3A_1034 = tpu.dynamic_gather %add3A_1032[%gather3A_1033] in [0] : vector<16xf32>, vector<16xi32> -> vector<16xf32>
        %add3A_1035 = arith.addf %add3A_1032, %gather3A_1034 : vector<16xf32>
        %gather3A_1036 = vector.shape_cast %broadcast_in_dim3A_8 : vector<16x1xi32> to vector<16xi32>
        %gather3A_1037 = tpu.dynamic_gather %add3A_1035[%gather3A_1036] in [0] : vector<16xf32>, vector<16xi32> -> vector<16xf32>
        %add3A_1038 = arith.addf %add3A_1035, %gather3A_1037 : vector<16xf32>
        %gather3A_1039 = vector.shape_cast %broadcast_in_dim3A_12 : vector<16x1xi32> to vector<16xi32>
        %gather3A_1040 = tpu.dynamic_gather %add3A_1038[%gather3A_1039] in [0] : vector<16xf32>, vector<16xi32> -> vector<16xf32>
        %add3A_1041 = arith.addf %add3A_1038, %gather3A_1040 : vector<16xf32>
        %gather3A_1042 = vector.shape_cast %broadcast_in_dim3A_16 : vector<16x1xi32> to vector<16xi32>
        %gather3A_1043 = tpu.dynamic_gather %add3A_1041[%gather3A_1042] in [0] : vector<16xf32>, vector<16xi32> -> vector<16xf32>
        %add3A_1044 = arith.addf %add3A_1041, %gather3A_1043 : vector<16xf32>
        %bitcast_convert_type3A_1045 = tpu.bitcast %add3A_1044 : vector<16xf32> -> vector<16xi32>
        %shift_right_arithmetic3A_1046 = arith.constant 1 : i32
        %shift_right_arithmetic3A_1047 = vector.broadcast %shift_right_arithmetic3A_1046 : i32 to vector<16xi32>
        %shift_right_arithmetic3A_1048 = arith.shrsi %bitcast_convert_type3A_1045, %shift_right_arithmetic3A_1047 : vector<16xi32>
        %sub3A_1049 = arith.constant 1597463007 : i32
        %sub3A_1050 = vector.broadcast %sub3A_1049 : i32 to vector<16xi32>
        %sub3A_1051 = arith.subi %sub3A_1050, %shift_right_arithmetic3A_1048 : vector<16xi32>
        %bitcast_convert_type3A_1052 = tpu.bitcast %sub3A_1051 : vector<16xi32> -> vector<16xf32>
        %mul3A_1053 = arith.constant 5.000000e-01 : f32
        %mul3A_1054 = vector.broadcast %mul3A_1053 : f32 to vector<16xf32>
        %mul3A_1055 = arith.mulf %mul3A_1054, %add3A_1044 : vector<16xf32>
        %mul3A_1056 = arith.mulf %mul3A_1055, %bitcast_convert_type3A_1052 : vector<16xf32>
        %mul3A_1057 = arith.mulf %mul3A_1056, %bitcast_convert_type3A_1052 : vector<16xf32>
        %sub3A_1058 = arith.constant 1.500000e+00 : f32
        %sub3A_1059 = vector.broadcast %sub3A_1058 : f32 to vector<16xf32>
        %sub3A_1060 = arith.subf %sub3A_1059, %mul3A_1057 : vector<16xf32>
        %mul3A_1061 = arith.mulf %bitcast_convert_type3A_1052, %sub3A_1060 : vector<16xf32>
        %mul3A_1062 = arith.mulf %mul3A_1055, %mul3A_1061 : vector<16xf32>
        %mul3A_1063 = arith.mulf %mul3A_1062, %mul3A_1061 : vector<16xf32>
        %sub3A_1064 = arith.constant 1.500000e+00 : f32
        %sub3A_1065 = vector.broadcast %sub3A_1064 : f32 to vector<16xf32>
        %sub3A_1066 = arith.subf %sub3A_1065, %mul3A_1063 : vector<16xf32>
        %mul3A_1067 = arith.mulf %mul3A_1061, %sub3A_1066 : vector<16xf32>
        %mul3A_1068 = arith.mulf %mul3A_1055, %mul3A_1067 : vector<16xf32>
        %mul3A_1069 = arith.mulf %mul3A_1068, %mul3A_1067 : vector<16xf32>
        %sub3A_1070 = arith.constant 1.500000e+00 : f32
        %sub3A_1071 = vector.broadcast %sub3A_1070 : f32 to vector<16xf32>
        %sub3A_1072 = arith.subf %sub3A_1071, %mul3A_1069 : vector<16xf32>
        %mul3A_1073 = arith.mulf %mul3A_1067, %sub3A_1072 : vector<16xf32>
        %gt3A_1074 = arith.constant 1.000000e+00 : f32
        %gt3A_1075 = vector.broadcast %gt3A_1074 : f32 to vector<16xf32>
        %gt3A_1076 = arith.cmpf ogt, %add3A_1044, %gt3A_1075 : vector<16xf32>
        %jit3A_1077 = arith.constant 1.000000e+00 : f32
        %broadcast_in_dim3A_1078 = vector.broadcast %jit3A_1077 : f32 to vector<16xf32>
        %select_n3A_1079 = arith.select %gt3A_1076, %mul3A_1073, %broadcast_in_dim3A_1078 : vector<16xi1>, vector<16xf32>
        %convert_element_type3A_1080 = arith.sitofp %add3A_1001 : i32 to f32
        %add3A_1081 = arith.constant 1.000000e+02 : f32
        %add3A_1082 = arith.addf %add3A_1081, %convert_element_type3A_1080 : f32
        %mul3A_1083 = arith.constant 0.00452261325 : f32
        %mul3A_1084 = arith.mulf %add3A_1082, %mul3A_1083 : f32
        %add3A_1085 = arith.constant 1.000000e-01 : f32
        %add3A_1086 = arith.addf %add3A_1085, %mul3A_1084 : f32
        %mul3A_1087 = vector.broadcast %add3A_1086 : f32 to vector<16xf32>
        %mul3A_1088 = arith.mulf %select_n3A_1079, %mul3A_1087 : vector<16xf32>
        %mul3A_1089 = arith.mulf %mul3A_1088, %get3A_1007 : vector<16xf32>
        %add3A_1090 = arith.addf %add3A_991, %mul3A_1089 : vector<16xf32>
        %mul3A_1091 = arith.mulf %mul3A_1088, %get3A_1013 : vector<16xf32>
        %add3A_1092 = arith.addf %add3A_993, %mul3A_1091 : vector<16xf32>
        %mul3A_1093 = arith.mulf %mul3A_1088, %get3A_1019 : vector<16xf32>
        %add3A_1094 = arith.addf %add3A_995, %mul3A_1093 : vector<16xf32>
        %mul3A_1095 = arith.mulf %mul3A_1088, %get3A_1025 : vector<16xf32>
        %add3A_1096 = arith.addf %add3A_997, %mul3A_1095 : vector<16xf32>
        scf.yield %add3A_1090, %add3A_1092, %add3A_1094, %add3A_1096 : vector<16xf32>, vector<16xf32>, vector<16xf32>, vector<16xf32>
      }
      %scan3A_89 = arith.constant 10 : i32
      %swap3A = arith.index_cast %scan3A_35 : i32 to index
      %swap3A_90 = arith.constant 0 : index
      %swap3A_91 = tpu.vector_load %arg7[%swap3A, %swap3A_90] {strides = array<i32>} : memref<128x64xf32, #tpu.memory_space<vmem>>, vector<1x16xf32>,
      %swap3A_92 = vector.shape_cast %swap3A_91 : vector<1x16xf32> to vector<16xf32>
      %swap3A_93 = vector.shape_cast %scan3A_88#0 : vector<16xf32> to vector<1x16xf32>
      tpu.vector_store %arg7[%swap3A, %swap3A_90], %swap3A_93 {strides = array<i32>} : memref<128x64xf32, #tpu.memory_space<vmem>>, vector<1x16xf32>,
      %swap3A_94 = arith.index_cast %scan3A_35 : i32 to index
      %swap3A_95 = arith.constant 16 : index
      %swap3A_96 = tpu.vector_load %arg7[%swap3A_94, %swap3A_95] {strides = array<i32>} : memref<128x64xf32, #tpu.memory_space<vmem>>, vector<1x16xf32>,
      %swap3A_97 = vector.shape_cast %swap3A_96 : vector<1x16xf32> to vector<16xf32>
      %swap3A_98 = vector.shape_cast %scan3A_88#1 : vector<16xf32> to vector<1x16xf32>
      tpu.vector_store %arg7[%swap3A_94, %swap3A_95], %swap3A_98 {strides = array<i32>} : memref<128x64xf32, #tpu.memory_space<vmem>>, vector<1x16xf32>,
      %swap3A_99 = arith.index_cast %scan3A_35 : i32 to index
      %swap3A_100 = arith.constant 32 : index
      %swap3A_101 = tpu.vector_load %arg7[%swap3A_99, %swap3A_100] {strides = array<i32>} : memref<128x64xf32, #tpu.memory_space<vmem>>, vector<1x16xf32>,
      %swap3A_102 = vector.shape_cast %swap3A_101 : vector<1x16xf32> to vector<16xf32>
      %swap3A_103 = vector.shape_cast %scan3A_88#2 : vector<16xf32> to vector<1x16xf32>
      tpu.vector_store %arg7[%swap3A_99, %swap3A_100], %swap3A_103 {strides = array<i32>} : memref<128x64xf32, #tpu.memory_space<vmem>>, vector<1x16xf32>,
      %swap3A_104 = arith.index_cast %scan3A_35 : i32 to index
      %swap3A_105 = arith.constant 48 : index
      %swap3A_106 = tpu.vector_load %arg7[%swap3A_104, %swap3A_105] {strides = array<i32>} : memref<128x64xf32, #tpu.memory_space<vmem>>, vector<1x16xf32>,
      %swap3A_107 = vector.shape_cast %swap3A_106 : vector<1x16xf32> to vector<16xf32>
      %swap3A_108 = vector.shape_cast %scan3A_88#3 : vector<16xf32> to vector<1x16xf32>
      tpu.vector_store %arg7[%swap3A_104, %swap3A_105], %swap3A_108 {strides = array<i32>} : memref<128x64xf32, #tpu.memory_space<vmem>>, vector<1x16xf32>,
      %scan3A_109 = arith.constant 0 : i32
      scf.yield %scan3A_109 : i32
    }
    %scan3A_34 = arith.constant 128 : i32
    "tpu.region"() ({
      %run_scoped3A = tpu.sem_alloc : memref<!tpu.dma_semaphore, #tpu.memory_space<semaphore_mem>>
      %dma_start3A_35 = arith.constant 0 : i32
      %dma_start3A_36 = tpu.memref_slice %arg4[%mul3A_2, %dma_start3A_35] : memref<4096x64xf32, #tpu.memory_space<hbm>> -> memref<128x64xf32, #tpu.memory_space<hbm>>
      %dma_start3A_37 = arith.constant 0 : i32
      %dma_start3A_38 = tpu.memref_slice %arg4[%mul3A_2, %dma_start3A_37] : memref<4096x64xf32, #tpu.memory_space<hbm>> -> memref<128x64xf32, #tpu.memory_space<hbm>>
      tpu.enqueue_dma source(%arg7 : memref<128x64xf32, #tpu.memory_space<vmem>>) target(%dma_start3A_38 : memref<128x64xf32, #tpu.memory_space<hbm>>) target_semaphore(%run_scoped3A : memref<!tpu.dma_semaphore, #tpu.memory_space<semaphore_mem>>)
      %dma_wait3A = arith.constant 0 : i32
      %dma_wait3A_39 = tpu.memref_slice %arg4[%mul3A_2, %dma_wait3A] : memref<4096x64xf32, #tpu.memory_space<hbm>> -> memref<128x64xf32, #tpu.memory_space<hbm>>
      %dma_wait3A_40 = arith.constant 0 : i32
      %dma_wait3A_41 = tpu.memref_slice %arg4[%mul3A_2, %dma_wait3A_40] : memref<4096x64xf32, #tpu.memory_space<hbm>> -> memref<128x64xf32, #tpu.memory_space<hbm>>
      tpu.wait_dma2 semaphore(%run_scoped3A : memref<!tpu.dma_semaphore, #tpu.memory_space<semaphore_mem>>) src(%arg7 : memref<128x64xf32, #tpu.memory_space<vmem>>) dst(%dma_wait3A_41 : memref<128x64xf32, #tpu.memory_space<hbm>>)
      tpu.yield
    }) : () -> ()
    return
  }
}

module attributes {stable_mosaic.version = 14 : i64} {
  func.func @body(%arg0: memref<4096x64xf32, #tpu.memory_space<vmem>>, %arg1: memref<64x64xf32, #tpu.memory_space<vmem>>, %arg2: memref<64xf32, #tpu.memory_space<vmem>>, %arg3: memref<64x64xf32, #tpu.memory_space<vmem>>, %arg4: memref<64xf32, #tpu.memory_space<vmem>>, %arg5: memref<4096x64xf32, #tpu.memory_space<vmem>>) attributes {dimension_semantics = [], scalar_prefetch = 0 : i64, scratch_operands = 0 : i64, tpu.core_type = #tpu.core_type<tc>} {
    %get3A = arith.constant 0 : index
    %get3A_0 = arith.constant 0 : index
    %get3A_1 = vector.load %arg0[%get3A, %get3A_0] : memref<4096x64xf32, #tpu.memory_space<vmem>>, vector<4096x64xf32>
    %mul3A = arith.mulf %get3A_1, %get3A_1 : vector<4096x64xf32>
    %reduce_sum3A = arith.constant dense<0.000000e+00> : vector<4096xf32>
    %reduce_sum3A_2 = vector.multi_reduction <add>, %mul3A, %reduce_sum3A [1] : vector<4096x64xf32> to vector<4096xf32>
    %broadcast_in_dim3A = vector.shape_cast %reduce_sum3A_2 : vector<4096xf32> to vector<4096x1xf32>
    %max3A = arith.constant 1.000000e-24 : f32
    %max3A_3 = vector.broadcast %max3A : f32 to vector<4096x1xf32>
    %max3A_4 = arith.maximumf %broadcast_in_dim3A, %max3A_3 : vector<4096x1xf32>
    %rsqrt3A = math.rsqrt %max3A_4 : vector<4096x1xf32>
    %mul3A_5 = vector.broadcast %rsqrt3A : vector<4096x1xf32> to vector<4096x64xf32>
    %mul3A_6 = arith.mulf %get3A_1, %mul3A_5 : vector<4096x64xf32>
    %get3A_7 = arith.constant 0 : index
    %get3A_8 = arith.constant 0 : index
    %get3A_9 = vector.load %arg1[%get3A_7, %get3A_8] : memref<64x64xf32, #tpu.memory_space<vmem>>, vector<64x64xf32>
    %dot_general3A = arith.constant dense<0.000000e+00> : vector<4096x64xf32>
    %dot_general3A_10 = tpu.matmul %mul3A_6, %get3A_9, %dot_general3A {dimension_numbers = #tpu.dot_dimension_numbers<[1], [1], [0], [0], [0, 0, 1, 0], [], []>, transpose_lhs_hint = false} : vector<4096x64xf32>, vector<64x64xf32>, vector<4096x64xf32> -> vector<4096x64xf32>
    %get3A_11 = arith.constant 0 : index
    %get3A_12 = vector.load %arg2[%get3A_11] : memref<64xf32, #tpu.memory_space<vmem>>, vector<64xf32>
    %broadcast_in_dim3A_13 = vector.shape_cast %get3A_12 : vector<64xf32> to vector<1x64xf32>
    %add3A = vector.broadcast %broadcast_in_dim3A_13 : vector<1x64xf32> to vector<4096x64xf32>
    %add3A_14 = arith.addf %dot_general3A_10, %add3A : vector<4096x64xf32>
    %tanh3A = math.tanh %add3A_14 : vector<4096x64xf32>
    %get3A_15 = arith.constant 0 : index
    %get3A_16 = arith.constant 0 : index
    %get3A_17 = vector.load %arg3[%get3A_15, %get3A_16] : memref<64x64xf32, #tpu.memory_space<vmem>>, vector<64x64xf32>
    %dot_general3A_18 = arith.constant dense<0.000000e+00> : vector<4096x64xf32>
    %dot_general3A_19 = tpu.matmul %tanh3A, %get3A_17, %dot_general3A_18 {dimension_numbers = #tpu.dot_dimension_numbers<[1], [1], [0], [0], [0, 0, 1, 0], [], []>, transpose_lhs_hint = false} : vector<4096x64xf32>, vector<64x64xf32>, vector<4096x64xf32> -> vector<4096x64xf32>
    %get3A_20 = arith.constant 0 : index
    %get3A_21 = vector.load %arg4[%get3A_20] : memref<64xf32, #tpu.memory_space<vmem>>, vector<64xf32>
    %broadcast_in_dim3A_22 = vector.shape_cast %get3A_21 : vector<64xf32> to vector<1x64xf32>
    %add3A_23 = vector.broadcast %broadcast_in_dim3A_22 : vector<1x64xf32> to vector<4096x64xf32>
    %add3A_24 = arith.addf %dot_general3A_19, %add3A_23 : vector<4096x64xf32>
    %tanh3A_25 = math.tanh %add3A_24 : vector<4096x64xf32>
    %swap3A = arith.constant 0 : index
    %swap3A_26 = arith.constant 0 : index
    %swap3A_27 = vector.load %arg5[%swap3A, %swap3A_26] : memref<4096x64xf32, #tpu.memory_space<vmem>>, vector<4096x64xf32>
    tpu.vector_store %arg5[%swap3A, %swap3A_26], %tanh3A_25 {strides = array<i32>} : memref<4096x64xf32, #tpu.memory_space<vmem>>, vector<4096x64xf32>,
    return
  }
}

</mosaic_0001>

<sc_bundles>
// kernel: kernel.4.cloned.1.call-start
scs
__scs_entry_jumppad:
0x0: {  	(pc) =	sbr.rel $0x88, $3  }
0x1: {  	(tag) =	ssettag $0x0;
	lr =	simm.s32 $0x1  }
0x2: {  	[smem:$0x3F9B] =	sst lr;
	_ =	strace $0xD0000000  }
0x3: {  	_ = 	snop  }
0x4: {  	_ = 	snop  }
0x5: {  	_ = 	snop  }
0x6: {  	_ = 	snop  }
0x7: {  	_ = 	snop  }
__scs_overlays_trampoline_lowered:
0x8: {  	[smem:$0x3FAA] =	sst s0  }
0x9: {  	[smem:$0x3FAB] =	sst s1  }
0xa: {  	[smem:$0x3FAC] =	sst s2  }
0xb: {  	[smem:$0x3FAD] =	sst s3  }
0xc: {  	[smem:$0x3FAE] =	sst s4  }
0xd: {  	[smem:$0x3FAF] =	sst s5  }
0xe: {  	[smem:$0x3FB0] =	sst s6  }
0xf: {  	[smem:$0x3FB1] =	sst s7  }
0x10: {  	[smem:$0x3FB2] =	sst s8  }
0x11: {  	[smem:$0x3FB3] =	sst s9;
	s0 =	simm.s32 @!p0 $0x0  }
0x12: {  	s1 =	sld [smem:$0x3F99];
	s0 =	simm.s32 @p0 $0x1  }
0x13: {  	[smem:$0x3FB4] =	sst s0;
	s0 =	simm.s32 @!p1 $0x0  }
0x14: {  	s2 =	sld [smem:$0x3F98];
	s0 =	simm.s32 @p1 $0x1  }
0x15: {  	[smem:$0x3FB5] =	sst s0;
	s0 =	simm.s32 @!p2 $0x0  }
0x16: {  	s3 =	sld [smem:$0x3FDB];
	s0 =	simm.s32 @p2 $0x1  }
0x17: {  	s4 =	simm.s32 $0x1BF5;
	[smem:$0x3FB7] =	sst s0  }
0x18: {  	s0 =	sld [smem:$0x3F9A];
	_ =	swait.ge [sflag:s4], $0x0  }
0x19: {  	s7 =	sld [smem:$0x3F9B]  }
0x1a: {  	s8 =	sadd.s32 $0xFFFFE003, lr  }
0x1b: {  	s9 =	sadd.s32 $0xFFFFFEF7, lr;
	s5 =	simm.s32 $0xFFFFFFFF;
	p2 =	slt.u32 s8, $0xFFFFF086  }
0x1c: {  	p1 =	slt.u32 s9, $0xF7A;
	s5 =	simm.s32 @!p2 $0x0  }
0x1d: {  	s5 =	simm.s32 @p1 $0x1;
	p0 =	seq.s32 s7, s2  }
0x1e: {  	s7 =	smul.u32 @!p0 $0xF7A, s2;
	p2 =	seq.s32 @!p0 s5, $0x0  }
0x1f: {  	s9 =	smul.u32 $0xF7A, s1;
	s8 =	simm.s32 @!p0 $0x1BF5;
	p2 =	por !p2, p0  }
0x20: {  	[sflag:s8] =	ssyncset.s32 @!p0 $0xFFFFF086;
	s6 =	sadd.s32 @!p0 s3, s7;
	s7 =	simm.s32 @!p0 $0x108  }
0x21: {  	s3 =	sadd.s32 s3, s9;
	s6 =	sadd.s32 @!p0 $0x88, s6;
	s7 =	simm.s32 @p2 $0x1082  }
0x22: {  	[simem:s7], [sflag:s8] =	dma.local @!p0 [hbm:s6], $0xF7A  }
0x23: {  	s9 =	sor.u32 $0xD0000000, s2;
	s6 =	simm.s32 $0x108;
	_ =	swait.ge @!p0 [sflag:s8], $0x0  }
0x24: {  	s3 =	sadd.s32 $0x88, s3;
	s6 =	simm.s32 @!p1 $0x1082;
	[sflag:s4] =	ssyncset.s32 $0xFFFFF086  }
0x25: {  	[simem:s6], [sflag:s4] =	dma.local [hbm:s3], $0xF7A  }
0x26: {  	[smem:$0x3F9B] =	sst s1;
	(tag) =	ssettag s2;
	_ =	strace s9  }
0x27: {  	s1 =	sld [smem:$0x3FAB]  }
0x28: {  	s2 =	sld [smem:$0x3FAC]  }
0x29: {  	s4 =	sld [smem:$0x3FAE]  }
0x2a: {  	p0 =	seq.s32 s5, $0x0;
	s5 =	sld [smem:$0x3FAF]  }
0x2b: {  	s6 =	sld [smem:$0x3FB0]  }
0x2c: {  	s7 =	sld [smem:$0x3FB1]  }
0x2d: {  	s3 =	simm.s32 $0x108;
	s8 =	sld [smem:$0x3FB2]  }
0x2e: {  	s3 =	simm.s32 @!p0 $0x1082;
	s9 =	sld [smem:$0x3FB3]  }
0x2f: {  	lr =	sadd.s32 s0, s3;
	s0 =	sld [smem:$0x3FAA]  }
0x30: {  	s3 =	sld [smem:$0x3FAD]  }
0x31: {  	[smem:$0x3FB6] =	sst s10  }
0x32: {  	s10 =	sld [smem:$0x3FB4];
	_ =	sdelay $0x3  }
0x33: {  	p0 =	seq.s32 s10, $0x1;
	s10 =	sld [smem:$0x3FB6];
	_ =	sdelay $0x3  }
0x34: {  	[smem:$0x3FB6] =	sst s10  }
0x35: {  	s10 =	sld [smem:$0x3FB5];
	_ =	sdelay $0x3  }
0x36: {  	p1 =	seq.s32 s10, $0x1;
	s10 =	sld [smem:$0x3FB6];
	_ =	sdelay $0x3  }
0x37: {  	[smem:$0x3FB6] =	sst s10  }
0x38: {  	s10 =	sld [smem:$0x3FB7]  }
0x39: {  	_ = 	snop;
	(pc) =	sbr.ind lr, $3  }
0x3a: {  	_ = 	snop  }
0x3b: {  	_ = 	snop  }
0x3c: {  	p2 =	seq.s32 s10, $0x1;
	s10 =	sld [smem:$0x3FB6]  }
0x3d: {  	_ =	shalt  }
0x3e: {  	_ =	shalt  }
0x3f: {  	_ =	shalt  }
0x40: {  	_ =	shalt  }
0x41: {  	_ =	shalt  }
0x42: {  	_ =	shalt  }
0x43: {  	_ =	shalt  }
0x44: {  	_ =	shalt  }
0x45: {  	_ =	shalt  }
0x46: {  	_ =	shalt  }
0x47: {  	_ =	shalt  }
0x48: {  	_ =	shalt  }
0x49: {  	_ =	shalt  }
0x4a: {  	_ =	shalt  }
0x4b: {  	_ =	shalt  }
0x4c: {  	_ =	shalt  }
0x4d: {  	_ =	shalt  }
0x4e: {  	_ =	shalt  }
0x4f: {  	_ =	shalt  }
0x50: {  	_ =	shalt  }
0x51: {  	_ =	shalt  }
0x52: {  	_ =	shalt  }
0x53: {  	_ =	shalt  }
0x54: {  	_ =	shalt  }
0x55: {  	_ =	shalt  }
0x56: {  	_ =	shalt  }
0x57: {  	_ =	shalt  }
0x58: {  	_ =	shalt  }
0x59: {  	_ =	shalt  }
0x5a: {  	_ =	shalt  }
0x5b: {  	_ =	shalt  }
0x5c: {  	_ =	shalt  }
0x5d: {  	_ =	shalt  }
0x5e: {  	_ =	shalt  }
0x5f: {  	_ =	shalt  }
0x60: {  	_ =	shalt  }
0x61: {  	_ =	shalt  }
0x62: {  	_ =	shalt  }
0x63: {  	_ =	shalt  }
0x64: {  	_ =	shalt  }
0x65: {  	_ =	shalt  }
0x66: {  	_ =	shalt  }
0x67: {  	_ =	shalt  }
0x68: {  	_ =	shalt  }
0x69: {  	_ =	shalt  }
0x6a: {  	_ =	shalt  }
0x6b: {  	_ =	shalt  }
0x6c: {  	_ =	shalt  }
0x6d: {  	_ =	shalt  }
0x6e: {  	_ =	shalt  }
0x6f: {  	_ =	shalt  }
0x70: {  	_ =	shalt  }
0x71: {  	_ =	shalt  }
0x72: {  	_ =	shalt  }
0x73: {  	_ =	shalt  }
0x74: {  	_ =	shalt  }
0x75: {  	_ =	shalt  }
0x76: {  	_ =	shalt  }
0x77: {  	_ =	shalt  }
0x78: {  	_ =	shalt  }
0x79: {  	_ =	shalt  }
0x7a: {  	_ =	shalt  }
0x7b: {  	_ =	shalt  }
0x7c: {  	_ =	shalt  }
0x7d: {  	_ =	shalt  }
0x7e: {  	_ =	shalt  }
0x7f: {  	_ =	shalt  }
0x80: {  	_ =	shalt  }
0x81: {  	_ =	shalt  }
0x82: {  	_ =	shalt  }
0x83: {  	_ =	shalt  }
0x84: {  	_ =	shalt  }
0x85: {  	_ =	shalt  }
0x86: {  	_ =	shalt  }
0x87: {  	_ =	shalt  }
.Lfunc_end0:
.L_simem_size_0:
called_computation_lowered:
.L_overlay_start_0:
0x88: {  	s2 =	sld [smem:$0x3FD9]  }
0x89: {  	s3 =	sld [smem:$0x3FFE];
	_ =	sdelay $0x1  }
0x8a: {  	s1 =	srdreg.scid  }
0x8b: {  	s0 =	sand.u32 $0x1, s1  }
0x8c: {  	s17 =	sshll.u32 s0, $0xA;
	s2 =	sadd.s32 s3, s2  }
0x8d: {  	s2 =	sadd.s32 s2, s17  }
0x8e: {  	[smem:$0x3FC2] =	sst s2  }
0x8f: {  	_ = 	snop  }
0x90: {  	s2 =	sld [smem:$0x3FD0];
	(tm) =	ssettm $0x1  }
0x91: {  	s18 =	sld [smem:$0x3FFB];
	_ =	sdelay $0x3  }
0x92: {  	_ =	strace s18  }
0x93: {  	s3 =	sld [smem:$0x3FFC];
	_ =	sdelay $0x3  }
0x94: {  	_ =	strace s3  }
0x95: {  	s3 =	sld [smem:$0x3FFD];
	_ =	sdelay $0x3  }
0x96: {  	_ =	strace s3  }
0x97: {  	_ =	strace $0x8FFFFFFF  }
0x98: {  	s19 =	sld [smem:$0x3FDB];
	_ =	sdelay $0x1  }
0x99: {  	s4 =	simm.s32 $_scs_section_size  }
0x9a: {  	s5 =	simm.s32 $_size__tile_overlayer_lowered;
	s6 =	simm.s32 $_tile_overlayer_lowered  }
0x9b: {  	s22 =	simm.s32 $0x1BFF;
	s21 =	sshll.u32 s6, $0x1;
	s3 =	sadd.s32 s4, s19  }
0x9c: {  	s7 =	simm.s32 $0x0;
	s20 =	sshll.u32 s5, $0x1;
	s5 =	sadd.s32 s21, s3  }
0x9d: {  	[timem:s7], [sflag:s22] =	dma.local [hbm:s5], s20  }
0x9e: {  	_ =	swait.ge [sflag:s22], s20  }
0x9f: {  	s4 =	ssub.s32 $0x0, s20;
	[sflag:s22] =	ssyncset.done $0x0  }
0xa0: {  	[sflag:s22] =	ssyncadd.s32 s4;
	_ =	sdelay $0x1  }
0xa1: {  	s23 =	simm.s32 $0x1B8B  }
0xa2: {  	_ =	swait.ge [sflag:s23], $0x1  }
0xa3: {  	[sflag:s23] =	ssyncset.done $0x0  }
0xa4: {  	s25 =	simm.s32 $0x1B8E;
	s24 =	sld [smem:$0x3FFE];
	[sflag:s23] =	ssyncadd.s32 $0xFFFFFFFF  }
0xa5: {  	s26 =	simm.s32 $execute0_lowered;
	[smem:$0x3FD2] =	sst s25  }
0xa6: {  	s5 =	sshll.u32 s26, $0x1;
	_ =	strace $0x80000046;
	[dreg:$0x1] =	wrdreg $0xFFFFFFFF  }
0xa7: {  	s28 =	simm.s32 $_size_execute0_lowered;
	s3 =	sadd.s32 s3, s5;
	[dreg:$0x0] =	wrdreg $0x0  }
0xa8: {  	s5 =	sshll.u32 s28, $0x1;
	[dreg:$0x2] =	wrdreg s3  }
0xa9: {  	[dreg:$0x3] =	wrdreg s5  }
0xaa: {  	[dreg:$0x4] =	wrdreg $0xC0  }
0xab: {  	_ =	task [dreg:s7], $0x5FFFF  }
0xac: {  	[dreg:$0x1] =	wrdreg $0xFFFFFFFF  }
0xad: {  	[dreg:$0x0] =	wrdreg $0x60  }
0xae: {  	[dreg:$0x2] =	wrdreg s24  }
0xaf: {  	[dreg:$0x3] =	wrdreg s2  }
0xb0: {  	[dreg:$0x4] =	wrdreg $0x9  }
0xb1: {  	_ =	task.clear_ibuf [dreg:s7], $0x5FFFF;
	_ =	strace $0x90000046  }
0xb2: {  	s29 =	simm.s32 $0x9;
	_ =	strace $0x80000048  }
0xb3: {  	_ =	swait.ge [sflag:s29], $0x1  }
0xb4: {  	[sflag:s29] =	ssyncadd.s32 $0xFFFFFFFF  }
0xb5: {  	_ =	strace $0x90000048  }
0xb6: {  	_ =	sfence  }
0xb7: {  	s30 =	sld [smem:$0x0];
	_ =	sdelay $0x2  }
0xb8: {  	s31 =	sshll.u32 s1, $0xD;
	s1 =	sshrl.u32 s1, $0x2  }
0xb9: {  	s3 =	sand.u32 $0x4000, s31;
	s1 =	sadd.s32 s1, s30  }
0xba: {  	s0 =	sor.u32 s3, s0;
	s1 =	sshll.u32 s1, $0x11  }
0xbb: {  	s0 =	sor.u32 s1, s0  }
0xbc: {  	s0 =	sadd.s32 $0x8F2B, s0  }
0xbd: {  	[sflag:s0] =	ssyncadd.remote.s32 $0x1  }
0xbe: {  	_ =	sfence.sel $0xFFFF  }
0xbf: {  	[dreg:$0x0] =	wrdreg $0xFFFFFFFF;
	(pc) =	sbr.abs _section_cstart, $3  }
0xc0: {  	[dreg:$0x1] =	wrdreg $0xFFFFFFFF  }
0xc1: {  	_ =	task.clear_ibuf [dreg:s7], $0x2FFFF;
	_ =	strace $0x9FFFFFFF  }
0xc2: {  	(tm) =	ssettm $0x7FFFFFFF  }
0xc3: {  	_ =	shalt  }
tec
execute0_lowered:
.L_overlay_start_1:
0x0: {  	(tag) =	ssettag $0x1  }
0x1: {  	v0 =	vimm.s32 $0xFEDCBA98;
	v1 =	vimm.s32 $0x76543210  }
0x2: {  	s1 =	srdreg.scid;
	v2 =	vimm.s32 $0xBA98FEDC;
	v3 =	vimm.s32 $0x32107654;
	v4 =	vimm.s32 $0xDCFE98BA  }
0x3: {  	s0 =	stileid.u32;
	s4 =	rddreg [dreg:$0x0];
	v5 =	vimm.s32 $0x54761032;
	v6 =	vimm.s32 $0xEFCDAB89;
	v7 =	vimm.s32 $0x67452301  }
0x4: {  	s6 =	rddreg [dreg:$0x1];
	s9 =	simm.s32 $0x6800;
	s10 =	simm.s32 $0x8100;
	v0 =	vunpack.c.l.s4.s8 v0;
	v1 =	vunpack.c.l.s4.s8 v1;
	v2 =	vunpack.c.l.s4.s8 v2  }
0x5: {  	s11 =	simm.s32 $0x1;
	s12 =	simm.s32 $0x2;
	s13 =	simm.s32 $0x9A00;
	v3 =	vunpack.c.l.s4.s8 v3;
	v4 =	vunpack.c.l.s4.s8 v4;
	v5 =	vunpack.c.l.s4.s8 v5  }
0x6: {  	s14 =	simm.s32 $0x0;
	s3 =	sand.u32 $0x1, s1;
	s30 =	sshll.u32 s0, $0x8;
	v6 =	vunpack.c.l.s4.s8 v6;
	v7 =	vunpack.c.l.s4.s8 v7;
	v0 =	vunpack.c.0.s8.s32 v0  }
0x7: {  	s1 =	rddreg [dreg:$0x2];
	s2 =	sshll.u32 s3, $0x7;
	s8 =	ssub.s32 $0x2, s3;
	v2 =	vunpack.c.0.s8.s32 v2;
	v3 =	vunpack.c.0.s8.s32 v3;
	v4 =	vunpack.c.0.s8.s32 v4  }
0x8: {  	s3 =	sadd.s32 $0xF43200, s4;
	s5 =	sor.u32 s2, s30;
	s2 =	simm.s32 $0x0;
	v5 =	vunpack.c.0.s8.s32 v5;
	v6 =	vunpack.c.0.s8.s32 v6;
	v7 =	vunpack.c.0.s8.s32 v7  }
0x9: {  	s31 =	sshrl.u32 s8, $0x1;
	v1 =	vunpack.c.0.s8.s32 v1;
	s7 =	smul.u32 $0x1A, s5;
	[smem:$0x7FF] =	sst s2;
	v2 =	vcombine.low v3, v2  }
0xa: {  	s5 =	sshll.u32 s5, $0x3;
	s8 =	ssub.s32 s8, s31;
	_ =	strace $0x80000047;
	v3 =	vcombine.low v5, v4;
	v4 =	vcombine.low v7, v6;
	v0 =	vand.u32 $0xF, v0  }
0xb: {  	s5 =	sadd.s32 s6, s5;
	s6 =	smax.u32 s8, $0x1;
	s7 =	sadd.s32 s7, s4;
	v0 =	vcombine.low v0, v1  }
0xc: {  	s8 =	simm.s32 $0x64;
	s4 =	sadd.s32 $0xE00, s7;
	s7 =	simm.s32 $0x3;
	v1 =	vand.u32 $0xF, v2;
	v2 =	vand.u32 $0xF, v3;
	v3 =	vand.u32 $0xF, v4  }
.LBB2_1:
0xd: {  	[tilespmem:s2], [sflag:$0x3] =	stream.linear.gather [hbm4b:s4+s2], $0x6800, $0x38;
	[tilespmem:$0xBA00] =	vst v63  }
0xe: {  	_ =	swait.ge [sflag:s7], $0x6800  }
0xf: {  	[sflag:s7] =	ssyncset.done $0x0  }
0x10: {  	s15 =	simm.s32 $0x0;
	[sflag:s7] =	ssyncadd.s32 $0xFFFF9800  }
0x11: {  	[tilespmem:s9], [sflag:$0x1] =	stream.indirect.gather [hbm4b:s3+s8], $0x40, s2, s8, $0xb8;
	[tilespmem:$0xBA00] =	vst v63  }
.LBB2_2:
0x12: {  	s16 =	smul.u32 $0x340, s15;
	_ =	sdelay $0x1  }
0x13: {  	s16 =	sshra.s32 s16, $0x2  }
0x14: {  	s16 =	sadd.s32 $0x68, s16  }
0x15: {  	[tilespmem:s10], [sflag:$0x2] =	stream.indirect.gather [hbm4b:s3+s8], $0x40, s16, s8, $0xb8;
	[tilespmem:$0xBA00] =	vst v63  }
0x16: {  	_ =	swait.ge [sflag:s11], $0x1900  }
0x17: {  	[sflag:s11] =	ssyncset.done $0x0  }
0x18: {  	s16 =	simm.s32 $0x6940;
	[sflag:s11] =	ssyncadd.s32 $0xFFFFE700  }
0x19: {  	v4 =	vld [tilespmem:s16+$0x130]  }
0x1a: {  	v5 =	vld [tilespmem:s16+$0xF0]  }
0x1b: {  	v7 =	vld [tilespmem:s16+$0x120]  }
0x1c: {  	v6 =	vld [tilespmem:s16+$0xB0]  }
0x1d: {  	v8 =	vld [tilespmem:s16+$0xE0]  }
0x1e: {  	v24 =	vld [tilespmem:s16+$0x100]  }
0x1f: {  	v26 =	vld [tilespmem:s16+$0x110]  }
0x20: {  	v10 =	vld [tilespmem:s16+$0x70]  }
0x21: {  	v12 =	vld [tilespmem:s16+$0xA0]  }
0x22: {  	v27 =	vld [tilespmem:s16+$0xC0]  }
0x23: {  	v28 =	vld [tilespmem:s16+$0xD0]  }
0x24: {  	v14 =	vld [tilespmem:s16+$0x30]  }
0x25: {  	v16 =	vld [tilespmem:s16+$0x60]  }
0x26: {  	v30 =	vld [tilespmem:s16+$0x80]  }
0x27: {  	v31 =	vld [tilespmem:s16+$0x90]  }
0x28: {  	v18 =	vld [tilespmem:s16+$0xFFFFFFF0]  }
0x29: {  	v19 =	vld [tilespmem:s16+$0x20]  }
0x2a: {  	v32 =	vld [tilespmem:s16+$0x40];
	[tilespmem:$0x1FE70] =	vst v4  }
0x2b: {  	v33 =	vld [tilespmem:s16+$0x50];
	[tilespmem:$0x1FE80] =	vst v5  }
0x2c: {  	v35 =	vld [tilespmem:s16+$0x0];
	v4 =	vmul.f32 v4, v4;
	[tilespmem:$0x1FE90] =	vst v6  }
0x2d: {  	v37 =	vld [tilespmem:s16+$0x10];
	v5 =	vmul.f32 v5, v5;
	v6 =	vmul.f32 v6, v6;
	[tilespmem:$0x1FEA0] =	vst v7  }
0x2e: {  	v39 =	vld [tilespmem:s16+$0xFFFFFFC0];
	v7 =	vmul.f32 v7, v7;
	[tilespmem:$0x1FEB0] =	vst v8;
	v8 =	vmul.f32 v8, v8  }
0x2f: {  	v34 =	vld [tilespmem:s16+$0xFFFFFFD0];
	v9 =	vmul.f32 v24, v24;
	[tilespmem:$0x1FEC0] =	vst v10;
	v10 =	vmul.f32 v10, v10  }
0x30: {  	v41 =	vld [tilespmem:s16+$0xFFFFFF80];
	v11 =	vmul.f32 v26, v26;
	[tilespmem:$0x1FED0] =	vst v12;
	v12 =	vmul.f32 v12, v12  }
0x31: {  	v45 =	vld [tilespmem:s16+$0xFFFFFF90];
	v13 =	vmul.f32 v27, v27;
	[tilespmem:$0x1FEE0] =	vst v14;
	v14 =	vmul.f32 v14, v14  }
0x32: {  	v29 =	vld [tilespmem:s16+$0xFFFFFF40];
	v15 =	vmul.f32 v28, v28;
	[tilespmem:$0x1FEF0] =	vst v16;
	v16 =	vmul.f32 v16, v16  }
0x33: {  	v46 =	vld [tilespmem:s16+$0xFFFFFF00];
	v17 =	vmul.f32 v30, v30;
	v20 =	vmul.f32 v31, v31  }
0x34: {  	v47 =	vld [tilespmem:s16+$0xFFFFFF50];
	v21 =	vmul.f32 v19, v19;
	v22 =	vmul.f32 v32, v32  }
0x35: {  	v49 =	vld [tilespmem:s16+$0xFFFFFF10];
	v23 =	vmul.f32 v35, v35;
	v25 =	vmul.f32 v33, v33  }
0x36: {  	v50 =	vld [tilespmem:s16+$0xFFFFFEC0];
	v36 =	vmul.f32 v39, v39;
	v40 =	vmul.f32 v37, v37  }
0x37: {  	v38 =	vld [tilespmem:s16+$0xFFFFFED0];
	v42 =	vmul.f32 v41, v41;
	v43 =	vmul.f32 v34, v34;
	[tilespmem:$0x1FF40] =	vst v45  }
0x38: {  	v44 =	vmul.f32 v29, v29;
	v45 =	vmul.f32 v45, v45;
	[tilespmem:$0x1FF50] =	vst v46  }
0x39: {  	v48 =	vld [tilespmem:s16+$0xFFFFFFA0];
	v46 =	vmul.f32 v46, v46;
	[tilespmem:$0x1FF60] =	vst v47;
	v47 =	vmul.f32 v47, v47;
	v9 =	vadd.f32 v11, v9  }
0x3a: {  	v61 =	vld [tilespmem:s16+$0xFFFFFF60];
	[tilespmem:$0x1FF00] =	vst v18;
	v11 =	vmul.f32 v49, v49;
	v17 =	vadd.f32 v20, v17;
	v13 =	vadd.f32 v15, v13  }
0x3b: {  	[tilespmem:$0x1FF10] =	vst v19;
	v19 =	vld [tilespmem:s16+$0xFFFFFFE0];
	v15 =	vmul.f32 v50, v50;
	v20 =	vadd.f32 v40, v23;
	v22 =	vadd.f32 v25, v22  }
0x3c: {  	[tilespmem:$0x1FF30] =	vst v34;
	v34 =	vld [tilespmem:s16+$0xFFFFFF20];
	v23 =	vmul.f32 v38, v38;
	v25 =	vadd.f32 v45, v42;
	v62 =	vadd.f32 v43, v36  }
0x3d: {  	v18 =	vmul.f32 v18, v18;
	[tilespmem:$0x1FF20] =	vst v41;
	v41 =	vld [tilespmem:s16+$0xFFFFFEE0];
	v44 =	vadd.f32 v47, v44;
	v11 =	vadd.f32 v11, v46  }
0x3e: {  	v36 =	vld [tilespmem:s16+$0xFFFFFFB0];
	v15 =	vadd.f32 v23, v15;
	v23 =	vmul.f32 v48, v48;
	v7 =	vadd.f32 v7, v9  }
0x3f: {  	v40 =	vld [tilespmem:s16+$0xFFFFFF70];
	v9 =	vmul.f32 v61, v61;
	v12 =	vadd.f32 v12, v17;
	v8 =	vadd.f32 v8, v13  }
0x40: {  	v42 =	vld [tilespmem:s16+$0xFFFFFF30];
	v17 =	vadd.f32 v21, v20;
	v16 =	vadd.f32 v16, v22;
	v63 =	vmul.f32 v19, v19  }
0x41: {  	v43 =	vld [tilespmem:s16+$0xFFFFFEF0];
	v13 =	vmul.f32 v34, v34;
	v21 =	vadd.f32 v23, v25;
	v9 =	vadd.f32 v9, v44  }
0x42: {  	v20 =	vmul.f32 v41, v41;
	v4 =	vadd.f32 v4, v7;
	v6 =	vadd.f32 v6, v12  }
0x43: {  	[tilespmem:$0x1FF90] =	vst v19;
	v19 =	vimm.f32 $0.0e+00;
	v5 =	vadd.f32 v5, v8;
	v12 =	vadd.f32 v14, v17  }
0x44: {  	v10 =	vadd.f32 v10, v16;
	[tilespmem:$0x1FFC0] =	vst v19;
	v19 =	vimm.f32 $0.0e+00;
	v11 =	vadd.f32 v13, v11  }
0x45: {  	v13 =	vmul.f32 v36, v36;
	v15 =	vadd.f32 v20, v15;
	v20 =	vmul.f32 v40, v40  }
0x46: {  	v22 =	vadd.f32 v63, v62;
	v7 =	vmul.f32 v42, v42;
	v8 =	vmul.f32 v43, v43  }
0x47: {  	v16 =	vperm.xlane v4, v0;
	v17 =	vperm.xlane v6, v0;
	v13 =	vadd.f32 v13, v21  }
0x48: {  	v14 =	vadd.f32 v18, v22;
	v9 =	vadd.f32 v20, v9;
	v18 =	vperm.xlane v5, v0  }
0x49: {  	v7 =	vadd.f32 v7, v11;
	v11 =	vperm.xlane v12, v0;
	v20 =	vperm.xlane v10, v0  }
0x4a: {  	v8 =	vadd.f32 v8, v15;
	v4 =	vadd.f32 v4, v16;
	v15 =	vperm.xlane v13, v0  }
0x4b: {  	v6 =	vadd.f32 v6, v17;
	v21 =	vperm.xlane v14, v0;
	v22 =	vperm.xlane v9, v0  }
0x4c: {  	v5 =	vadd.f32 v5, v18;
	v16 =	vperm.xlane v7, v0;
	v10 =	vadd.f32 v10, v20  }
0x4d: {  	v17 =	vperm.xlane v8, v0;
	v11 =	vadd.f32 v12, v11;
	v14 =	vadd.f32 v14, v21  }
0x4e: {  	v9 =	vadd.f32 v9, v22;
	v12 =	vadd.f32 v13, v15;
	v13 =	vperm.xlane v4, v1  }
0x4f: {  	v7 =	vadd.f32 v7, v16;
	v15 =	vperm.xlane v6, v1;
	v16 =	vperm.xlane v5, v1  }
0x50: {  	v8 =	vadd.f32 v8, v17;
	v17 =	vperm.xlane v11, v1;
	v18 =	vperm.xlane v10, v1  }
0x51: {  	v20 =	vperm.xlane v12, v1;
	v21 =	vperm.xlane v14, v1;
	v4 =	vadd.f32 v4, v13  }
0x52: {  	v13 =	vperm.xlane v9, v1;
	v6 =	vadd.f32 v6, v15;
	v5 =	vadd.f32 v5, v16  }
0x53: {  	v15 =	vperm.xlane v7, v1;
	v11 =	vadd.f32 v11, v17;
	v10 =	vadd.f32 v10, v18  }
0x54: {  	v16 =	vperm.xlane v8, v1;
	v12 =	vadd.f32 v12, v20;
	v14 =	vadd.f32 v14, v21  }
0x55: {  	v9 =	vadd.f32 v9, v13;
	v13 =	vperm.xlane v5, v2;
	v17 =	vperm.xlane v4, v2  }
0x56: {  	v7 =	vadd.f32 v7, v15;
	v15 =	vperm.xlane v10, v2;
	v18 =	vperm.xlane v6, v2  }
0x57: {  	v8 =	vadd.f32 v8, v16;
	v20 =	vperm.xlane v11, v2;
	v16 =	vperm.xlane v14, v2  }
0x58: {  	v21 =	vperm.xlane v9, v2;
	v22 =	vperm.xlane v12, v2;
	v4 =	vadd.f32 v4, v17  }
0x59: {  	v17 =	vperm.xlane v7, v2;
	v6 =	vadd.f32 v6, v18;
	v5 =	vadd.f32 v5, v13  }
0x5a: {  	v13 =	vperm.xlane v8, v2;
	v11 =	vadd.f32 v11, v20;
	v10 =	vadd.f32 v10, v15  }
0x5b: {  	v12 =	vadd.f32 v12, v22;
	v14 =	vadd.f32 v14, v16;
	v15 =	vperm.xlane v4, v3  }
0x5c: {  	v9 =	vadd.f32 v9, v21;
	v16 =	vperm.xlane v6, v3;
	v18 =	vperm.xlane v5, v3  }
0x5d: {  	v7 =	vadd.f32 v7, v17;
	v17 =	vperm.xlane v11, v3;
	v20 =	vperm.xlane v10, v3  }
0x5e: {  	v8 =	vadd.f32 v8, v13;
	v13 =	vperm.xlane v12, v3;
	v21 =	vperm.xlane v14, v3  }
0x5f: {  	[tilespmem:$0x1FF70] =	vst v49;
	v22 =	vperm.xlane v9, v3;
	v55 =	vadd.f32 v5, v18;
	v57 =	vadd.f32 v4, v15  }
0x60: {  	[tilespmem:$0x1FF80] =	vst v50;
	v4 =	vperm.xlane v7, v3;
	v54 =	vadd.f32 v10, v20;
	v56 =	vadd.f32 v6, v16  }
0x61: {  	[tilespmem:$0x1FFA0] =	vst v48;
	v5 =	vperm.xlane v8, v3;
	v53 =	vadd.f32 v11, v17;
	v52 =	vadd.f32 v14, v21  }
0x62: {  	[tilespmem:$0x1FFD0] =	vst v19;
	v19 =	vimm.f32 $0.0e+00;
	v50 =	vadd.f32 v9, v22;
	v51 =	vadd.f32 v12, v13  }
0x63: {  	[tilespmem:$0x1FFE0] =	vst v19;
	v19 =	vimm.f32 $0.0e+00;
	v48 =	vadd.f32 v8, v5;
	v49 =	vadd.f32 v7, v4  }
0x64: {  	v4 =	vshra.s32 v55, $0x1;
	v5 =	vshra.s32 v57, $0x1;
	v60 =	vmul.f32 $5.000000000e-01, v57  }
0x65: {  	v6 =	vshra.s32 v56, $0x1;
	v58 =	vmul.f32 $5.000000000e-01, v56;
	v63 =	vmul.f32 $5.000000000e-01, v55  }
0x66: {  	v7 =	vshra.s32 v53, $0x1;
	v8 =	vshra.s32 v54, $0x1;
	v59 =	vmul.f32 $5.000000000e-01, v53  }
0x67: {  	[tilespmem:$0x1FFB0] =	vst v61;
	v61 =	vmul.f32 $5.000000000e-01, v54;
	v23 =	vsub.s32 $0x5F3759DF, v5;
	v22 =	vsub.s32 $0x5F3759DF, v6  }
0x68: {  	v20 =	vsub.s32 $0x5F3759DF, v4;
	v18 =	vsub.s32 $0x5F3759DF, v8;
	v4 =	vmul.f32 v23, v60  }
0x69: {  	v16 =	vsub.s32 $0x5F3759DF, v7;
	v5 =	vmul.f32 v22, v58;
	v6 =	vmul.f32 v20, v63  }
0x6a: {  	v9 =	vshra.s32 v52, $0x1;
	v11 =	vmul.f32 $5.000000000e-01, v51;
	v62 =	vmul.f32 $5.000000000e-01, v52  }
0x6b: {  	v13 =	vmul.f32 $5.000000000e-01, v49;
	v14 =	vsub.s32 $0x5F3759DF, v9;
	v9 =	vmul.f32 $5.000000000e-01, v50  }
0x6c: {  	v10 =	vshra.s32 v51, $0x1;
	v12 =	vmul.f32 v23, v4;
	v15 =	vmul.f32 v22, v5  }
0x6d: {  	v21 =	vsub.s32 $0x5F3759DF, v10;
	v17 =	vmul.f32 v20, v6;
	v5 =	vmul.f32 v16, v59  }
0x6e: {  	v4 =	vshra.s32 v50, $0x1;
	v6 =	vmul.f32 v18, v61;
	v8 =	vmul.f32 v21, v11  }
0x6f: {  	v10 =	vmul.f32 v14, v62;
	v4 =	vsub.s32 $0x5F3759DF, v4;
	v7 =	vmul.f32 v16, v5  }
0x70: {  	v5 =	vshra.s32 v49, $0x1;
	v47 =	vmul.f32 v18, v6;
	v8 =	vmul.f32 v21, v8  }
0x71: {  	v6 =	vshra.s32 v48, $0x1;
	v44 =	vmul.f32 v14, v10;
	v10 =	vmul.f32 v4, v9  }
0x72: {  	v25 =	vsub.f32 $1.500000000e+00, v12;
	v12 =	vmul.f32 $5.000000000e-01, v48;
	v5 =	vsub.s32 $0x5F3759DF, v5  }
0x73: {  	v15 =	vsub.f32 $1.500000000e+00, v15;
	v6 =	vsub.s32 $0x5F3759DF, v6;
	v45 =	vmul.f32 v5, v13  }
0x74: {  	s17 =	simm.s32 $0x0;
	s18 =	simm.s32 $0xA;
	[tilespmem:$0x1FFF0] =	vst v19;
	v17 =	vsub.f32 $1.500000000e+00, v17;
	v10 =	vmul.f32 v4, v10;
	v46 =	vmul.f32 v6, v12  }
.LBB2_3:
0x75: {  	v45 =	vmul.f32 v5, v45;
	v7 =	vsub.f32 $1.500000000e+00, v7  }
0x76: {  	v47 =	vsub.f32 $1.500000000e+00, v47;
	v46 =	vmul.f32 v6, v46;
	v8 =	vsub.f32 $1.500000000e+00, v8  }
0x77: {  	v44 =	vsub.f32 $1.500000000e+00, v44;
	v17 =	vmul.f32 v20, v17;
	v20 =	vmul.f32 v23, v25  }
0x78: {  	v10 =	vsub.f32 $1.500000000e+00, v10;
	v15 =	vmul.f32 v22, v15;
	v18 =	vmul.f32 v18, v47  }
0x79: {  	v23 =	vsub.f32 $1.500000000e+00, v45;
	v14 =	vmul.f32 v14, v44;
	v7 =	vmul.f32 v16, v7  }
0x7a: {  	v22 =	vsub.f32 $1.500000000e+00, v46;
	v4 =	vmul.f32 v4, v10;
	v8 =	vmul.f32 v21, v8  }
0x7b: {  	v10 =	vmul.f32 v17, v63;
	v16 =	vmul.f32 v20, v60  }
0x7c: {  	v6 =	vmul.f32 v6, v22;
	v5 =	vmul.f32 v5, v23  }
0x7d: {  	v21 =	vmul.f32 v18, v61;
	v22 =	vmul.f32 v15, v58  }
0x7e: {  	v23 =	vmul.f32 v14, v62;
	v25 =	vmul.f32 v7, v59  }
0x7f: {  	v44 =	vmul.f32 v4, v9;
	v45 =	vmul.f32 v8, v11  }
0x80: {  	v10 =	vmul.f32 v10, v17;
	v16 =	vmul.f32 v16, v20  }
0x81: {  	v46 =	vmul.f32 v6, v12;
	v47 =	vmul.f32 v5, v13  }
0x82: {  	v21 =	vmul.f32 v21, v18;
	v22 =	vmul.f32 v22, v15  }
0x83: {  	v23 =	vmul.f32 v23, v14;
	v25 =	vmul.f32 v25, v7  }
0x84: {  	v44 =	vmul.f32 v44, v4;
	v45 =	vmul.f32 v45, v8;
	v16 =	vsub.f32 $1.500000000e+00, v16  }
0x85: {  	v10 =	vsub.f32 $1.500000000e+00, v10;
	v47 =	vmul.f32 v47, v5;
	v22 =	vsub.f32 $1.500000000e+00, v22  }
0x86: {  	v46 =	vmul.f32 v46, v6;
	v25 =	vsub.f32 $1.500000000e+00, v25;
	v21 =	vsub.f32 $1.500000000e+00, v21  }
0x87: {  	v45 =	vsub.f32 $1.500000000e+00, v45;
	v23 =	vsub.f32 $1.500000000e+00, v23;
	v16 =	vmul.f32 v16, v20  }
0x88: {  	v20 =	vsub.f32 $1.500000000e+00, v44;
	v10 =	vmul.f32 v10, v17;
	v15 =	vmul.f32 v22, v15  }
0x89: {  	v17 =	vsub.f32 $1.500000000e+00, v47;
	v7 =	vmul.f32 v25, v7;
	v18 =	vmul.f32 v21, v18  }
0x8a: {  	v21 =	vsub.f32 $1.500000000e+00, v46;
	v8 =	vmul.f32 v45, v8;
	v14 =	vmul.f32 v23, v14  }
0x8b: {  	v4 =	vmul.f32 v20, v4;
	v5 =	vmul.f32 v17, v5  }
0x8c: {  	v6 =	vmul.f32 v21, v6;
	v17 =	vmul.f32 v16, v60  }
0x8d: {  	v20 =	vmul.f32 v15, v58;
	v21 =	vmul.f32 v10, v63  }
0x8e: {  	vm0 =	vgt.f32 v57, $1.000000000e+00;
	v23 =	vmul.f32 v18, v61;
	v11 =	vmul.f32 v8, v11  }
0x8f: {  	vm1 =	vgt.f32 v55, $1.000000000e+00;
	s22 =	sadd.s32 $0x8, s17;
	v9 =	vmul.f32 v4, v9;
	v21 =	vmul.f32 v21, v10  }
0x90: {  	vm3 =	vgt.f32 v56, $1.000000000e+00;
	s22 =	scvt.s32.f32 s22;
	v25 =	vmul.f32 v14, v62;
	v13 =	vmul.f32 v5, v13  }
0x91: {  	v17 =	vmul.f32 v17, v16;
	v9 =	vmul.f32 v9, v4;
	v21 =	vsub.f32 $1.500000000e+00, v21  }
0x92: {  	vm2 =	vgt.f32 v54, $1.000000000e+00;
	s22 =	smul.f32 $4.522613250e-03, s22;
	v12 =	vmul.f32 v6, v12;
	v11 =	vmul.f32 v11, v8  }
0x93: {  	v17 =	vsub.f32 $1.500000000e+00, v17;
	v9 =	vsub.f32 $1.500000000e+00, v9;
	v10 =	vmul.f32 v21, v10  }
0x94: {  	s26 =	sadd.s32 $0x3, s17;
	s22 =	sadd.f32 $1.000000010e-01, s22;
	v23 =	vmul.f32 v23, v18;
	v25 =	vmul.f32 v25, v14;
	v11 =	vsub.f32 $1.500000000e+00, v11  }
0x95: {  	s26 =	scvt.s32.f32 s26;
	v16 =	vmul.f32 v17, v16;
	v4 =	vmul.f32 v9, v4;
	v9 =	vnsel vm1, $0x3F800000, v10  }
0x96: {  	s19 =	sadd.s32 $0x9, s17;
	s20 =	sadd.s32 $0x6, s17;
	vm6 =	vgt.f32 v51, $1.000000000e+00;
	v8 =	vmul.f32 v11, v8;
	v11 =	vmul.f32 s22, v9  }
0x97: {  	s21 =	sadd.s32 $0x7, s17;
	s19 =	scvt.s32.f32 s19;
	s26 =	smul.f32 $4.522613250e-03, s26;
	v20 =	vmul.f32 v20, v15;
	v13 =	vmul.f32 v13, v5;
	v23 =	vsub.f32 $1.500000000e+00, v23  }
0x98: {  	s21 =	scvt.s32.f32 s21;
	s20 =	scvt.s32.f32 s20;
	v25 =	vsub.f32 $1.500000000e+00, v25;
	v10 =	vnsel vm0, $0x3F800000, v16;
	v16 =	vmul.f32 v11, v27;
	v27 =	vld [tilespmem:$0x1FF40]  }
0x99: {  	s28 =	sadd.s32 $0x2, s17;
	s19 =	smul.f32 $4.522613250e-03, s19;
	s26 =	sadd.f32 $1.000000010e-01, s26;
	v20 =	vsub.f32 $1.500000000e+00, v20;
	v12 =	vmul.f32 v12, v6;
	v13 =	vsub.f32 $1.500000000e+00, v13  }
0x9a: {  	s28 =	scvt.s32.f32 s28;
	s21 =	smul.f32 $4.522613250e-03, s21;
	v17 =	vmul.f32 v23, v18;
	v14 =	vmul.f32 v25, v14;
	v8 =	vnsel vm6, $0x3F800000, v8  }
0x9b: {  	vm5 =	vgt.f32 v52, $1.000000000e+00;
	s20 =	smul.f32 $4.522613250e-03, s20;
	s19 =	sadd.f32 $1.000000010e-01, s19;
	v15 =	vmul.f32 v20, v15;
	v8 =	vmul.f32 s26, v8  }
0x9c: {  	s28 =	smul.f32 $4.522613250e-03, s28;
	s21 =	sadd.f32 $1.000000010e-01, s21;
	v12 =	vsub.f32 $1.500000000e+00, v12;
	v5 =	vmul.f32 v13, v5;
	v13 =	vnsel vm5, $0x3F800000, v14  }
0x9d: {  	s20 =	sadd.f32 $1.000000010e-01, s20;
	v14 =	vnsel vm2, $0x3F800000, v17;
	v17 =	vmul.f32 v11, v28;
	v28 =	vmul.f32 v8, v27;
	v27 =	vld [tilespmem:$0x1FF60]  }
0x9e: {  	vm7 =	vgt.f32 v50, $1.000000000e+00;
	s29 =	sadd.s32 $0x1, s17;
	s30 =	sadd.f32 $1.000000010e-01, s28;
	v6 =	vmul.f32 v12, v6;
	v12 =	vnsel vm3, $0x3F800000, v15  }
0x9f: {  	s29 =	scvt.s32.f32 s29;
	v4 =	vnsel vm7, $0x3F800000, v4;
	v9 =	vmul.f32 s19, v10;
	v10 =	vmul.f32 s20, v14  }
0xa0: {  	v14 =	vmul.f32 s21, v12;
	v4 =	vmul.f32 s30, v4  }
0xa1: {  	s29 =	smul.f32 $4.522613250e-03, s29  }
0xa2: {  	v18 =	vmul.f32 v14, v30;
	v30 =	vmul.f32 v4, v27;
	v27 =	vld [tilespmem:$0x1FF50]  }
0xa3: {  	vm8 =	vgt.f32 v49, $1.000000000e+00;
	s31 =	sadd.f32 $1.000000010e-01, s29  }
0xa4: {  	v5 =	vnsel vm8, $0x3F800000, v5  }
0xa5: {  	v5 =	vmul.f32 s31, v5;
	_ =	sdelay $0x1  }
0xa6: {  	v20 =	vmul.f32 v14, v31;
	v31 =	vmul.f32 v5, v27;
	v27 =	vld [tilespmem:$0x1FF70];
	_ =	sdelay $0x1  }
0xa7: {  	s23 =	scvt.s32.f32 s17;
	_ =	sdelay $0x1  }
0xa8: {  	s23 =	smul.f32 $4.522613250e-03, s23  }
0xa9: {  	vm9 =	vgt.f32 v48, $1.000000000e+00;
	v48 =	vmul.f32 v5, v27;
	v27 =	vld [tilespmem:$0x1FF80]  }
0xaa: {  	s23 =	sadd.f32 $1.000000010e-01, s23  }
0xab: {  	v6 =	vnsel vm9, $0x3F800000, v6  }
0xac: {  	v6 =	vmul.f32 s23, v6  }
0xad: {  	v22 =	vmul.f32 v7, v59  }
0xae: {  	v49 =	vmul.f32 v6, v27;
	v27 =	vld [tilespmem:$0x1FFC0]  }
0xaf: {  	s24 =	sadd.s32 $0x5, s17;
	v22 =	vmul.f32 v22, v7  }
0xb0: {  	s24 =	scvt.s32.f32 s24  }
0xb1: {  	v22 =	vsub.f32 $1.500000000e+00, v22  }
0xb2: {  	s24 =	smul.f32 $4.522613250e-03, s24  }
0xb3: {  	v7 =	vmul.f32 v22, v7;
	v22 =	vmul.f32 v10, v33;
	v33 =	vadd.f32 v49, v27;
	v27 =	vld [tilespmem:$0x1FFD0]  }
0xb4: {  	vm4 =	vgt.f32 v53, $1.000000000e+00;
	s24 =	sadd.f32 $1.000000010e-01, s24  }
0xb5: {  	v7 =	vnsel vm4, $0x3F800000, v7  }
0xb6: {  	v7 =	vmul.f32 s24, v7;
	v50 =	vmul.f32 v6, v38;
	_ =	sdelay $0x1  }
0xb7: {  	v19 =	vmul.f32 v7, v35;
	v35 =	vadd.f32 v50, v27;
	v27 =	vld [tilespmem:$0x1FFE0];
	_ =	sdelay $0x2  }
0xb8: {  	v51 =	vmul.f32 v6, v41;
	_ =	sdelay $0x1  }
0xb9: {  	v23 =	vmul.f32 v7, v37;
	v37 =	vadd.f32 v51, v27;
	v27 =	vld [tilespmem:$0x1FFF0];
	_ =	sdelay $0x2  }
0xba: {  	v6 =	vmul.f32 v6, v43;
	_ =	sdelay $0x1  }
0xbb: {  	v6 =	vadd.f32 v6, v27;
	v27 =	vld [tilespmem:$0x1FFB0];
	_ =	sdelay $0x2  }
0xbc: {  	v53 =	vmul.f32 v5, v34;
	v5 =	vmul.f32 v5, v42  }
0xbd: {  	v29 =	vmul.f32 v4, v29  }
0xbe: {  	s25 =	sadd.s32 $0x4, s17;
	s16 =	sadd.s32 $0x280, s16;
	v5 =	vadd.f32 v5, v6;
	v56 =	vmul.f32 v4, v27;
	v4 =	vmul.f32 v4, v40  }
0xbf: {  	s25 =	scvt.s32.f32 s25;
	v52 =	vld [tilespmem:s16+$0x130]  }
0xc0: {  	v54 =	vld [tilespmem:s16+$0xF0];
	v4 =	vadd.f32 v4, v5;
	v5 =	vmul.f32 v8, v36  }
0xc1: {  	v55 =	vld [tilespmem:s16+$0x120];
	s25 =	smul.f32 $4.522613250e-03, s25  }
0xc2: {  	v4 =	vadd.f32 v5, v4;
	v5 =	vld [tilespmem:$0x1FF00]  }
0xc3: {  	v57 =	vld [tilespmem:s16+$0xB0];
	s25 =	sadd.f32 $1.000000010e-01, s25  }
0xc4: {  	v59 =	vld [tilespmem:s16+$0x100]  }
0xc5: {  	v15 =	vmul.f32 s25, v13;
	v13 =	vmul.f32 v9, v26;
	v26 =	vld [tilespmem:$0x1FF20]  }
0xc6: {  	v25 =	vld [tilespmem:$0x1FF30]  }
0xc7: {  	v27 =	vld [tilespmem:$0x1FFA0];
	v5 =	vmul.f32 v15, v5  }
0xc8: {  	v60 =	vld [tilespmem:s16+$0x110];
	v21 =	vmul.f32 v10, v32;
	v31 =	vadd.f32 v31, v33;
	v32 =	vadd.f32 v48, v35  }
0xc9: {  	v12 =	vmul.f32 v9, v24;
	v4 =	vadd.f32 v5, v4;
	v5 =	vld [tilespmem:$0x1FEE0]  }
0xca: {  	v61 =	vld [tilespmem:s16+$0xC0];
	v26 =	vmul.f32 v8, v26;
	v29 =	vadd.f32 v29, v31;
	v30 =	vadd.f32 v30, v32  }
0xcb: {  	v62 =	vld [tilespmem:s16+$0xD0];
	v24 =	vmul.f32 v15, v39;
	v25 =	vmul.f32 v15, v25  }
0xcc: {  	v63 =	vld [tilespmem:s16+$0xFFFFFF90];
	v27 =	vmul.f32 v8, v27;
	v8 =	vadd.f32 v26, v29;
	v26 =	vadd.f32 v28, v30  }
0xcd: {  	v39 =	vld [tilespmem:s16+$0xFFFFFFC0]  }
0xce: {  	v8 =	vadd.f32 v24, v8;
	v24 =	vadd.f32 v25, v26;
	v25 =	vld [tilespmem:$0x1FF10];
	v5 =	vmul.f32 v7, v5  }
0xcf: {  	v34 =	vld [tilespmem:s16+$0xFFFFFF20]  }
0xd0: {  	v4 =	vadd.f32 v5, v4;
	v5 =	vld [tilespmem:$0x1FEC0]  }
0xd1: {  	v43 =	vld [tilespmem:s16+$0xFFFFFEF0]  }
0xd2: {  	v28 =	vld [tilespmem:$0x1FF90]  }
0xd3: {  	v25 =	vmul.f32 v7, v25;
	v7 =	vadd.f32 v19, v8;
	v19 =	vld [tilespmem:$0x1FEF0]  }
0xd4: {  	v33 =	vld [tilespmem:s16+$0x50];
	v58 =	vadd.f32 v53, v37  }
0xd5: {  	v35 =	vld [tilespmem:s16+$0x0];
	v5 =	vmul.f32 v10, v5  }
0xd6: {  	v53 =	vld [tilespmem:s16+$0xFFFFFEC0];
	v31 =	vadd.f32 v56, v58  }
0xd7: {  	v4 =	vadd.f32 v5, v4;
	v5 =	vld [tilespmem:$0x1FE90]  }
0xd8: {  	v27 =	vadd.f32 v27, v31;
	v28 =	vmul.f32 v15, v28;
	v19 =	vmul.f32 v10, v19;
	v10 =	vld [tilespmem:$0x1FED0]  }
0xd9: {  	v6 =	vld [tilespmem:s16+$0xE0];
	v8 =	vadd.f32 v23, v24  }
0xda: {  	v26 =	vadd.f32 v28, v27;
	v28 =	vld [tilespmem:s16+$0xFFFFFF80];
	v7 =	vadd.f32 v21, v7  }
0xdb: {  	v15 =	vld [tilespmem:s16+$0xA0];
	v8 =	vadd.f32 v22, v8  }
0xdc: {  	v29 =	vld [tilespmem:s16+$0x70];
	v7 =	vadd.f32 v18, v7;
	v5 =	vmul.f32 v14, v5  }
0xdd: {  	v8 =	vadd.f32 v20, v8;
	v10 =	vmul.f32 v14, v10;
	v14 =	vld [tilespmem:$0x1FEB0]  }
0xde: {  	v7 =	vadd.f32 v16, v7;
	v4 =	vadd.f32 v5, v4;
	v5 =	vld [tilespmem:$0x1FE80]  }
0xdf: {  	v30 =	vld [tilespmem:s16+$0x80];
	v23 =	vadd.f32 v25, v26;
	v25 =	vmul.f32 v33, v33;
	v56 =	vmul.f32 v28, v28  }
0xe0: {  	v31 =	vld [tilespmem:s16+$0x90];
	v20 =	vmovc v6;
	v8 =	vadd.f32 v17, v8;
	v7 =	vadd.f32 v12, v7;
	v12 =	vmov v15  }
0xe1: {  	v27 =	vld [tilespmem:s16+$0x30];
	v6 =	vmul.f32 v6, v20;
	v19 =	vadd.f32 v19, v23;
	[tilespmem:$0x1FED0] =	vst v12;
	v12 =	vmul.f32 v15, v12  }
0xe2: {  	v23 =	vld [tilespmem:s16+$0xFFFFFFF0];
	v15 =	vmul.f32 v62, v62;
	[tilespmem:$0x1FFC0] =	vst v7;
	v7 =	vadd.f32 v13, v8;
	v13 =	vmul.f32 v61, v61  }
0xe3: {  	[tilespmem:$0x1FE40] =	vst v59;
	v18 =	vmov v54;
	v14 =	vmul.f32 v11, v14;
	v5 =	vmul.f32 v11, v5;
	v11 =	vld [tilespmem:$0x1FEA0]  }
0xe4: {  	v32 =	vld [tilespmem:s16+$0x40];
	v17 =	vmul.f32 v30, v30;
	[tilespmem:$0x1FFD0] =	vst v7;
	v7 =	vmul.f32 v54, v18;
	v13 =	vadd.f32 v15, v13  }
0xe5: {  	[tilespmem:$0x1FE30] =	vst v60;
	v54 =	vmul.f32 v39, v39;
	v10 =	vadd.f32 v10, v19;
	v4 =	vadd.f32 v5, v4;
	v5 =	vld [tilespmem:$0x1FE70]  }
0xe6: {  	v24 =	vld [tilespmem:s16+$0x60];
	v15 =	vmul.f32 v53, v53;
	[tilespmem:$0x1FEB0] =	vst v20;
	v20 =	vmul.f32 v31, v31;
	v6 =	vadd.f32 v6, v13  }
0xe7: {  	[tilespmem:$0x1FEE0] =	vst v27;
	v13 =	vmul.f32 v34, v34;
	v10 =	vadd.f32 v14, v10;
	v14 =	vmul.f32 v27, v27;
	v27 =	vld [tilespmem:s16+$0xFFFFFF00]  }
0xe8: {  	v38 =	vld [tilespmem:s16+$0xFFFFFED0];
	v22 =	vmov v29;
	[tilespmem:$0x1FE80] =	vst v18;
	v18 =	vmul.f32 v23, v23;
	v11 =	vmul.f32 v9, v11  }
0xe9: {  	v37 =	vld [tilespmem:s16+$0x10];
	[tilespmem:$0x1FF00] =	vst v23;
	v23 =	vmul.f32 v35, v35;
	v6 =	vadd.f32 v7, v6;
	v7 =	vmul.f32 v43, v43  }
0xea: {  	v26 =	vld [tilespmem:s16+$0xFFFFFFD0];
	[tilespmem:$0x1FEC0] =	vst v22;
	v5 =	vmul.f32 v9, v5;
	v8 =	vadd.f32 v11, v10;
	v10 =	vmul.f32 v29, v22  }
0xeb: {  	[tilespmem:$0x1FEF0] =	vst v24;
	v16 =	vmovc v55;
	v19 =	vld [tilespmem:s16+$0x20];
	v9 =	vmov v52;
	v11 =	vmul.f32 v60, v60;
	v22 =	vmul.f32 v32, v32  }
0xec: {  	v41 =	vld [tilespmem:s16+$0xFFFFFEE0];
	v17 =	vadd.f32 v20, v17;
	v60 =	vmul.f32 v27, v27;
	[tilespmem:$0x1FE70] =	vst v9;
	v9 =	vmul.f32 v52, v9  }
0xed: {  	v29 =	vld [tilespmem:s16+$0xFFFFFF40];
	[tilespmem:$0x1FFE0] =	vst v8;
	v4 =	vadd.f32 v5, v4;
	v5 =	vmul.f32 v55, v16;
	v8 =	vmul.f32 v59, v59  }
0xee: {  	v21 =	vmov v57;
	[tilespmem:$0x1FEA0] =	vst v16;
	v52 =	vld [tilespmem:s16+$0xFFFFFF10];
	v16 =	vmul.f32 v24, v24;
	v55 =	vmul.f32 v37, v37  }
0xef: {  	v42 =	vld [tilespmem:s16+$0xFFFFFF30];
	v12 =	vadd.f32 v12, v17;
	v59 =	vmul.f32 v63, v63;
	[tilespmem:$0x1FFF0] =	vst v4;
	v4 =	vmul.f32 v57, v21  }
0xf0: {  	[tilespmem:$0x1FE90] =	vst v21;
	v24 =	vld [tilespmem:s16+$0xFFFFFF50];
	v22 =	vadd.f32 v25, v22;
	v21 =	vmul.f32 v19, v19;
	v57 =	vmul.f32 v26, v26  }
0xf1: {  	v40 =	vld [tilespmem:s16+$0xFFFFFF70];
	v8 =	vadd.f32 v11, v8;
	v20 =	vadd.f32 v55, v23;
	v23 =	vmul.f32 v38, v38  }
0xf2: {  	[tilespmem:$0x1FE60] =	vst v62;
	v36 =	vld [tilespmem:s16+$0xFFFFFFB0];
	v25 =	vadd.f32 v59, v56;
	v16 =	vadd.f32 v16, v22;
	v58 =	vmul.f32 v29, v29  }
0xf3: {  	[tilespmem:$0x1FF10] =	vst v19;
	v19 =	vld [tilespmem:s16+$0xFFFFFFE0];
	v11 =	vmul.f32 v52, v52;
	v62 =	vadd.f32 v57, v54;
	v15 =	vadd.f32 v23, v15  }
0xf4: {  	[tilespmem:$0x1FF30] =	vst v26;
	v26 =	vld [tilespmem:s16+$0xFFFFFF60];
	v5 =	vadd.f32 v5, v8;
	v17 =	vadd.f32 v21, v20;
	v20 =	vmul.f32 v41, v41  }
0xf5: {  	[tilespmem:$0x1FE50] =	vst v61;
	v4 =	vadd.f32 v4, v12;
	v10 =	vadd.f32 v10, v16;
	v61 =	vmul.f32 v24, v24  }
0xf6: {  	[tilespmem:$0x1FF60] =	vst v24;
	v24 =	vld [tilespmem:s16+$0xFFFFFFA0];
	v11 =	vadd.f32 v11, v60;
	v15 =	vadd.f32 v20, v15;
	v20 =	vmul.f32 v40, v40  }
0xf7: {  	v5 =	vadd.f32 v9, v5;
	v9 =	vmul.f32 v42, v42;
	v12 =	vadd.f32 v14, v17  }
0xf8: {  	[tilespmem:$0x1FF40] =	vst v63;
	v17 =	vperm.xlane v4, v0;
	v44 =	vadd.f32 v61, v58;
	v63 =	vmul.f32 v19, v19  }
0xf9: {  	v8 =	vmul.f32 v26, v26;
	v11 =	vadd.f32 v13, v11;
	v13 =	vmul.f32 v36, v36  }
0xfa: {  	v16 =	vperm.xlane v5, v0;
	v7 =	vadd.f32 v7, v15;
	v4 =	vadd.f32 v4, v17  }
0xfb: {  	v22 =	vadd.f32 v63, v62;
	v8 =	vadd.f32 v8, v44;
	v23 =	vmul.f32 v24, v24  }
0xfc: {  	v9 =	vadd.f32 v9, v11;
	v11 =	vperm.xlane v12, v0;
	v5 =	vadd.f32 v5, v16  }
0xfd: {  	v17 =	vperm.xlane v7, v0;
	v14 =	vadd.f32 v18, v22;
	v8 =	vadd.f32 v20, v8  }
0xfe: {  	v18 =	vperm.xlane v6, v0;
	v20 =	vperm.xlane v10, v0;
	v21 =	vadd.f32 v23, v25  }
0xff: {  	v16 =	vperm.xlane v9, v0;
	v11 =	vadd.f32 v12, v11;
	v7 =	vadd.f32 v7, v17  }
0x100: {  	v22 =	vperm.xlane v8, v0;
	v6 =	vadd.f32 v6, v18;
	v13 =	vadd.f32 v13, v21  }
0x101: {  	v10 =	vadd.f32 v10, v20;
	v21 =	vperm.xlane v14, v0;
	v17 =	vperm.xlane v11, v1  }
0x102: {  	v9 =	vadd.f32 v9, v16;
	v16 =	vperm.xlane v6, v1;
	v15 =	vperm.xlane v13, v0  }
0x103: {  	v8 =	vadd.f32 v8, v22;
	v18 =	vperm.xlane v10, v1;
	v14 =	vadd.f32 v14, v21  }
0x104: {  	v6 =	vadd.f32 v6, v16;
	v16 =	vperm.xlane v7, v1;
	v12 =	vadd.f32 v13, v15  }
0x105: {  	v11 =	vadd.f32 v11, v17;
	v13 =	vperm.xlane v5, v1;
	v15 =	vperm.xlane v4, v1  }
0x106: {  	v10 =	vadd.f32 v10, v18;
	v21 =	vperm.xlane v14, v1;
	v20 =	vperm.xlane v12, v1  }
0x107: {  	v5 =	vadd.f32 v5, v13;
	v13 =	vperm.xlane v8, v1;
	v4 =	vadd.f32 v4, v15  }
0x108: {  	v15 =	vperm.xlane v9, v1;
	v14 =	vadd.f32 v14, v21;
	v12 =	vadd.f32 v12, v20  }
0x109: {  	v8 =	vadd.f32 v8, v13;
	v13 =	vperm.xlane v6, v2;
	v17 =	vperm.xlane v5, v2  }
0x10a: {  	v9 =	vadd.f32 v9, v15;
	v15 =	vperm.xlane v10, v2;
	v18 =	vperm.xlane v4, v2  }
0x10b: {  	v7 =	vadd.f32 v7, v16;
	v16 =	vperm.xlane v14, v2;
	v20 =	vperm.xlane v11, v2  }
0x10c: {  	v21 =	vperm.xlane v8, v2;
	v22 =	vperm.xlane v12, v2;
	v5 =	vadd.f32 v5, v17  }
0x10d: {  	v17 =	vperm.xlane v9, v2;
	v4 =	vadd.f32 v4, v18;
	v6 =	vadd.f32 v6, v13  }
0x10e: {  	v13 =	vperm.xlane v7, v2;
	v11 =	vadd.f32 v11, v20;
	v10 =	vadd.f32 v10, v15  }
0x10f: {  	v14 =	vadd.f32 v14, v16;
	v12 =	vadd.f32 v12, v22;
	v15 =	vperm.xlane v5, v3  }
0x110: {  	v8 =	vadd.f32 v8, v21;
	v16 =	vperm.xlane v4, v3;
	v18 =	vperm.xlane v6, v3  }
0x111: {  	v9 =	vadd.f32 v9, v17;
	v17 =	vperm.xlane v11, v3;
	v20 =	vperm.xlane v10, v3  }
0x112: {  	v7 =	vadd.f32 v7, v13;
	v21 =	vperm.xlane v14, v3;
	v13 =	vperm.xlane v12, v3  }
0x113: {  	v22 =	vperm.xlane v8, v3;
	v55 =	vadd.f32 v6, v18;
	v57 =	vadd.f32 v5, v15  }
0x114: {  	[tilespmem:$0x1FF80] =	vst v53;
	v5 =	vperm.xlane v9, v3;
	v54 =	vadd.f32 v10, v20;
	v56 =	vadd.f32 v4, v16  }
0x115: {  	[tilespmem:$0x1FF70] =	vst v52;
	v4 =	vperm.xlane v7, v3;
	v52 =	vadd.f32 v14, v21;
	v53 =	vadd.f32 v11, v17  }
0x116: {  	v50 =	vadd.f32 v8, v22;
	v51 =	vadd.f32 v12, v13  }
0x117: {  	v48 =	vadd.f32 v7, v4;
	v49 =	vadd.f32 v9, v5  }
0x118: {  	v4 =	vshra.s32 v55, $0x1;
	v5 =	vshra.s32 v57, $0x1;
	v60 =	vmul.f32 $5.000000000e-01, v57  }
0x119: {  	v6 =	vshra.s32 v56, $0x1;
	v58 =	vmul.f32 $5.000000000e-01, v56;
	v63 =	vmul.f32 $5.000000000e-01, v55  }
0x11a: {  	v7 =	vshra.s32 v53, $0x1;
	v8 =	vshra.s32 v54, $0x1;
	v61 =	vmul.f32 $5.000000000e-01, v54  }
0x11b: {  	v10 =	vshra.s32 v52, $0x1;
	v62 =	vmul.f32 $5.000000000e-01, v52;
	v59 =	vmul.f32 $5.000000000e-01, v53  }
0x11c: {  	v23 =	vsub.s32 $0x5F3759DF, v5;
	v18 =	vsub.s32 $0x5F3759DF, v8;
	v22 =	vsub.s32 $0x5F3759DF, v6  }
0x11d: {  	v20 =	vsub.s32 $0x5F3759DF, v4;
	v14 =	vsub.s32 $0x5F3759DF, v10;
	v16 =	vsub.s32 $0x5F3759DF, v7  }
0x11e: {  	v15 =	vshra.s32 v50, $0x1;
	v11 =	vmul.f32 $5.000000000e-01, v51;
	v13 =	vmul.f32 $5.000000000e-01, v49  }
0x11f: {  	v17 =	vshra.s32 v51, $0x1;
	v9 =	vmul.f32 $5.000000000e-01, v50;
	v12 =	vmul.f32 $5.000000000e-01, v48  }
0x120: {  	v25 =	vshra.s32 v49, $0x1;
	v7 =	vmul.f32 v23, v60;
	v8 =	vmul.f32 v22, v58  }
0x121: {  	[tilespmem:$0x1FF90] =	vst v19;
	v10 =	vmul.f32 v20, v63;
	v19 =	vmul.f32 v14, v62;
	v21 =	vsub.s32 $0x5F3759DF, v17  }
0x122: {  	v4 =	vsub.s32 $0x5F3759DF, v15;
	v15 =	vmul.f32 v16, v59;
	v17 =	vmul.f32 v18, v61  }
0x123: {  	p0 =	sne.s32 s18, $0x5A;
	[tilespmem:$0x1FFB0] =	vst v26;
	v5 =	vsub.s32 $0x5F3759DF, v25;
	v25 =	vmul.f32 v21, v11;
	v26 =	vmul.f32 v23, v7  }
.Ltmp0:
0x124: {  	[tilespmem:$0x1FFA0] =	vst v24;
	v44 =	vshra.s32 v48, $0x1;
	v45 =	vmul.f32 v5, v13;
	v24 =	vmul.f32 v4, v9;
	(pc) =	sbr.rel @p0 .LBB2_3-.Ltmp0, $4  }
0x125: {  	[tilespmem:$0x1FF50] =	vst v27;
	v27 =	vmul.f32 v22, v8;
	v8 =	vmul.f32 v21, v25;
	v25 =	vsub.f32 $1.500000000e+00, v26;
	v26 =	vld [tilespmem:$0x1FE30]  }
0x126: {  	[tilespmem:$0x1FF20] =	vst v28;
	v6 =	vsub.s32 $0x5F3759DF, v44;
	v28 =	vmul.f32 v20, v10;
	v10 =	vmul.f32 v4, v24;
	v24 =	vld [tilespmem:$0x1FE40]  }
0x127: {  	v46 =	vmul.f32 v6, v12;
	v7 =	vmul.f32 v16, v15;
	v15 =	vsub.f32 $1.500000000e+00, v27;
	v27 =	vld [tilespmem:$0x1FE50]  }
0x128: {  	s17 =	smov.u32 s18;
	s18 =	sadd.s32 $0xA, s18;
	v44 =	vmul.f32 v14, v19;
	v47 =	vmul.f32 v18, v17;
	v17 =	vsub.f32 $1.500000000e+00, v28;
	v28 =	vld [tilespmem:$0x1FE60]  }
0x129: {  	v15 =	vmul.f32 v22, v15;
	v7 =	vsub.f32 $1.500000000e+00, v7;
	v8 =	vsub.f32 $1.500000000e+00, v8  }
0x12a: {  	v10 =	vsub.f32 $1.500000000e+00, v10;
	v17 =	vmul.f32 v20, v17;
	v20 =	vmul.f32 v23, v25  }
0x12b: {  	v19 =	vsub.f32 $1.500000000e+00, v47;
	v23 =	vmul.f32 v5, v45;
	v7 =	vmul.f32 v16, v7  }
0x12c: {  	v22 =	vsub.f32 $1.500000000e+00, v44;
	v4 =	vmul.f32 v4, v10;
	v8 =	vmul.f32 v21, v8  }
0x12d: {  	v18 =	vmul.f32 v18, v19;
	v19 =	vmul.f32 v6, v46;
	v10 =	vsub.f32 $1.500000000e+00, v23  }
0x12e: {  	v14 =	vmul.f32 v14, v22;
	v21 =	vmul.f32 v7, v59  }
0x12f: {  	v16 =	vsub.f32 $1.500000000e+00, v19;
	v5 =	vmul.f32 v5, v10;
	v10 =	vmul.f32 v20, v60  }
0x130: {  	v19 =	vmul.f32 v15, v58;
	v21 =	vmul.f32 v21, v7  }
0x131: {  	v6 =	vmul.f32 v6, v16;
	v16 =	vmul.f32 v17, v63  }
0x132: {  	v22 =	vmul.f32 v18, v61;
	v10 =	vmul.f32 v10, v20  }
0x133: {  	v19 =	vmul.f32 v19, v15;
	v21 =	vsub.f32 $1.500000000e+00, v21;
	v16 =	vmul.f32 v16, v17  }
0x134: {  	v23 =	vmul.f32 v8, v11;
	v22 =	vmul.f32 v22, v18;
	v10 =	vsub.f32 $1.500000000e+00, v10  }
0x135: {  	v19 =	vsub.f32 $1.500000000e+00, v19;
	v7 =	vmul.f32 v21, v7;
	v16 =	vsub.f32 $1.500000000e+00, v16  }
0x136: {  	v10 =	vmul.f32 v10, v20;
	v20 =	vmul.f32 v23, v8  }
0x137: {  	v15 =	vmul.f32 v19, v15;
	v16 =	vmul.f32 v16, v17  }
0x138: {  	v17 =	vsub.f32 $1.500000000e+00, v22;
	v19 =	vsub.f32 $1.500000000e+00, v20;
	v20 =	vmul.f32 v14, v62  }
0x139: {  	v22 =	vmul.f32 v6, v12;
	v23 =	vmul.f32 v10, v60  }
0x13a: {  	v17 =	vmul.f32 v17, v18;
	v8 =	vmul.f32 v19, v8  }
0x13b: {  	vm0 =	vgt.f32 v57, $1.000000000e+00;
	v19 =	vmul.f32 v20, v14;
	v20 =	vmul.f32 v5, v13  }
0x13c: {  	vm1 =	vgt.f32 v55, $1.000000000e+00;
	v18 =	vmul.f32 v4, v9;
	v21 =	vmul.f32 v16, v63  }
0x13d: {  	vm3 =	vgt.f32 v56, $1.000000000e+00;
	v22 =	vmul.f32 v22, v6;
	v20 =	vmul.f32 v20, v5  }
0x13e: {  	v23 =	vmul.f32 v23, v10;
	v18 =	vmul.f32 v18, v4;
	v19 =	vsub.f32 $1.500000000e+00, v19  }
0x13f: {  	v21 =	vmul.f32 v21, v16;
	v11 =	vmul.f32 v8, v11;
	v20 =	vsub.f32 $1.500000000e+00, v20  }
0x140: {  	v18 =	vsub.f32 $1.500000000e+00, v18;
	v14 =	vmul.f32 v19, v14;
	v19 =	vsub.f32 $1.500000000e+00, v22  }
0x141: {  	v21 =	vsub.f32 $1.500000000e+00, v21;
	v11 =	vmul.f32 v11, v8;
	v5 =	vmul.f32 v20, v5  }
0x142: {  	s20 =	sadd.s32 $0x8, s17;
	v4 =	vmul.f32 v18, v4;
	v18 =	vsub.f32 $1.500000000e+00, v23;
	v6 =	vmul.f32 v19, v6  }
0x143: {  	vm2 =	vgt.f32 v54, $1.000000000e+00;
	s20 =	scvt.s32.f32 s20;
	v16 =	vmul.f32 v21, v16;
	v20 =	vmul.f32 v17, v61  }
0x144: {  	s16 =	sadd.s32 $0x9, s17;
	s18 =	sadd.s32 $0x6, s17;
	vm5 =	vgt.f32 v52, $1.000000000e+00;
	v21 =	vmul.f32 v14, v62;
	v10 =	vmul.f32 v18, v10  }
0x145: {  	s19 =	sadd.s32 $0x7, s17;
	s21 =	scvt.s32.f32 s17;
	vm7 =	vgt.f32 v50, $1.000000000e+00;
	s20 =	smul.f32 $4.522613250e-03, s20;
	v18 =	vmul.f32 v15, v58;
	v13 =	vmul.f32 v5, v13  }
0x146: {  	s22 =	sadd.s32 $0x5, s17;
	s23 =	sadd.s32 $0x4, s17;
	s16 =	scvt.s32.f32 s16;
	v11 =	vsub.f32 $1.500000000e+00, v11;
	v9 =	vmul.f32 v4, v9;
	v12 =	vmul.f32 v6, v12  }
0x147: {  	s24 =	sadd.s32 $0x3, s17;
	s30 =	sadd.s32 $0x1, s17;
	vm8 =	vgt.f32 v49, $1.000000000e+00;
	s20 =	sadd.f32 $1.000000010e-01, s20;
	v20 =	vmul.f32 v20, v17;
	v13 =	vmul.f32 v13, v5  }
0x148: {  	s25 =	sadd.s32 $0x2, s17;
	s17 =	scvt.s32.f32 s30;
	s16 =	smul.f32 $4.522613250e-03, s16;
	v21 =	vmul.f32 v21, v14;
	v8 =	vmul.f32 v11, v8;
	v11 =	vnsel vm1, $0x3F800000, v16  }
0x149: {  	s19 =	scvt.s32.f32 s19;
	s18 =	scvt.s32.f32 s18;
	v11 =	vmul.f32 s20, v11;
	v18 =	vmul.f32 v18, v15;
	v13 =	vsub.f32 $1.500000000e+00, v13  }
0x14a: {  	s17 =	smul.f32 $4.522613250e-03, s17;
	s16 =	sadd.f32 $1.000000010e-01, s16;
	v9 =	vmul.f32 v9, v4;
	v20 =	vsub.f32 $1.500000000e+00, v20;
	v12 =	vmul.f32 v12, v6  }
0x14b: {  	p0 =	seq.s32 s15, $0x7F;
	s25 =	scvt.s32.f32 s25;
	s19 =	smul.f32 $4.522613250e-03, s19;
	v10 =	vnsel vm0, $0x3F800000, v10;
	v18 =	vsub.f32 $1.500000000e+00, v18;
	v5 =	vmul.f32 v13, v5  }
0x14c: {  	s18 =	smul.f32 $4.522613250e-03, s18;
	s17 =	sadd.f32 $1.000000010e-01, s17;
	v21 =	vsub.f32 $1.500000000e+00, v21;
	v10 =	vmul.f32 s16, v10;
	v9 =	vsub.f32 $1.500000000e+00, v9  }
0x14d: {  	s25 =	smul.f32 $4.522613250e-03, s25;
	s19 =	sadd.f32 $1.000000010e-01, s19;
	s16 =	sadd.s32 $0x1, s15;
	v17 =	vmul.f32 v20, v17;
	v15 =	vmul.f32 v18, v15;
	v5 =	vnsel vm8, $0x3F800000, v5  }
0x14e: {  	s18 =	sadd.f32 $1.000000010e-01, s18;
	v12 =	vsub.f32 $1.500000000e+00, v12;
	v4 =	vmul.f32 v9, v4;
	v5 =	vmul.f32 s17, v5;
	s17 =	smul.u32 @!p0 $0x340, s16  }
0x14f: {  	s31 =	sadd.f32 $1.000000010e-01, s25;
	v14 =	vmul.f32 v21, v14;
	v13 =	vnsel vm2, $0x3F800000, v17;
	v9 =	vnsel vm3, $0x3F800000, v15  }
0x150: {  	v13 =	vmul.f32 s18, v13;
	s18 =	simm.s32 @!p0 $0x64;
	v4 =	vnsel vm7, $0x3F800000, v4;
	v9 =	vmul.f32 s19, v9;
	s19 =	simm.s32 @!p0 $0x6800;
	s17 =	sshra.s32 @!p0 s17, $0x2  }
0x151: {  	v6 =	vmul.f32 v12, v6;
	v12 =	vnsel vm5, $0x3F800000, v14;
	v14 =	vmul.f32 s31, v4;
	[tilespmem:s19], [sflag:$0x1] =	stream.indirect.gather @!p0 [hbm4b:s3+s18], $0x40, s17, s18, $0xb8;
	[tilespmem:$0xBA00] =	vst v63  }
0x152: {  	s21 =	smul.f32 $4.522613250e-03, s21;
	_ =	swait.ge [sflag:s12], $0x1900  }
0x153: {  	v15 =	vmul.f32 v11, v27;
	v27 =	vmul.f32 v14, v29;
	v29 =	vld [tilespmem:$0x1FF50]  }
0x154: {  	vm9 =	vgt.f32 v48, $1.000000000e+00;
	s21 =	sadd.f32 $1.000000010e-01, s21;
	v17 =	vmul.f32 v9, v30;
	v30 =	vld [tilespmem:$0x1FF70]  }
0x155: {  	v19 =	vmul.f32 v7, v59;
	v6 =	vnsel vm9, $0x3F800000, v6;
	v18 =	vmul.f32 v9, v31;
	v31 =	vld [tilespmem:$0x1FF80]  }
0x156: {  	v6 =	vmul.f32 s21, v6;
	v50 =	vld [tilespmem:$0x1FFC0]  }
0x157: {  	s24 =	scvt.s32.f32 s24;
	v19 =	vmul.f32 v19, v7;
	v55 =	vld [tilespmem:$0x1FFF0]  }
0x158: {  	v16 =	vmul.f32 v11, v28;
	v46 =	vmul.f32 v6, v38  }
0x159: {  	s24 =	smul.f32 $4.522613250e-03, s24;
	v47 =	vmul.f32 v6, v41;
	v52 =	vmul.f32 v5, v34  }
0x15a: {  	vm6 =	vgt.f32 v51, $1.000000000e+00;
	v51 =	vld [tilespmem:$0x1FFD0];
	v31 =	vmul.f32 v6, v31;
	v6 =	vmul.f32 v6, v43  }
0x15b: {  	s24 =	sadd.f32 $1.000000010e-01, s24;
	v8 =	vnsel vm6, $0x3F800000, v8;
	v29 =	vmul.f32 v5, v29;
	v30 =	vmul.f32 v5, v30  }
0x15c: {  	v28 =	vld [tilespmem:$0x1FF60];
	v5 =	vmul.f32 v5, v42;
	v31 =	vadd.f32 v31, v50;
	v6 =	vadd.f32 v6, v55  }
0x15d: {  	v19 =	vsub.f32 $1.500000000e+00, v19;
	v8 =	vmul.f32 s24, v8  }
0x15e: {  	v29 =	vadd.f32 v29, v31;
	v31 =	vld [tilespmem:$0x1FFB0];
	v5 =	vadd.f32 v5, v6;
	v6 =	vmul.f32 v14, v40  }
0x15f: {  	v7 =	vmul.f32 v19, v7;
	v19 =	vmul.f32 v13, v32;
	v32 =	vadd.f32 v46, v51  }
0x160: {  	s23 =	scvt.s32.f32 s23;
	v25 =	vld [tilespmem:$0x1FF20];
	v5 =	vadd.f32 v6, v5;
	v6 =	vmul.f32 v8, v36  }
0x161: {  	v4 =	vmul.f32 v10, v26;
	v26 =	vld [tilespmem:$0x1FF40];
	v28 =	vmul.f32 v14, v28;
	v30 =	vadd.f32 v30, v32  }
0x162: {  	s23 =	smul.f32 $4.522613250e-03, s23;
	v5 =	vadd.f32 v6, v5;
	v6 =	vld [tilespmem:$0x1FF00]  }
0x163: {  	v31 =	vmul.f32 v14, v31;
	v14 =	vadd.f32 v27, v29;
	v27 =	vadd.f32 v28, v30;
	v28 =	vld [tilespmem:$0x1FFA0]  }
0x164: {  	s23 =	sadd.f32 $1.000000010e-01, s23  }
0x165: {  	v48 =	vmul.f32 v10, v24  }
0x166: {  	s22 =	scvt.s32.f32 s22;
	v12 =	vmul.f32 s23, v12;
	v24 =	vld [tilespmem:$0x1FF30];
	v25 =	vmul.f32 v8, v25  }
0x167: {  	v26 =	vmul.f32 v8, v26  }
0x168: {  	s22 =	smul.f32 $4.522613250e-03, s22;
	v6 =	vmul.f32 v12, v6;
	v28 =	vmul.f32 v8, v28;
	v8 =	vadd.f32 v25, v14;
	v25 =	vld [tilespmem:$0x1FF90];
	_ =	sdelay $0x1  }
0x169: {  	vm4 =	vgt.f32 v53, $1.000000000e+00;
	s22 =	sadd.f32 $1.000000010e-01, s22;
	v5 =	vadd.f32 v6, v5;
	v6 =	vld [tilespmem:$0x1FEE0]  }
0x16a: {  	v7 =	vnsel vm4, $0x3F800000, v7;
	v24 =	vmul.f32 v12, v24;
	v14 =	vadd.f32 v26, v27  }
0x16b: {  	v7 =	vmul.f32 s22, v7;
	[sflag:s12] =	ssyncset.done $0x0;
	v54 =	vld [tilespmem:$0x1FFE0]  }
0x16c: {  	v23 =	vmul.f32 v12, v39;
	s17 =	simm.s32 $0x8370;
	[sflag:s12] =	ssyncadd.s32 $0xFFFFE700;
	v25 =	vmul.f32 v12, v25;
	v12 =	vadd.f32 v24, v14;
	v14 =	vld [tilespmem:$0x1FF10]  }
0x16d: {  	v62 =	vld [tilespmem:s17+$0x0]  }
0x16e: {  	v63 =	vld [tilespmem:s17+$0xFFFFFFC0];
	v6 =	vmul.f32 v7, v6  }
0x16f: {  	v21 =	vmul.f32 v7, v35;
	v22 =	vmul.f32 v7, v37;
	v37 =	vld [tilespmem:s17+$0xFFFFFFF0];
	v8 =	vadd.f32 v23, v8  }
0x170: {  	v5 =	vadd.f32 v6, v5;
	v6 =	vld [tilespmem:$0x1FEC0]  }
0x171: {  	v14 =	vmul.f32 v7, v14;
	v7 =	vadd.f32 v21, v8;
	v8 =	vadd.f32 v22, v12;
	v12 =	vld [tilespmem:$0x1FEF0]  }
0x172: {  	v49 =	vld [tilespmem:s17+$0xFFFFFF80]  }
0x173: {  	v53 =	vld [tilespmem:s17+$0xFFFFFFB0]  }
0x174: {  	v56 =	vld [tilespmem:s17+$0xFFFFFFD0]  }
0x175: {  	v20 =	vmul.f32 v13, v33;
	v57 =	vld [tilespmem:s17+$0xFFFFFFE0]  }
0x176: {  	v6 =	vmul.f32 v13, v6;
	v12 =	vmul.f32 v13, v12;
	v13 =	vld [tilespmem:$0x1FED0]  }
0x177: {  	v59 =	vld [tilespmem:s17+$0xFFFFFF40]  }
0x178: {  	v60 =	vld [tilespmem:s17+$0xFFFFFEC0]  }
0x179: {  	v61 =	vld [tilespmem:s17+$0xFFFFFF10]  }
0x17a: {  	v34 =	vld [tilespmem:s17+$0xFFFFFDE0]  }
0x17b: {  	v7 =	vadd.f32 v19, v7;
	v19 =	vmul.f32 v9, v13;
	v13 =	vld [tilespmem:$0x1FE90]  }
0x17c: {  	v41 =	vld [tilespmem:s17+$0xFFFFFD90]  }
0x17d: {  	v35 =	vld [tilespmem:s17+$0xFFFFFDB0];
	v33 =	vadd.f32 v47, v54  }
0x17e: {  	v46 =	vld [tilespmem:s17+$0xFFFFFF60]  }
0x17f: {  	v54 =	vld [tilespmem:s17+$0xFFFFFE50];
	v58 =	vadd.f32 v52, v33  }
0x180: {  	v9 =	vmul.f32 v9, v13;
	v13 =	vld [tilespmem:$0x1FEB0]  }
0x181: {  	v29 =	vadd.f32 v31, v58;
	v24 =	vld [tilespmem:s17+$0xFFFFFF50]  }
0x182: {  	v42 =	vld [tilespmem:s17+$0xFFFFFDA0]  }
0x183: {  	v40 =	vld [tilespmem:s17+$0xFFFFFFA0];
	v26 =	vadd.f32 v28, v29  }
0x184: {  	v36 =	vmov v57;
	v57 =	vmul.f32 v61, v61;
	v30 =	vld [tilespmem:s17+$0xFFFFFF70]  }
0x185: {  	[tilespmem:$0x1FD40] =	vst v61;
	v61 =	vmul.f32 v34, v34;
	v8 =	vadd.f32 v20, v8;
	v20 =	vmul.f32 v11, v13;
	v13 =	vld [tilespmem:$0x1FE80]  }
0x186: {  	v31 =	vld [tilespmem:s17+$0xFFFFFF90];
	v23 =	vadd.f32 v25, v26;
	v25 =	vmul.f32 v36, v36;
	v44 =	vmovc v24;
	v24 =	vmul.f32 v56, v56  }
0x187: {  	v29 =	vld [tilespmem:s17+$0xFFFFFF00];
	v26 =	vmov v56;
	v56 =	vmul.f32 v46, v46;
	v55 =	vmul.f32 v44, v44  }
0x188: {  	v27 =	vld [tilespmem:s17+$0xFFFFFF30];
	v21 =	vmul.f32 v63, v63;
	v14 =	vadd.f32 v14, v23;
	v24 =	vadd.f32 v25, v24  }
0x189: {  	[tilespmem:$0x1FCA0] =	vst v63;
	v63 =	vld [tilespmem:s17+$0xFFFFFEE0];
	v22 =	vmul.f32 v37, v37;
	v25 =	vadd.f32 v56, v55;
	v7 =	vadd.f32 v17, v7  }
0x18a: {  	[tilespmem:$0x1FC90] =	vst v62;
	v17 =	vmul.f32 v49, v49;
	v8 =	vadd.f32 v18, v8;
	v11 =	vmul.f32 v11, v13;
	v13 =	vld [tilespmem:$0x1FEA0]  }
0x18b: {  	[tilespmem:$0x1FCC0] =	vst v37;
	v5 =	vadd.f32 v6, v5;
	v6 =	vmul.f32 v62, v62;
	v62 =	vld [tilespmem:s17+$0xFFFFFED0];
	v7 =	vadd.f32 v15, v7  }
0x18c: {  	v52 =	vld [tilespmem:s17+$0xFFFFFE90];
	[tilespmem:$0x1FCD0] =	vst v53;
	v18 =	vmul.f32 v53, v53;
	v15 =	vmul.f32 v29, v29;
	v8 =	vadd.f32 v16, v8  }
0x18d: {  	[tilespmem:$0x1FCF0] =	vst v30;
	v28 =	vld [tilespmem:s17+$0xFFFFFE60];
	v16 =	vmul.f32 v27, v27;
	v12 =	vadd.f32 v12, v14;
	v7 =	vadd.f32 v48, v7  }
0x18e: {  	v38 =	vmovc v31;
	v23 =	vld [tilespmem:s17+$0xFFFFFEF0];
	v5 =	vadd.f32 v9, v5;
	v9 =	vmul.f32 v30, v30;
	v30 =	vmul.f32 v31, v31  }
0x18f: {  	[tilespmem:$0x1FD10] =	vst v27;
	v4 =	vadd.f32 v4, v8;
	v31 =	vmul.f32 v40, v40;
	v14 =	vmul.f32 v10, v13;
	v13 =	vld [tilespmem:$0x1FE70]  }
0x190: {  	v27 =	vld [tilespmem:s17+$0xFFFFFE20];
	v8 =	vmul.f32 v63, v63;
	[tilespmem:$0x1FD50] =	vst v7;
	v7 =	vmul.f32 v62, v62;
	v12 =	vadd.f32 v19, v12  }
0x191: {  	v37 =	vld [tilespmem:s17+$0xFFFFFDD0];
	[tilespmem:$0x1FD80] =	vst v4;
	v4 =	vmul.f32 v52, v52;
	v19 =	vmul.f32 v59, v59;
	v30 =	vadd.f32 v31, v30  }
0x192: {  	[tilespmem:$0x1FD20] =	vst v60;
	v53 =	vld [tilespmem:s17+$0xFFFFFEA0];
	v7 =	vadd.f32 v8, v7;
	v8 =	vmul.f32 v41, v41;
	v12 =	vadd.f32 v20, v12  }
0x193: {  	[tilespmem:$0x1FD00] =	vst v29;
	v29 =	vld [tilespmem:s17+$0xFFFFFE10];
	v9 =	vadd.f32 v9, v25;
	v18 =	vadd.f32 v18, v30;
	v20 =	vmul.f32 v60, v60  }
0x194: {  	[tilespmem:$0x1FD60] =	vst v62;
	v62 =	vld [tilespmem:s17+$0xFFFFFE30];
	v5 =	vadd.f32 v11, v5;
	v12 =	vadd.f32 v14, v12;
	v10 =	vmul.f32 v10, v13  }
0x195: {  	[tilespmem:$0x1FD30] =	vst v23;
	v9 =	vadd.f32 v17, v9;
	v60 =	vmul.f32 v27, v27;
	v11 =	vmul.f32 v23, v23;
	v13 =	vld [tilespmem:s17+$0xFFFFFF20]  }
0x196: {  	v23 =	vld [tilespmem:s17+$0xFFFFFE70];
	[tilespmem:$0x1FDB0] =	vst v12;
	v12 =	vmul.f32 v54, v54;
	v5 =	vadd.f32 v10, v5;
	v10 =	vmul.f32 v28, v28  }
0x197: {  	v47 =	vld [tilespmem:s17+$0xFFFFFDC0];
	[tilespmem:$0x1FCE0] =	vst v59;
	v17 =	vadd.f32 v21, v18;
	v7 =	vadd.f32 v11, v7;
	v14 =	vmul.f32 v53, v53  }
0x198: {  	v45 =	vld [tilespmem:s17+$0xFFFFFE00];
	[tilespmem:$0x1FDE0] =	vst v5;
	v5 =	vmul.f32 v29, v29;
	v10 =	vadd.f32 v10, v12;
	v12 =	vmul.f32 v42, v42  }
0x199: {  	[tilespmem:$0x1FDF0] =	vst v27;
	v59 =	vmul.f32 v37, v37;
	v27 =	vld [tilespmem:s17+$0xFFFFFDF0];
	v7 =	vadd.f32 v15, v7;
	v4 =	vadd.f32 v14, v4  }
0x19a: {  	[tilespmem:$0x1FD70] =	vst v13;
	v58 =	vmul.f32 v13, v13;
	v13 =	vld [tilespmem:s17+$0xFFFFFEB0];
	v5 =	vadd.f32 v60, v5;
	v8 =	vadd.f32 v12, v8  }
0x19b: {  	v43 =	vld [tilespmem:s17+$0xFFFFFE40];
	v12 =	vadd.f32 v22, v24;
	v22 =	vmul.f32 v23, v23;
	v24 =	vmul.f32 v62, v62  }
0x19c: {  	v39 =	vld [tilespmem:s17+$0xFFFFFE80];
	v18 =	vmul.f32 v47, v47;
	v14 =	vadd.f32 v61, v59;
	v31 =	vadd.f32 v58, v57  }
0x19d: {  	v10 =	vadd.f32 v22, v10;
	v22 =	vmul.f32 v35, v35;
	v5 =	vadd.f32 v24, v5  }
0x19e: {  	v6 =	vadd.f32 v6, v12;
	v11 =	vadd.f32 v16, v31;
	v16 =	vmul.f32 v27, v27  }
0x19f: {  	[tilespmem:$0x1FDA0] =	vst v63;
	v12 =	vmul.f32 v45, v45;
	v63 =	vmul.f32 v13, v13;
	v8 =	vadd.f32 v22, v8  }
0x1a0: {  	v22 =	vmul.f32 v43, v43;
	v15 =	vperm.xlane v6, v0;
	v14 =	vadd.f32 v16, v14  }
0x1a1: {  	v16 =	vmul.f32 v39, v39;
	v11 =	vadd.f32 v19, v11;
	v4 =	vadd.f32 v63, v4  }
0x1a2: {  	v19 =	vperm.xlane v17, v0;
	v5 =	vadd.f32 v22, v5;
	v8 =	vadd.f32 v18, v8  }
0x1a3: {  	v6 =	vadd.f32 v6, v15;
	v10 =	vadd.f32 v16, v10;
	v16 =	vperm.xlane v9, v0  }
0x1a4: {  	v12 =	vadd.f32 v12, v14;
	v14 =	vperm.xlane v7, v0;
	v17 =	vadd.f32 v17, v19  }
0x1a5: {  	v4 =	vadd.f32 v20, v4;
	v20 =	vperm.xlane v11, v0;
	v22 =	vperm.xlane v5, v0  }
0x1a6: {  	v18 =	vperm.xlane v10, v0;
	v15 =	vperm.xlane v12, v0;
	v9 =	vadd.f32 v9, v16  }
0x1a7: {  	v16 =	vperm.xlane v8, v0;
	v7 =	vadd.f32 v7, v14;
	v14 =	vperm.xlane v6, v1  }
0x1a8: {  	v21 =	vperm.xlane v4, v0;
	v11 =	vadd.f32 v11, v20;
	v5 =	vadd.f32 v5, v22  }
0x1a9: {  	v10 =	vadd.f32 v10, v18;
	v12 =	vadd.f32 v12, v15;
	v15 =	vperm.xlane v9, v1  }
0x1aa: {  	v18 =	vperm.xlane v17, v1;
	v8 =	vadd.f32 v8, v16;
	v16 =	vperm.xlane v7, v1  }
0x1ab: {  	v6 =	vadd.f32 v6, v14;
	v4 =	vadd.f32 v4, v21;
	v19 =	vperm.xlane v11, v1  }
0x1ac: {  	v14 =	vperm.xlane v5, v1;
	v20 =	vperm.xlane v10, v1;
	v9 =	vadd.f32 v9, v15  }
0x1ad: {  	v15 =	vadd.f32 v17, v18;
	v17 =	vperm.xlane v12, v1;
	v7 =	vadd.f32 v7, v16  }
0x1ae: {  	v16 =	vperm.xlane v8, v1;
	v18 =	vperm.xlane v6, v2;
	v11 =	vadd.f32 v11, v19  }
0x1af: {  	v21 =	vperm.xlane v4, v1;
	v5 =	vadd.f32 v5, v14;
	v10 =	vadd.f32 v10, v20  }
0x1b0: {  	v14 =	vperm.xlane v15, v2;
	v12 =	vadd.f32 v12, v17;
	v19 =	vperm.xlane v9, v2  }
0x1b1: {  	v8 =	vadd.f32 v8, v16;
	v20 =	vperm.xlane v7, v2;
	v6 =	vadd.f32 v6, v18  }
0x1b2: {  	v4 =	vadd.f32 v4, v21;
	v17 =	vperm.xlane v11, v2;
	v21 =	vperm.xlane v5, v2  }
0x1b3: {  	v22 =	vperm.xlane v10, v2;
	v18 =	vperm.xlane v12, v2;
	v9 =	vadd.f32 v9, v19  }
0x1b4: {  	v14 =	vadd.f32 v15, v14;
	v15 =	vperm.xlane v8, v2;
	v7 =	vadd.f32 v7, v20  }
0x1b5: {  	v16 =	vperm.xlane v4, v2;
	v11 =	vadd.f32 v11, v17;
	v5 =	vadd.f32 v5, v21  }
0x1b6: {  	v10 =	vadd.f32 v10, v22;
	v17 =	vperm.xlane v9, v3;
	v19 =	vperm.xlane v14, v3  }
0x1b7: {  	v12 =	vadd.f32 v12, v18;
	v18 =	vperm.xlane v7, v3;
	v8 =	vadd.f32 v8, v15  }
0x1b8: {  	v4 =	vadd.f32 v4, v16;
	v16 =	vperm.xlane v6, v3;
	v20 =	vperm.xlane v11, v3  }
0x1b9: {  	v22 =	vperm.xlane v5, v3;
	v15 =	vperm.xlane v10, v3;
	v56 =	vadd.f32 v14, v19  }
0x1ba: {  	[tilespmem:$0x1FDD0] =	vst v53;
	v55 =	vadd.f32 v9, v17;
	v9 =	vperm.xlane v8, v3;
	v53 =	vadd.f32 v7, v18  }
0x1bb: {  	[tilespmem:$0x1FDC0] =	vst v54;
	v21 =	vperm.xlane v4, v3;
	v57 =	vadd.f32 v6, v16;
	v54 =	vadd.f32 v11, v20  }
0x1bc: {  	v6 =	vperm.xlane v12, v3;
	v50 =	vadd.f32 v5, v22;
	v51 =	vadd.f32 v10, v15  }
0x1bd: {  	[tilespmem:$0x1FCB0] =	vst v49;
	v49 =	vadd.f32 v8, v9;
	v63 =	vmul.f32 $5.000000000e-01, v55;
	v61 =	vmul.f32 $5.000000000e-01, v56  }
0x1be: {  	[tilespmem:$0x1FD90] =	vst v52;
	v58 =	vmul.f32 $5.000000000e-01, v53;
	v52 =	vadd.f32 v4, v21;
	v48 =	vadd.f32 v12, v6  }
0x1bf: {  	[tilespmem:$0x1FE20] =	vst v62;
	v4 =	vshra.s32 v56, $0x1;
	v5 =	vshra.s32 v57, $0x1;
	v62 =	vmul.f32 $5.000000000e-01, v57  }
0x1c0: {  	v6 =	vshra.s32 v55, $0x1;
	v7 =	vshra.s32 v54, $0x1;
	v60 =	vmul.f32 $5.000000000e-01, v50  }
0x1c1: {  	v17 =	vsub.s32 $0x5F3759DF, v5;
	v15 =	vsub.s32 $0x5F3759DF, v7;
	v10 =	vsub.s32 $0x5F3759DF, v6  }
0x1c2: {  	v20 =	vsub.s32 $0x5F3759DF, v4;
	v6 =	vshra.s32 v53, $0x1;
	v59 =	vmul.f32 $5.000000000e-01, v51  }
0x1c3: {  	v8 =	vshra.s32 v52, $0x1;
	v4 =	vmul.f32 v17, v62;
	v5 =	vmul.f32 v10, v63  }
0x1c4: {  	v7 =	vmul.f32 v20, v61;
	v18 =	vsub.s32 $0x5F3759DF, v6;
	v6 =	vmul.f32 $5.000000000e-01, v54  }
0x1c5: {  	v12 =	vshra.s32 v48, $0x1;
	v8 =	vsub.s32 $0x5F3759DF, v8;
	v9 =	vmul.f32 v17, v4  }
0x1c6: {  	v11 =	vmul.f32 v10, v5;
	v4 =	vshra.s32 v51, $0x1;
	v5 =	vmul.f32 v18, v58  }
0x1c7: {  	v24 =	vmul.f32 v20, v7;
	v19 =	vsub.s32 $0x5F3759DF, v4;
	v4 =	vshra.s32 v50, $0x1  }
0x1c8: {  	v33 =	vmul.f32 v18, v5;
	v31 =	vsub.s32 $0x5F3759DF, v4;
	v4 =	vmul.f32 v15, v6  }
0x1c9: {  	v30 =	vsub.s32 $0x5F3759DF, v12;
	v5 =	vmul.f32 $5.000000000e-01, v52;
	v7 =	vmul.f32 v19, v59  }
0x1ca: {  	v12 =	vmul.f32 v31, v60;
	v21 =	vmul.f32 v15, v4;
	v4 =	vshra.s32 v49, $0x1  }
0x1cb: {  	v16 =	vmul.f32 v8, v5;
	v32 =	vsub.s32 $0x5F3759DF, v4;
	v4 =	vmul.f32 $5.000000000e-01, v48  }
0x1cc: {  	v9 =	vsub.f32 $1.500000000e+00, v9;
	v14 =	vmul.f32 v19, v7;
	v7 =	vmul.f32 $5.000000000e-01, v49  }
0x1cd: {  	[tilespmem:$0x1FE10] =	vst v23;
	v22 =	vsub.f32 $1.500000000e+00, v11;
	v12 =	vmul.f32 v31, v12;
	v25 =	vmul.f32 v30, v4  }
0x1ce: {  	s18 =	simm.s32 $0x0;
	s19 =	simm.s32 $0xA;
	[tilespmem:$0x1FE00] =	vst v13;
	v11 =	vsub.f32 $1.500000000e+00, v24;
	v16 =	vmul.f32 v8, v16;
	v24 =	vmul.f32 v32, v7  }
.LBB2_5:
0x1cf: {  	v25 =	vmul.f32 v30, v25;
	v33 =	vsub.f32 $1.500000000e+00, v33;
	v21 =	vsub.f32 $1.500000000e+00, v21  }
0x1d0: {  	v24 =	vmul.f32 v32, v24;
	v16 =	vsub.f32 $1.500000000e+00, v16;
	v11 =	vmul.f32 v20, v11  }
0x1d1: {  	v12 =	vsub.f32 $1.500000000e+00, v12;
	v9 =	vmul.f32 v17, v9;
	v10 =	vmul.f32 v10, v22  }
0x1d2: {  	v14 =	vsub.f32 $1.500000000e+00, v14;
	v15 =	vmul.f32 v15, v21;
	v8 =	vmul.f32 v8, v16  }
0x1d3: {  	v20 =	vsub.f32 $1.500000000e+00, v24;
	v16 =	vmul.f32 v18, v33;
	v12 =	vmul.f32 v31, v12  }
0x1d4: {  	v17 =	vsub.f32 $1.500000000e+00, v25;
	v14 =	vmul.f32 v19, v14;
	v19 =	vmul.f32 v11, v61  }
0x1d5: {  	v22 =	vmul.f32 v10, v63;
	v18 =	vmul.f32 v32, v20  }
0x1d6: {  	v17 =	vmul.f32 v30, v17;
	v20 =	vmul.f32 v9, v62  }
0x1d7: {  	v21 =	vmul.f32 v15, v6;
	v24 =	vmul.f32 v8, v5  }
0x1d8: {  	v25 =	vmul.f32 v16, v58;
	v30 =	vmul.f32 v12, v60  }
0x1d9: {  	v31 =	vmul.f32 v14, v59;
	v19 =	vmul.f32 v19, v11  }
0x1da: {  	v22 =	vmul.f32 v22, v10;
	v32 =	vmul.f32 v18, v7  }
0x1db: {  	v33 =	vmul.f32 v17, v4;
	v20 =	vmul.f32 v20, v9  }
0x1dc: {  	v21 =	vmul.f32 v21, v15;
	v24 =	vmul.f32 v24, v8  }
0x1dd: {  	v25 =	vmul.f32 v25, v16;
	v30 =	vmul.f32 v30, v12  }
0x1de: {  	v31 =	vmul.f32 v31, v14;
	v22 =	vsub.f32 $1.500000000e+00, v22;
	v19 =	vsub.f32 $1.500000000e+00, v19  }
0x1df: {  	v20 =	vsub.f32 $1.500000000e+00, v20;
	v33 =	vmul.f32 v33, v17;
	v32 =	vmul.f32 v32, v18  }
0x1e0: {  	v25 =	vsub.f32 $1.500000000e+00, v25;
	v21 =	vsub.f32 $1.500000000e+00, v21;
	v10 =	vmul.f32 v22, v10  }
0x1e1: {  	v24 =	vsub.f32 $1.500000000e+00, v24;
	v11 =	vmul.f32 v19, v11;
	v9 =	vmul.f32 v20, v9  }
0x1e2: {  	v20 =	vsub.f32 $1.500000000e+00, v30;
	v19 =	vsub.f32 $1.500000000e+00, v33;
	v16 =	vmul.f32 v25, v16  }
0x1e3: {  	v15 =	vmul.f32 v21, v15;
	v21 =	vsub.f32 $1.500000000e+00, v32;
	v8 =	vmul.f32 v24, v8  }
0x1e4: {  	v17 =	vmul.f32 v19, v17;
	v12 =	vmul.f32 v20, v12  }
0x1e5: {  	v18 =	vmul.f32 v21, v18;
	v19 =	vmul.f32 v9, v62  }
0x1e6: {  	vm0 =	vgt.f32 v57, $1.000000000e+00;
	v21 =	vmul.f32 v11, v61;
	v22 =	vmul.f32 v16, v58  }
0x1e7: {  	vm1 =	vgt.f32 v56, $1.000000000e+00;
	v6 =	vmul.f32 v15, v6;
	v5 =	vmul.f32 v8, v5  }
0x1e8: {  	vm2 =	vgt.f32 v54, $1.000000000e+00;
	v4 =	vmul.f32 v17, v4;
	v25 =	vmul.f32 v12, v60  }
0x1e9: {  	s20 =	scvt.s32.f32 s18;
	s21 =	sadd.s32 $0x9, s18;
	vm6 =	vgt.f32 v52, $1.000000000e+00;
	v7 =	vmul.f32 v18, v7;
	v19 =	vmul.f32 v19, v9  }
0x1ea: {  	s22 =	sadd.s32 $0x8, s18;
	vm7 =	vgt.f32 v50, $1.000000000e+00;
	s21 =	scvt.s32.f32 s21;
	v21 =	vmul.f32 v21, v11;
	v22 =	vmul.f32 v22, v16  }
0x1eb: {  	s24 =	sadd.s32 $0x6, s18;
	s22 =	scvt.s32.f32 s22;
	s20 =	sadd.f32 $1.000000000e+02, s20;
	v6 =	vmul.f32 v6, v15;
	v5 =	vmul.f32 v5, v8;
	v19 =	vsub.f32 $1.500000000e+00, v19  }
0x1ec: {  	s31 =	sadd.s32 $0x1, s18;
	s24 =	scvt.s32.f32 s24;
	s21 =	sadd.f32 $1.000000000e+02, s21;
	v25 =	vmul.f32 v25, v12;
	v21 =	vsub.f32 $1.500000000e+00, v21;
	v4 =	vmul.f32 v4, v17  }
0x1ed: {  	s30 =	scvt.s32.f32 s31;
	s22 =	sadd.f32 $1.000000000e+02, s22;
	v22 =	vsub.f32 $1.500000000e+00, v22;
	v6 =	vsub.f32 $1.500000000e+00, v6;
	v7 =	vmul.f32 v7, v18  }
0x1ee: {  	s24 =	sadd.f32 $1.000000000e+02, s24;
	s21 =	smul.f32 $4.522613250e-03, s21;
	v5 =	vsub.f32 $1.500000000e+00, v5;
	v25 =	vsub.f32 $1.500000000e+00, v25;
	v11 =	vmul.f32 v21, v11  }
0x1ef: {  	s30 =	sadd.f32 $1.000000000e+02, s30;
	s22 =	smul.f32 $4.522613250e-03, s22;
	v9 =	vmul.f32 v19, v9;
	v4 =	vsub.f32 $1.500000000e+00, v4;
	v6 =	vmul.f32 v6, v15  }
0x1f0: {  	vm8 =	vgt.f32 v48, $1.000000000e+00;
	s24 =	smul.f32 $4.522613250e-03, s24;
	s21 =	sadd.f32 $1.000000010e-01, s21;
	v5 =	vmul.f32 v5, v8;
	v8 =	vmul.f32 v22, v16  }
0x1f1: {  	s30 =	smul.f32 $4.522613250e-03, s30;
	s22 =	sadd.f32 $1.000000010e-01, s22;
	v7 =	vsub.f32 $1.500000000e+00, v7;
	v12 =	vmul.f32 v25, v12;
	v15 =	vmul.f32 v4, v17  }
0x1f2: {  	s24 =	sadd.f32 $1.000000010e-01, s24;
	v4 =	vnsel vm1, $0x3F800000, v11;
	v9 =	vnsel vm0, $0x3F800000, v9;
	v11 =	vnsel vm6, $0x3F800000, v5  }
0x1f3: {  	s31 =	sadd.f32 $1.000000010e-01, s30;
	v6 =	vnsel vm2, $0x3F800000, v6;
	v5 =	vmul.f32 s22, v4;
	v4 =	vmul.f32 s21, v9  }
0x1f4: {  	s20 =	smul.f32 $4.522613250e-03, s20;
	v9 =	vnsel vm7, $0x3F800000, v12;
	v12 =	vmul.f32 s24, v6;
	v6 =	vnsel vm8, $0x3F800000, v15  }
0x1f5: {  	v7 =	vmul.f32 v7, v18;
	v16 =	vmul.f32 s31, v6  }
0x1f6: {  	vm9 =	vgt.f32 v49, $1.000000000e+00;
	s20 =	sadd.f32 $1.000000010e-01, s20;
	v31 =	vsub.f32 $1.500000000e+00, v31  }
0x1f7: {  	v7 =	vnsel vm9, $0x3F800000, v7;
	v62 =	vmul.f32 v16, v27;
	v27 =	vld [tilespmem:$0x1FDB0]  }
0x1f8: {  	v14 =	vmul.f32 v31, v14;
	v15 =	vmul.f32 s20, v7;
	_ =	sdelay $0x1  }
0x1f9: {  	s28 =	sadd.s32 $0x3, s18;
	v24 =	vmul.f32 v14, v59;
	v35 =	vmul.f32 v15, v35  }
0x1fa: {  	s29 =	sadd.s32 $0x2, s18;
	s28 =	scvt.s32.f32 s28  }
0x1fb: {  	s29 =	scvt.s32.f32 s29;
	v24 =	vmul.f32 v24, v14;
	v35 =	vadd.f32 v35, v27;
	v27 =	vld [tilespmem:$0x1FDE0]  }
0x1fc: {  	s28 =	sadd.f32 $1.000000000e+02, s28  }
0x1fd: {  	s29 =	sadd.f32 $1.000000000e+02, s29;
	v24 =	vsub.f32 $1.500000000e+00, v24;
	v57 =	vmul.f32 v15, v41  }
0x1fe: {  	v13 =	vld [tilespmem:$0x1FD40];
	s28 =	smul.f32 $4.522613250e-03, s28;
	v58 =	vmul.f32 v15, v42;
	v15 =	vmul.f32 v15, v47  }
0x1ff: {  	s29 =	smul.f32 $4.522613250e-03, s29;
	v60 =	vld [tilespmem:$0x1FD50];
	v14 =	vmul.f32 v24, v14  }
0x200: {  	vm5 =	vgt.f32 v51, $1.000000000e+00;
	s28 =	sadd.f32 $1.000000010e-01, s28;
	v15 =	vadd.f32 v15, v27;
	v27 =	vld [tilespmem:$0x1FE20]  }
0x201: {  	s29 =	sadd.f32 $1.000000010e-01, s29;
	v30 =	vld [tilespmem:$0x1FDF0];
	v14 =	vnsel vm5, $0x3F800000, v14  }
0x202: {  	v61 =	vld [tilespmem:$0x1FD80];
	v14 =	vmul.f32 s28, v14  }
0x203: {  	v9 =	vmul.f32 s29, v9;
	v6 =	vmul.f32 v4, v26;
	v26 =	vld [tilespmem:$0x1FDC0]  }
0x204: {  	s26 =	sadd.s32 $0x4, s18;
	v28 =	vmul.f32 v14, v28;
	v21 =	vmul.f32 v12, v13;
	v13 =	vld [tilespmem:$0x1FD70]  }
0x205: {  	s25 =	sadd.s32 $0x5, s18;
	s26 =	scvt.s32.f32 s26;
	v31 =	vmul.f32 v16, v37;
	v33 =	vadd.f32 v57, v60;
	v49 =	vmul.f32 v9, v27;
	v27 =	vld [tilespmem:$0x1FE10]  }
0x206: {  	s25 =	scvt.s32.f32 s25;
	v56 =	vmul.f32 v16, v34;
	v16 =	vmul.f32 v16, v45  }
0x207: {  	s26 =	sadd.f32 $1.000000000e+02, s26;
	v29 =	vmul.f32 v9, v29;
	v30 =	vmul.f32 v9, v30;
	v31 =	vadd.f32 v31, v33  }
0x208: {  	v23 =	vld [tilespmem:$0x1FD90];
	s25 =	sadd.f32 $1.000000000e+02, s25;
	v34 =	vadd.f32 v58, v61;
	v15 =	vadd.f32 v16, v15;
	v9 =	vmul.f32 v9, v43  }
0x209: {  	s26 =	smul.f32 $4.522613250e-03, s26;
	v25 =	vld [tilespmem:$0x1FDD0];
	v26 =	vmul.f32 v14, v26;
	v22 =	vmul.f32 v12, v13;
	v29 =	vadd.f32 v29, v31  }
0x20a: {  	s25 =	smul.f32 $4.522613250e-03, s25;
	v13 =	vld [tilespmem:$0x1FD60];
	v9 =	vadd.f32 v9, v15;
	v31 =	vmul.f32 v14, v27;
	v14 =	vmul.f32 v14, v39  }
0x20b: {  	s26 =	sadd.f32 $1.000000010e-01, s26;
	v27 =	vld [tilespmem:$0x1FE00]  }
0x20c: {  	vm4 =	vgt.f32 v53, $1.000000000e+00;
	s25 =	sadd.f32 $1.000000010e-01, s25;
	v32 =	vadd.f32 v56, v34;
	v9 =	vadd.f32 v14, v9;
	v14 =	vld [tilespmem:$0x1FD20]  }
0x20d: {  	v8 =	vnsel vm4, $0x3F800000, v8;
	v11 =	vmul.f32 s26, v11  }
0x20e: {  	v8 =	vmul.f32 s25, v8;
	v30 =	vadd.f32 v30, v32  }
0x20f: {  	v23 =	vmul.f32 v11, v23;
	v25 =	vmul.f32 v11, v25  }
0x210: {  	v24 =	vmul.f32 v8, v13;
	v15 =	vadd.f32 v26, v29;
	v26 =	vadd.f32 v28, v30  }
0x211: {  	v13 =	vld [tilespmem:$0x1FDA0];
	v27 =	vmul.f32 v11, v27;
	v11 =	vmul.f32 v11, v14  }
0x212: {  	v15 =	vadd.f32 v23, v15;
	v23 =	vadd.f32 v25, v26;
	v25 =	vld [tilespmem:$0x1FD30]  }
0x213: {  	s17 =	sadd.s32 $0x280, s17;
	v9 =	vadd.f32 v11, v9;
	v11 =	vld [tilespmem:$0x1FD00]  }
0x214: {  	v48 =	vld [tilespmem:s17+$0xFFFFFFF0]  }
0x215: {  	v50 =	vld [tilespmem:s17+$0xFFFFFF80]  }
0x216: {  	v51 =	vld [tilespmem:s17+$0xFFFFFFD0]  }
0x217: {  	v53 =	vld [tilespmem:s17+$0xFFFFFEE0];
	v20 =	vmul.f32 v10, v63;
	v13 =	vmul.f32 v8, v13  }
0x218: {  	v54 =	vld [tilespmem:s17+$0xFFFFFE90];
	v25 =	vmul.f32 v8, v25;
	v8 =	vmul.f32 v8, v11  }
0x219: {  	vm3 =	vgt.f32 v55, $1.000000000e+00;
	v55 =	vld [tilespmem:s17+$0xFFFFFEA0]  }
0x21a: {  	s23 =	sadd.s32 $0x7, s18;
	v20 =	vmul.f32 v20, v10;
	v8 =	vadd.f32 v8, v9;
	v9 =	vld [tilespmem:$0x1FCE0]  }
0x21b: {  	s23 =	scvt.s32.f32 s23;
	v59 =	vld [tilespmem:s17+$0x0]  }
0x21c: {  	v63 =	vld [tilespmem:s17+$0xFFFFFFC0];
	v20 =	vsub.f32 $1.500000000e+00, v20  }
0x21d: {  	s23 =	sadd.f32 $1.000000000e+02, s23;
	v11 =	vadd.f32 v24, v15;
	v15 =	vld [tilespmem:$0x1FD10]  }
0x21e: {  	v10 =	vmul.f32 v20, v10;
	v7 =	vmul.f32 v4, v36;
	v36 =	vld [tilespmem:s17+$0xFFFFFFE0]  }
0x21f: {  	s23 =	smul.f32 $4.522613250e-03, s23;
	v17 =	vmul.f32 v5, v38;
	v38 =	vld [tilespmem:s17+$0xFFFFFF90];
	v9 =	vmul.f32 v12, v9  }
0x220: {  	v37 =	vld [tilespmem:s17+$0xFFFFFDD0];
	v35 =	vadd.f32 v62, v35;
	v13 =	vadd.f32 v13, v23  }
0x221: {  	s23 =	sadd.f32 $1.000000010e-01, s23;
	v10 =	vnsel vm3, $0x3F800000, v10;
	v8 =	vadd.f32 v9, v8;
	v9 =	vld [tilespmem:$0x1FCB0]  }
0x222: {  	v52 =	vadd.f32 v49, v35;
	v15 =	vmul.f32 v12, v15;
	v12 =	vadd.f32 v22, v13;
	v13 =	vld [tilespmem:$0x1FCF0]  }
0x223: {  	v10 =	vmul.f32 s23, v10;
	v56 =	vld [tilespmem:s17+$0xFFFFFE50]  }
0x224: {  	v28 =	vld [tilespmem:s17+$0xFFFFFF40];
	v29 =	vadd.f32 v31, v52  }
0x225: {  	v19 =	vmul.f32 v10, v44;
	v20 =	vmul.f32 v10, v46;
	v30 =	vld [tilespmem:s17+$0xFFFFFF20];
	v11 =	vadd.f32 v21, v11  }
0x226: {  	v31 =	vld [tilespmem:s17+$0xFFFFFED0];
	v26 =	vadd.f32 v27, v29;
	v9 =	vmul.f32 v10, v9  }
0x227: {  	v13 =	vmul.f32 v10, v13;
	v10 =	vadd.f32 v19, v11;
	v11 =	vadd.f32 v20, v12;
	v12 =	vld [tilespmem:$0x1FCD0]  }
0x228: {  	v23 =	vadd.f32 v25, v26;
	v8 =	vadd.f32 v9, v8;
	v9 =	vld [tilespmem:$0x1FCA0]  }
0x229: {  	v25 =	vld [tilespmem:s17+$0xFFFFFEC0]  }
0x22a: {  	v24 =	vld [tilespmem:s17+$0xFFFFFF30];
	v26 =	vadd.f32 v15, v23  }
0x22b: {  	v44 =	vld [tilespmem:s17+$0xFFFFFF50]  }
0x22c: {  	v18 =	vmul.f32 v5, v40;
	v58 =	vmul.f32 v55, v55;
	v16 =	vld [tilespmem:s17+$0xFFFFFFB0];
	[tilespmem:$0x1FD70] =	vst v30;
	v29 =	vadd.f32 v13, v26  }
0x22d: {  	[tilespmem:$0x1FD60] =	vst v31;
	v26 =	vld [tilespmem:s17+$0xFFFFFF10];
	v12 =	vmul.f32 v5, v12;
	v5 =	vmul.f32 v5, v9;
	v9 =	vadd.f32 v17, v10  }
0x22e: {  	v61 =	vmul.f32 v37, v37;
	v57 =	vmul.f32 v56, v56;
	[tilespmem:$0x1FD20] =	vst v25;
	v10 =	vadd.f32 v18, v11;
	v11 =	vld [tilespmem:$0x1FCC0]  }
0x22f: {  	v14 =	vld [tilespmem:s17+$0xFFFFFF70];
	v21 =	vmovc v50;
	[tilespmem:$0x1FD10] =	vst v24;
	v22 =	vmov v28;
	v17 =	vmul.f32 v24, v24;
	v6 =	vadd.f32 v6, v9  }
0x230: {  	[tilespmem:$0x1FCE0] =	vst v22;
	v18 =	vmul.f32 v44, v44;
	v24 =	vmul.f32 v31, v31;
	v5 =	vadd.f32 v5, v8;
	v8 =	vld [tilespmem:$0x1FC90]  }
0x231: {  	v40 =	vld [tilespmem:s17+$0xFFFFFFA0];
	v31 =	vmul.f32 v53, v53;
	v9 =	vmul.f32 v51, v51;
	[tilespmem:$0x1FD50] =	vst v6;
	v6 =	vadd.f32 v7, v10  }
0x232: {  	v46 =	vld [tilespmem:s17+$0xFFFFFF60];
	[tilespmem:$0x1FCB0] =	vst v21;
	v19 =	vmov v63;
	v10 =	vmul.f32 v28, v22;
	v22 =	vmul.f32 v26, v26  }
0x233: {  	v12 =	vadd.f32 v12, v29;
	v29 =	vld [tilespmem:s17+$0xFFFFFE10];
	v11 =	vmul.f32 v4, v11;
	[tilespmem:$0x1FD80] =	vst v6;
	v6 =	vmul.f32 v63, v19  }
0x234: {  	v27 =	vld [tilespmem:s17+$0xFFFFFF00];
	v20 =	vmov v16;
	[tilespmem:$0x1FCA0] =	vst v19;
	v19 =	vmul.f32 v25, v25;
	v25 =	vmul.f32 v30, v30  }
0x235: {  	v34 =	vld [tilespmem:s17+$0xFFFFFDE0];
	[tilespmem:$0x1FCD0] =	vst v20;
	v13 =	vmov v14;
	v30 =	vmul.f32 v54, v54;
	v4 =	vmul.f32 v4, v8  }
0x236: {  	v28 =	vld [tilespmem:s17+$0xFFFFFE60];
	v8 =	vmovc v59;
	v7 =	vadd.f32 v11, v12;
	v11 =	vmul.f32 v36, v36;
	v12 =	vmul.f32 v14, v13  }
0x237: {  	v23 =	vld [tilespmem:s17+$0xFFFFFEF0];
	v15 =	vmov v48;
	v14 =	vmul.f32 v38, v38;
	[tilespmem:$0x1FC90] =	vst v8;
	v8 =	vmul.f32 v59, v8  }
0x238: {  	v41 =	vld [tilespmem:s17+$0xFFFFFD90];
	[tilespmem:$0x1FCC0] =	vst v15;
	v59 =	vmul.f32 v29, v29;
	v4 =	vadd.f32 v4, v5;
	v5 =	vmul.f32 v48, v15  }
0x239: {  	v42 =	vld [tilespmem:s17+$0xFFFFFDA0];
	v22 =	vadd.f32 v25, v22;
	[tilespmem:$0x1FDB0] =	vst v7;
	v7 =	vmul.f32 v16, v20;
	v15 =	vmul.f32 v27, v27  }
0x23a: {  	[tilespmem:$0x1FD40] =	vst v26;
	v26 =	vld [tilespmem:s17+$0xFFFFFE30];
	v30 =	vadd.f32 v58, v30;
	v16 =	vmul.f32 v40, v40;
	v20 =	vmul.f32 v46, v46  }
0x23b: {  	[tilespmem:$0x1FCF0] =	vst v13;
	v13 =	vld [tilespmem:s17+$0xFFFFFEB0];
	v60 =	vmul.f32 v28, v28;
	v9 =	vadd.f32 v11, v9;
	v11 =	vmul.f32 v34, v34  }
0x23c: {  	v35 =	vld [tilespmem:s17+$0xFFFFFDB0];
	v17 =	vadd.f32 v17, v22;
	[tilespmem:$0x1FDE0] =	vst v4;
	v4 =	vmul.f32 v50, v21;
	v21 =	vmul.f32 v23, v23  }
0x23d: {  	[tilespmem:$0x1FD00] =	vst v27;
	v27 =	vld [tilespmem:s17+$0xFFFFFE20];
	v18 =	vadd.f32 v20, v18;
	v14 =	vadd.f32 v16, v14;
	v16 =	vmul.f32 v41, v41  }
0x23e: {  	v43 =	vld [tilespmem:s17+$0xFFFFFE40];
	v20 =	vadd.f32 v31, v24;
	v24 =	vmul.f32 v42, v42;
	v25 =	vadd.f32 v60, v57  }
0x23f: {  	v47 =	vld [tilespmem:s17+$0xFFFFFDC0];
	v11 =	vadd.f32 v11, v61;
	v5 =	vadd.f32 v5, v9;
	v9 =	vmul.f32 v26, v26  }
0x240: {  	v63 =	vmul.f32 v13, v13;
	v10 =	vadd.f32 v10, v17;
	v16 =	vadd.f32 v24, v16  }
0x241: {  	[tilespmem:$0x1FD30] =	vst v23;
	v23 =	vld [tilespmem:s17+$0xFFFFFE70];
	v12 =	vadd.f32 v12, v18;
	v18 =	vadd.f32 v21, v20;
	v20 =	vmul.f32 v35, v35  }
0x242: {  	v7 =	vadd.f32 v7, v14;
	v5 =	vadd.f32 v8, v5;
	v62 =	vmul.f32 v27, v27  }
0x243: {  	[tilespmem:$0x1FDF0] =	vst v27;
	v27 =	vld [tilespmem:s17+$0xFFFFFDF0];
	v22 =	vadd.f32 v63, v30;
	v16 =	vadd.f32 v20, v16;
	v20 =	vmul.f32 v43, v43  }
0x244: {  	v4 =	vadd.f32 v4, v12;
	v6 =	vadd.f32 v6, v7;
	v7 =	vmul.f32 v47, v47  }
0x245: {  	v39 =	vld [tilespmem:s17+$0xFFFFFE80];
	v12 =	vadd.f32 v15, v18;
	v17 =	vperm.xlane v5, v0;
	v31 =	vadd.f32 v62, v59  }
0x246: {  	v45 =	vld [tilespmem:s17+$0xFFFFFE00];
	v24 =	vmul.f32 v23, v23;
	v15 =	vadd.f32 v19, v22;
	v18 =	vperm.xlane v4, v0  }
0x247: {  	v19 =	vperm.xlane v6, v0;
	v7 =	vadd.f32 v7, v16;
	v9 =	vadd.f32 v9, v31  }
0x248: {  	v5 =	vadd.f32 v5, v17;
	v21 =	vadd.f32 v24, v25;
	v14 =	vmul.f32 v27, v27  }
0x249: {  	v4 =	vadd.f32 v4, v18;
	v18 =	vperm.xlane v7, v0;
	v9 =	vadd.f32 v20, v9  }
0x24a: {  	v20 =	vperm.xlane v10, v0;
	v11 =	vadd.f32 v14, v11;
	v14 =	vmul.f32 v39, v39  }
0x24b: {  	v8 =	vmul.f32 v45, v45;
	v6 =	vadd.f32 v6, v19;
	v7 =	vadd.f32 v7, v18  }
0x24c: {  	v22 =	vperm.xlane v9, v0;
	v10 =	vadd.f32 v10, v20;
	v14 =	vadd.f32 v14, v21  }
0x24d: {  	v8 =	vadd.f32 v8, v11;
	v11 =	vperm.xlane v12, v0;
	v21 =	vperm.xlane v15, v0  }
0x24e: {  	v9 =	vadd.f32 v9, v22;
	v19 =	vperm.xlane v10, v1;
	v16 =	vperm.xlane v14, v0  }
0x24f: {  	v17 =	vperm.xlane v8, v0;
	v15 =	vadd.f32 v15, v21;
	v11 =	vadd.f32 v12, v11  }
0x250: {  	v12 =	vadd.f32 v14, v16;
	v14 =	vperm.xlane v5, v1;
	v16 =	vperm.xlane v4, v1  }
0x251: {  	v8 =	vadd.f32 v8, v17;
	v17 =	vperm.xlane v6, v1;
	v18 =	vperm.xlane v11, v1  }
0x252: {  	v10 =	vadd.f32 v10, v19;
	v21 =	vperm.xlane v15, v1;
	v20 =	vperm.xlane v12, v1  }
0x253: {  	v5 =	vadd.f32 v5, v14;
	v14 =	vperm.xlane v9, v1;
	v4 =	vadd.f32 v4, v16  }
0x254: {  	v6 =	vadd.f32 v6, v17;
	v16 =	vperm.xlane v8, v1;
	v11 =	vadd.f32 v11, v18  }
0x255: {  	v17 =	vperm.xlane v7, v1;
	v15 =	vadd.f32 v15, v21;
	v12 =	vadd.f32 v12, v20  }
0x256: {  	v9 =	vadd.f32 v9, v14;
	v14 =	vperm.xlane v6, v2;
	v18 =	vperm.xlane v5, v2  }
0x257: {  	v8 =	vadd.f32 v8, v16;
	v16 =	vperm.xlane v10, v2;
	v19 =	vperm.xlane v4, v2  }
0x258: {  	v7 =	vadd.f32 v7, v17;
	v17 =	vperm.xlane v15, v2;
	v20 =	vperm.xlane v11, v2  }
0x259: {  	v21 =	vperm.xlane v9, v2;
	v22 =	vperm.xlane v12, v2;
	v5 =	vadd.f32 v5, v18  }
0x25a: {  	v18 =	vperm.xlane v8, v2;
	v4 =	vadd.f32 v4, v19;
	v6 =	vadd.f32 v6, v14  }
0x25b: {  	v14 =	vperm.xlane v7, v2;
	v11 =	vadd.f32 v11, v20;
	v10 =	vadd.f32 v10, v16  }
0x25c: {  	v15 =	vadd.f32 v15, v17;
	v12 =	vadd.f32 v12, v22;
	v16 =	vperm.xlane v5, v3  }
0x25d: {  	v9 =	vadd.f32 v9, v21;
	v17 =	vperm.xlane v4, v3;
	v19 =	vperm.xlane v6, v3  }
0x25e: {  	v8 =	vadd.f32 v8, v18;
	v18 =	vperm.xlane v11, v3;
	v20 =	vperm.xlane v10, v3  }
0x25f: {  	[tilespmem:$0x1FD90] =	vst v54;
	v7 =	vadd.f32 v7, v14;
	v21 =	vperm.xlane v15, v3;
	v14 =	vperm.xlane v12, v3  }
0x260: {  	[tilespmem:$0x1FDC0] =	vst v56;
	v22 =	vperm.xlane v9, v3;
	v56 =	vadd.f32 v6, v19;
	v57 =	vadd.f32 v5, v16  }
0x261: {  	[tilespmem:$0x1FDD0] =	vst v55;
	v5 =	vperm.xlane v8, v3;
	v54 =	vadd.f32 v10, v20;
	v55 =	vadd.f32 v4, v17  }
0x262: {  	[tilespmem:$0x1FDA0] =	vst v53;
	v4 =	vperm.xlane v7, v3;
	v52 =	vadd.f32 v15, v21;
	v53 =	vadd.f32 v11, v18  }
0x263: {  	[tilespmem:$0x1FC80] =	vst v51;
	v50 =	vadd.f32 v9, v22;
	v51 =	vadd.f32 v12, v14  }
0x264: {  	v49 =	vadd.f32 v7, v4;
	v48 =	vadd.f32 v8, v5  }
0x265: {  	v8 =	vshra.s32 v56, $0x1;
	v9 =	vshra.s32 v57, $0x1;
	v62 =	vmul.f32 $5.000000000e-01, v57  }
0x266: {  	v10 =	vshra.s32 v55, $0x1;
	v63 =	vmul.f32 $5.000000000e-01, v55;
	v61 =	vmul.f32 $5.000000000e-01, v56  }
0x267: {  	v11 =	vshra.s32 v53, $0x1;
	v12 =	vshra.s32 v54, $0x1;
	v6 =	vmul.f32 $5.000000000e-01, v54  }
0x268: {  	v14 =	vshra.s32 v52, $0x1;
	v5 =	vmul.f32 $5.000000000e-01, v52;
	v58 =	vmul.f32 $5.000000000e-01, v53  }
0x269: {  	v17 =	vsub.s32 $0x5F3759DF, v9;
	v15 =	vsub.s32 $0x5F3759DF, v12;
	v10 =	vsub.s32 $0x5F3759DF, v10  }
0x26a: {  	v20 =	vsub.s32 $0x5F3759DF, v8;
	v8 =	vsub.s32 $0x5F3759DF, v14;
	v18 =	vsub.s32 $0x5F3759DF, v11  }
0x26b: {  	v16 =	vshra.s32 v50, $0x1;
	v59 =	vmul.f32 $5.000000000e-01, v51;
	v4 =	vmul.f32 $5.000000000e-01, v48  }
0x26c: {  	v19 =	vshra.s32 v51, $0x1;
	v60 =	vmul.f32 $5.000000000e-01, v50;
	v7 =	vmul.f32 $5.000000000e-01, v49  }
0x26d: {  	v21 =	vshra.s32 v48, $0x1;
	v9 =	vmul.f32 v17, v62;
	v11 =	vmul.f32 v10, v63  }
0x26e: {  	v22 =	vshra.s32 v49, $0x1;
	v12 =	vmul.f32 v20, v61;
	v14 =	vmul.f32 v18, v58  }
0x26f: {  	[tilespmem:$0x1FE10] =	vst v23;
	v23 =	vmul.f32 v8, v5;
	v19 =	vsub.s32 $0x5F3759DF, v19;
	v31 =	vsub.s32 $0x5F3759DF, v16  }
0x270: {  	[tilespmem:$0x1FE00] =	vst v13;
	v16 =	vmul.f32 v15, v6;
	v30 =	vsub.s32 $0x5F3759DF, v21;
	v13 =	vmul.f32 v19, v59  }
0x271: {  	p0 =	sne.s32 s19, $0x5A;
	v32 =	vsub.s32 $0x5F3759DF, v22;
	v25 =	vmul.f32 v30, v4;
	v22 =	vmul.f32 v31, v60  }
.Ltmp1:
0x272: {  	v24 =	vmul.f32 v32, v7;
	v9 =	vmul.f32 v17, v9;
	(pc) =	sbr.rel @p0 .LBB2_5-.Ltmp1, $4  }
0x273: {  	[tilespmem:$0x1FE20] =	vst v26;
	v11 =	vmul.f32 v10, v11;
	v26 =	vmul.f32 v20, v12  }
0x274: {  	v33 =	vmul.f32 v18, v14;
	v21 =	vmul.f32 v15, v16  }
0x275: {  	v16 =	vmul.f32 v8, v23;
	v14 =	vmul.f32 v19, v13;
	v9 =	vsub.f32 $1.500000000e+00, v9  }
0x276: {  	s18 =	smov.u32 s19;
	s19 =	sadd.s32 $0xA, s19;
	v12 =	vmul.f32 v31, v22;
	v22 =	vsub.f32 $1.500000000e+00, v11;
	v11 =	vsub.f32 $1.500000000e+00, v26;
	v26 =	vld [tilespmem:$0x1FC80]  }
0x277: {  	v13 =	vsub.f32 $1.500000000e+00, v21;
	v9 =	vmul.f32 v17, v9  }
0x278: {  	v23 =	vsub.f32 $1.500000000e+00, v33;
	v16 =	vsub.f32 $1.500000000e+00, v16;
	v33 =	vmul.f32 v32, v24  }
0x279: {  	v14 =	vsub.f32 $1.500000000e+00, v14;
	v11 =	vmul.f32 v20, v11;
	v10 =	vmul.f32 v10, v22  }
0x27a: {  	v12 =	vsub.f32 $1.500000000e+00, v12;
	v13 =	vmul.f32 v15, v13;
	v8 =	vmul.f32 v8, v16  }
0x27b: {  	v15 =	vmul.f32 v18, v23;
	v14 =	vmul.f32 v19, v14  }
0x27c: {  	v17 =	vmul.f32 v9, v62;
	v12 =	vmul.f32 v31, v12  }
0x27d: {  	v18 =	vsub.f32 $1.500000000e+00, v33;
	v31 =	vmul.f32 v30, v25;
	v24 =	vmul.f32 v10, v63  }
0x27e: {  	vm0 =	vgt.f32 v57, $1.000000000e+00;
	v20 =	vmul.f32 v11, v61;
	v17 =	vmul.f32 v17, v9  }
0x27f: {  	vm1 =	vgt.f32 v56, $1.000000000e+00;
	v25 =	vmul.f32 v15, v58;
	v18 =	vmul.f32 v32, v18  }
0x280: {  	vm2 =	vgt.f32 v55, $1.000000000e+00;
	v33 =	vmul.f32 v13, v6;
	v19 =	vmul.f32 v24, v10  }
0x281: {  	v16 =	vsub.f32 $1.500000000e+00, v31;
	v20 =	vmul.f32 v20, v11;
	v24 =	vmul.f32 v8, v5  }
0x282: {  	v17 =	vsub.f32 $1.500000000e+00, v17;
	v21 =	vmul.f32 v25, v15;
	v25 =	vmul.f32 v33, v13  }
0x283: {  	v23 =	vmul.f32 v18, v7;
	v19 =	vsub.f32 $1.500000000e+00, v19;
	v16 =	vmul.f32 v30, v16  }
0x284: {  	v31 =	vsub.f32 $1.500000000e+00, v20;
	v30 =	vmul.f32 v14, v59;
	v9 =	vmul.f32 v17, v9  }
0x285: {  	vm3 =	vgt.f32 v54, $1.000000000e+00;
	v17 =	vmul.f32 v24, v8;
	v23 =	vmul.f32 v23, v18  }
0x286: {  	v32 =	vsub.f32 $1.500000000e+00, v21;
	v10 =	vmul.f32 v19, v10;
	v11 =	vmul.f32 v31, v11  }
0x287: {  	vm4 =	vgt.f32 v53, $1.000000000e+00;
	v31 =	vmul.f32 v12, v60;
	v20 =	vmul.f32 v30, v14  }
0x288: {  	v19 =	vsub.f32 $1.500000000e+00, v25;
	v15 =	vmul.f32 v32, v15;
	v32 =	vmul.f32 v16, v4  }
0x289: {  	v17 =	vsub.f32 $1.500000000e+00, v17;
	v30 =	vmul.f32 v9, v62;
	v21 =	vmul.f32 v31, v12  }
0x28a: {  	v25 =	vsub.f32 $1.500000000e+00, v23;
	v13 =	vmul.f32 v19, v13;
	v31 =	vmul.f32 v10, v63  }
0x28b: {  	vm5 =	vgt.f32 v52, $1.000000000e+00;
	v22 =	vmul.f32 v32, v16;
	v8 =	vmul.f32 v17, v8  }
0x28c: {  	v20 =	vsub.f32 $1.500000000e+00, v20;
	v17 =	vmul.f32 v25, v18;
	v32 =	vmul.f32 v11, v61  }
0x28d: {  	vm6 =	vgt.f32 v49, $1.000000000e+00;
	v18 =	vmul.f32 v30, v9;
	v25 =	vmul.f32 v15, v58  }
0x28e: {  	v33 =	vsub.f32 $1.500000000e+00, v21;
	v14 =	vmul.f32 v20, v14;
	v19 =	vmul.f32 v31, v10  }
0x28f: {  	vm14 =	vgt.f32 v51, $1.000000000e+00;
	v5 =	vmul.f32 v8, v5;
	v61 =	vmul.f32 v17, v7  }
0x290: {  	v24 =	vsub.f32 $1.500000000e+00, v22;
	v20 =	vmul.f32 v32, v11;
	v12 =	vmul.f32 v33, v12  }
0x291: {  	v18 =	vsub.f32 $1.500000000e+00, v18;
	v33 =	vmul.f32 v13, v6;
	v31 =	vmul.f32 v14, v59  }
0x292: {  	v63 =	vsub.f32 $1.500000000e+00, v19;
	v16 =	vmul.f32 v24, v16;
	v5 =	vmul.f32 v5, v8  }
0x293: {  	v20 =	vsub.f32 $1.500000000e+00, v20;
	v7 =	vmul.f32 v61, v17;
	v6 =	vmul.f32 v33, v13  }
0x294: {  	s17 =	scvt.s32.f32 s18;
	v30 =	vmul.f32 v12, v60;
	v22 =	vsub.f32 $1.500000000e+00, v5;
	v5 =	vmul.f32 v18, v9  }
0x295: {  	v23 =	vsub.f32 $1.500000000e+00, v7;
	v7 =	vmul.f32 v63, v10;
	v4 =	vmul.f32 v16, v4  }
0x296: {  	s19 =	sadd.s32 $0x1, s18;
	s17 =	sadd.f32 $1.000000000e+02, s17;
	v62 =	vsub.f32 $1.500000000e+00, v6;
	v6 =	vmul.f32 v20, v11;
	v11 =	vmul.f32 v25, v15  }
0x297: {  	vm7 =	vgt.f32 v48, $1.000000000e+00;
	s19 =	scvt.s32.f32 s19;
	v8 =	vmul.f32 v22, v8;
	v24 =	vmul.f32 v23, v17  }
0x298: {  	s20 =	sadd.s32 $0x2, s18;
	vm15 =	vgt.f32 v50, $1.000000000e+00;
	s17 =	smul.f32 $4.522613250e-03, s17;
	v4 =	vmul.f32 v4, v16;
	v17 =	vmul.f32 v31, v14  }
0x299: {  	s20 =	scvt.s32.f32 s20;
	s19 =	sadd.f32 $1.000000000e+02, s19;
	v7 =	vnsel vm2, $0x3F800000, v7;
	v5 =	vnsel vm0, $0x3F800000, v5;
	v9 =	vmul.f32 v62, v13  }
0x29a: {  	s17 =	sadd.f32 $1.000000010e-01, s17;
	v13 =	vmul.f32 v30, v12;
	v11 =	vsub.f32 $1.500000000e+00, v11;
	v6 =	vnsel vm1, $0x3F800000, v6  }
0x29b: {  	s21 =	sadd.s32 $0x3, s18;
	v51 =	vld [tilespmem:$0x1FD50];
	s20 =	sadd.f32 $1.000000000e+02, s20;
	s19 =	smul.f32 $4.522613250e-03, s19;
	v4 =	vsub.f32 $1.500000000e+00, v4;
	v10 =	vnsel vm6, $0x3F800000, v24;
	v32 =	vsub.f32 $1.500000000e+00, v17  }
0x29c: {  	v52 =	vld [tilespmem:$0x1FD80];
	s23 =	scvt.s32.f32 s21;
	v13 =	vsub.f32 $1.500000000e+00, v13;
	v11 =	vmul.f32 v11, v15;
	v10 =	vmul.f32 s17, v10  }
0x29d: {  	v53 =	vld [tilespmem:$0x1FDB0];
	s20 =	smul.f32 $4.522613250e-03, s20;
	s19 =	sadd.f32 $1.000000010e-01, s19;
	v8 =	vnsel vm5, $0x3F800000, v8;
	v4 =	vmul.f32 v4, v16;
	v33 =	vmul.f32 v32, v14  }
0x29e: {  	v55 =	vld [tilespmem:$0x1FDE0];
	s17 =	sadd.f32 $1.000000000e+02, s23;
	v9 =	vnsel vm3, $0x3F800000, v9;
	v12 =	vmul.f32 v13, v12;
	v41 =	vmul.f32 v10, v41  }
0x29f: {  	s20 =	sadd.f32 $1.000000010e-01, s20;
	v59 =	vld [tilespmem:$0x1FDF0];
	v48 =	vmul.f32 v10, v42;
	v49 =	vmul.f32 v10, v35;
	v4 =	vnsel vm7, $0x3F800000, v4  }
0x2a0: {  	s24 =	sadd.s32 $0x4, s18;
	v60 =	vld [tilespmem:$0x1FE20];
	v10 =	vmul.f32 v10, v47;
	s17 =	smul.f32 $4.522613250e-03, s17;
	v4 =	vmul.f32 s19, v4;
	v12 =	vnsel vm15, $0x3F800000, v12  }
0x2a1: {  	v22 =	vld [tilespmem:$0x1FDC0];
	v11 =	vnsel vm4, $0x3F800000, v11;
	v13 =	vnsel vm14, $0x3F800000, v33;
	s19 =	scvt.s32.f32 s24;
	v12 =	vmul.f32 s20, v12  }
0x2a2: {  	s25 =	sadd.s32 $0x5, s18;
	v31 =	vld [tilespmem:$0x1FE00];
	v14 =	vadd.f32 v41, v51;
	s17 =	sadd.f32 $1.000000010e-01, s17;
	v54 =	vmul.f32 v4, v37;
	v56 =	vmul.f32 v4, v34  }
0x2a3: {  	s26 =	sadd.s32 $0x6, s18;
	v30 =	vld [tilespmem:$0x1FDD0];
	v15 =	vadd.f32 v48, v52;
	s20 =	scvt.s32.f32 s25;
	v57 =	vmul.f32 v4, v27;
	v4 =	vmul.f32 v4, v45;
	s19 =	sadd.f32 $1.000000000e+02, s19  }
0x2a4: {  	v24 =	vld [tilespmem:$0x1FE10];
	v16 =	vadd.f32 v49, v53;
	v13 =	vmul.f32 s17, v13;
	s17 =	scvt.s32.f32 s26;
	v58 =	vmul.f32 v12, v29  }
0x2a5: {  	v32 =	vld [tilespmem:$0x1FD20];
	v10 =	vadd.f32 v10, v55;
	s20 =	sadd.f32 $1.000000000e+02, s20;
	v18 =	vmul.f32 v12, v59;
	v19 =	vmul.f32 v12, v60;
	s19 =	smul.f32 $4.522613250e-03, s19  }
0x2a6: {  	v61 =	vmul.f32 v12, v43;
	v29 =	vld [tilespmem:$0x1FD90];
	v14 =	vadd.f32 v54, v14;
	v16 =	vadd.f32 v57, v16;
	s17 =	sadd.f32 $1.000000000e+02, s17  }
0x2a7: {  	v35 =	vld [tilespmem:$0x1FD30];
	v15 =	vadd.f32 v56, v15;
	v4 =	vadd.f32 v4, v10;
	v23 =	vmul.f32 v13, v28;
	s20 =	smul.f32 $4.522613250e-03, s20;
	s19 =	sadd.f32 $1.000000010e-01, s19  }
0x2a8: {  	v42 =	vld [tilespmem:$0x1FD40];
	v62 =	vadd.f32 v58, v14;
	v21 =	vadd.f32 v19, v16;
	v16 =	vmul.f32 v13, v22  }
0x2a9: {  	s28 =	sadd.s32 $0x7, s18;
	v33 =	vld [tilespmem:$0x1FD60];
	v25 =	vmul.f32 v13, v39;
	v63 =	vadd.f32 v18, v15;
	s17 =	smul.f32 $4.522613250e-03, s17;
	s20 =	sadd.f32 $1.000000010e-01, s20;
	v8 =	vmul.f32 s19, v8  }
0x2aa: {  	v34 =	vld [tilespmem:$0x1FDA0];
	v18 =	vmul.f32 v13, v24;
	v4 =	vadd.f32 v61, v4;
	v12 =	vadd.f32 v16, v62;
	s19 =	scvt.s32.f32 s28  }
0x2ab: {  	s29 =	sadd.s32 $0x8, s18;
	v37 =	vld [tilespmem:$0x1FD00];
	v27 =	vadd.f32 v23, v63;
	s17 =	sadd.f32 $1.000000010e-01, s17;
	v11 =	vmul.f32 s20, v11;
	v15 =	vmul.f32 v8, v29  }
0x2ac: {  	s30 =	sadd.s32 $0x9, s18;
	v43 =	vld [tilespmem:$0x1FD70];
	v28 =	vadd.f32 v18, v21;
	s20 =	scvt.s32.f32 s29;
	v10 =	vmul.f32 v8, v30;
	v16 =	vmul.f32 v8, v31;
	s19 =	sadd.f32 $1.000000000e+02, s19  }
0x2ad: {  	v45 =	vld [tilespmem:$0x1FD10];
	v4 =	vadd.f32 v25, v4;
	v8 =	vmul.f32 v8, v32;
	v9 =	vmul.f32 s17, v9;
	s17 =	scvt.s32.f32 s30  }
0x2ae: {  	v47 =	vld [tilespmem:$0x1FCE0];
	v13 =	vmul.f32 v11, v33;
	s31 =	sadd.f32 $1.000000000e+02, s20;
	v12 =	vadd.f32 v15, v12;
	v10 =	vadd.f32 v10, v27;
	s19 =	smul.f32 $4.522613250e-03, s19  }
0x2af: {  	v14 =	vadd.f32 v16, v28;
	v15 =	vmul.f32 v11, v34;
	v16 =	vmul.f32 v11, v35;
	s17 =	sadd.f32 $1.000000000e+02, s17  }
0x2b0: {  	v52 =	vld [tilespmem:$0x1FCF0];
	v4 =	vadd.f32 v8, v4;
	v8 =	vmul.f32 v11, v37;
	s18 =	smul.f32 $4.522613250e-03, s31;
	v39 =	vadd.f32 v13, v12;
	s19 =	sadd.f32 $1.000000010e-01, s19  }
0x2b1: {  	v53 =	vld [tilespmem:$0x1FCB0];
	v41 =	vadd.f32 v16, v14;
	v13 =	vmul.f32 v9, v42;
	v14 =	vmul.f32 v9, v43  }
0x2b2: {  	v57 =	vld [tilespmem:$0x1FCD0];
	v10 =	vadd.f32 v15, v10;
	v15 =	vmul.f32 v9, v45;
	s17 =	smul.f32 $4.522613250e-03, s17;
	s18 =	sadd.f32 $1.000000010e-01, s18;
	v7 =	vmul.f32 s19, v7  }
0x2b3: {  	v58 =	vld [tilespmem:$0x1FCA0];
	v4 =	vadd.f32 v8, v4;
	v8 =	vmul.f32 v9, v47;
	v48 =	vadd.f32 v13, v39  }
0x2b4: {  	v10 =	vadd.f32 v14, v10;
	s17 =	sadd.f32 $1.000000010e-01, s17;
	v6 =	vmul.f32 s18, v6;
	v50 =	vmul.f32 v7, v44  }
0x2b5: {  	v49 =	vadd.f32 v15, v41;
	v51 =	vmul.f32 v7, v46;
	v13 =	vmul.f32 v7, v52  }
0x2b6: {  	v60 =	vld [tilespmem:$0x1FCC0];
	v4 =	vadd.f32 v8, v4;
	v7 =	vmul.f32 v7, v53;
	v5 =	vmul.f32 s17, v5  }
0x2b7: {  	v61 =	vld [tilespmem:$0x1FC90];
	v54 =	vmul.f32 v6, v38;
	v55 =	vmul.f32 v6, v40;
	v9 =	vadd.f32 v50, v48  }
0x2b8: {  	v12 =	vmul.f32 v6, v57;
	v6 =	vmul.f32 v6, v58;
	v8 =	vadd.f32 v51, v10  }
0x2b9: {  	v11 =	vadd.f32 v13, v49;
	v56 =	vmul.f32 v5, v26;
	v9 =	vadd.f32 v54, v9  }
0x2ba: {  	v4 =	vadd.f32 v7, v4;
	v59 =	vmul.f32 v5, v36;
	v7 =	vadd.f32 v55, v8  }
0x2bb: {  	s15 =	sshll.u32 s15, $0x6;
	p0 =	sne.s32 s16, $0x80;
	v10 =	vmul.f32 v5, v60;
	v11 =	vadd.f32 v12, v11;
	v9 =	vadd.f32 v56, v9  }
.Ltmp2:
0x2bc: {  	s15 =	sand.u32 $0x3FFFFFC0, s15;
	v5 =	vmul.f32 v5, v61;
	v4 =	vadd.f32 v6, v4;
	v62 =	vadd.f32 v59, v7;
	(pc) =	sbr.rel @p0 .LBB2_2-.Ltmp2, $4  }
0x2bd: {  	v63 =	vadd.f32 v10, v11;
	[tilespmem:s15+$0x9A00] =	vst v9  }
0x2be: {  	v4 =	vadd.f32 v5, v4;
	[tilespmem:s15+$0x9A10] =	vst v62  }
0x2bf: {  	[tilespmem:s15+$0x9A20] =	vst v63  }
0x2c0: {  	[tilespmem:s15+$0x9A30] =	vst v4;
	s15 =	smov.u32 s16  }
0x2c1: {  	s14 =	sadd.s32 $0x1, s14  }
0x2c2: {  	p0 =	sne.s32 s14, s6  }
.Ltmp3:
0x2c3: {  	_ = 	snop;
	(pc) =	sbr.rel @p0 .LBB2_1-.Ltmp3, $4  }
0x2c4: {  	[hbm4b:s5+s2] =	stream.linear.scatter [tilespmem:s13], [sflag:$0x3], $0x2000, $0x38;
	[tilespmem:$0xBA00] =	vst v63  }
0x2c5: {  	_ =	swait.ge [sflag:s7], $0x2000  }
0x2c6: {  	[sflag:s7] =	ssyncset.done $0x0  }
0x2c7: {  	[sflag:s7] =	ssyncadd.s32 $0xFFFFE000  }
0x2c8: {  	_ =	sfence.sel $0x180000  }
0x2c9: {  	[bflag:$0x0] =	sbarrier.arrive $0xFFFF  }
0x2ca: {  	p0 =	sne.s32 s0, $0x0;
	_ =	strace $0x90000047  }
0x2cb: {  	s0 =	sadd.s32 @!p0 $0x100000, s1;
	[bflag:$0x2] =	sbarrier.arrive $0xFFFF  }
0x2cc: {  	[sflag:s0] =	ssyncadd.tile.s32 @!p0 $0x1;
	_ =	shalt  }
.Lfunc_end2:
_tile_overlayer_lowered:
.L_overlay_start_2:
0x2cd: {  	(tag) =	ssettag $0x2  }
0x2ce: {  	s0 =	rddreg [dreg:$0x0];
	s2 =	stileid.u32  }
0x2cf: {  	s1 =	rddreg [dreg:$0x1];
	p0 =	sne.s32 s2, $0x0  }
0x2d0: {  	s3 =	rddreg [dreg:$0x2];
	[bflag:$0x3] =	sbarrier.arrive $0xFFFF;
	s2 =	simm.s32 @!p0 $0x1C03  }
0x2d1: {  	[timem:s3], [sflag:s2] =	dma.local @!p0 [hbm:s0], s1  }
0x2d2: {  	s0 =	simm.s32 @!p0 $0x3  }
0x2d3: {  	_ =	swait.ge @!p0 [sflag:s0], s1  }
0x2d4: {  	s1 =	ssub.s32 @!p0 $0x0, s1;
	[sflag:s0] =	ssyncset.done @!p0 $0x0  }
0x2d5: {  	[sflag:s0] =	ssyncadd.s32 @!p0 s1  }
0x2d6: {  	[bflag:$0x3] =	sbarrier.arrive $0xFFFF  }
0x2d7: {  	_ =	shalt  }

</sc_bundles>
